<compile_context>
chip_gen: v7x
topology: tpu7x:2x2x1
jax: 0.10.2.dev20260603
libtpu: 0.0.44.dev20260713+nightly
codegen_flags: <defaults>
</compile_context>

<pallas_src>
import functools

import jax
import jax.numpy as jnp
from jax import lax
from jax.experimental import pallas as pl
from jax.experimental.pallas import tpu as pltpu
from jax.experimental.pallas import tpu_sc as plsc

N = 10000
E = 320000
D_IN = 128
H = 256
C = 40

_INFO = plsc.get_sparse_core_info()
NC, NS = _INFO.num_cores, _INFO.num_subcores

NPAD = 10240
ROWS_PER_TILE = NPAD // NS
EDGES_PER_TILE = E // (NC * NS)
CHUNK = 40
NCHUNKS = EDGES_PER_TILE // CHUNK
NBUF = 5
NGROUPS = NCHUNKS // NBUF
DEG_CHUNK = 80
DEG_NCHUNKS = EDGES_PER_TILE // DEG_CHUNK
DEG_NBUF = 5

_MESH = plsc.VectorSubcoreMesh(core_axis_name="c", subcore_axis_name="s")


@functools.partial(
    pl.kernel,
    out_type=jax.ShapeDtypeStruct((NC, NPAD), jnp.float32),
    mesh=_MESH,
    scratch_types=[
        [pltpu.VMEM((DEG_CHUNK,), jnp.int32) for _ in range(DEG_NBUF)],
        pltpu.VMEM((DEG_CHUNK,), jnp.float32),
        pltpu.VMEM_SHARED((NPAD,), jnp.float32),
        pltpu.SemaphoreType.DMA((DEG_NBUF,)),
        pltpu.SemaphoreType.DMA((DEG_NBUF,)),
    ],
)
def _deg_kernel(eif_hbm, zeros_hbm, ones_hbm, deg_out, dbufs, ones_v,
                deg_sh, isem, ssem):
    cid = lax.axis_index("c")
    sid = lax.axis_index("s")
    r0 = sid * ROWS_PER_TILE
    tid = cid * NS + sid
    ebase = E + tid * EDGES_PER_TILE
    pltpu.sync_copy(zeros_hbm, deg_sh.at[pl.ds(r0, ROWS_PER_TILE)])
    pltpu.sync_copy(ones_hbm, ones_v)
    plsc.subcore_barrier()

    def fire(i, b):
        pltpu.async_copy(eif_hbm.at[pl.ds(ebase + i * DEG_CHUNK, DEG_CHUNK)],
                         dbufs[b], isem.at[b])

    def visit(i, b, fire_next):
        pltpu.make_async_copy(eif_hbm.at[pl.ds(ebase, DEG_CHUNK)],
                              dbufs[b], isem.at[b]).wait()
        pltpu.async_copy(ones_v, deg_sh.at[dbufs[b]], ssem.at[b], add=True)
        if fire_next:
            pltpu.make_async_copy(ones_v, deg_sh.at[dbufs[b]],
                                  ssem.at[b]).wait()
            fire(i + NBUF, b)

    def dvisit(i, b, fire_next):
        visit(i, b, fire_next)

    for b in range(DEG_NBUF):
        fire(b, b)

    ngroups = DEG_NCHUNKS // DEG_NBUF
    ntail = DEG_NCHUNKS - ngroups * DEG_NBUF

    @pl.loop(0, ngroups - 1)
    def _(g):
        i0 = g * DEG_NBUF
        for b in range(DEG_NBUF):
            dvisit(i0 + b, b, True)

    last = (ngroups - 1) * DEG_NBUF
    for k in range(DEG_NBUF + ntail):
        i = last + k
        dvisit(i, i % DEG_NBUF, i + DEG_NBUF < DEG_NCHUNKS)
    for b in range(DEG_NBUF):
        pltpu.make_async_copy(ones_v, deg_sh.at[dbufs[b]],
                              ssem.at[b]).wait()

    plsc.subcore_barrier()
    pltpu.sync_copy(deg_sh.at[pl.ds(r0, ROWS_PER_TILE)],
                    deg_out.at[cid, pl.ds(r0, ROWS_PER_TILE)])


@functools.partial(
    pl.kernel,
    out_type=jax.ShapeDtypeStruct((NC, NPAD, D_IN), jnp.float32),
    mesh=_MESH,
    scratch_types=[
        pltpu.VMEM((EDGES_PER_TILE,), jnp.int32),
        [pltpu.VMEM((CHUNK,), jnp.int32) for _ in range(NBUF)],
        pltpu.VMEM((NBUF, CHUNK, D_IN), jnp.float32),
        pltpu.VMEM_SHARED((NPAD, D_IN), jnp.float32),
        pltpu.SemaphoreType.DMA((NBUF,)),
        pltpu.SemaphoreType.DMA((NBUF,)),
        pltpu.SemaphoreType.DMA((NBUF,)),
    ],
)
def _agg_kernel(u_hbm, eif_hbm, zrows_hbm, z_out,
                sidx, dbufs, rows, z_sh, gsem, ssem, isem):
    cid = lax.axis_index("c")
    sid = lax.axis_index("s")
    r0 = sid * ROWS_PER_TILE
    tid = cid * NS + sid
    sbase = tid * EDGES_PER_TILE
    dbase = E + tid * EDGES_PER_TILE
    pltpu.sync_copy(zrows_hbm, z_sh.at[pl.ds(r0, ROWS_PER_TILE)])
    pltpu.sync_copy(eif_hbm.at[pl.ds(sbase, EDGES_PER_TILE)], sidx)
    plsc.subcore_barrier()

    def fire(i, b):
        pltpu.async_copy(u_hbm.at[sidx.at[pl.ds(i * CHUNK, CHUNK)]],
                         rows.at[b], gsem.at[b])
        pltpu.async_copy(eif_hbm.at[pl.ds(dbase + i * CHUNK, CHUNK)],
                         dbufs[b], isem.at[b])

    def visit(i, b, fire_next):
        pltpu.make_async_copy(eif_hbm.at[pl.ds(dbase, CHUNK)],
                              dbufs[b], isem.at[b]).wait()
        pltpu.make_async_copy(u_hbm.at[sidx.at[pl.ds(0, CHUNK)]],
                              rows.at[b], gsem.at[b]).wait()
        pltpu.async_copy(rows.at[b], z_sh.at[dbufs[b]], ssem.at[b],
                         add=True)
        if fire_next:
            pltpu.make_async_copy(rows.at[b], z_sh.at[dbufs[b]],
                                  ssem.at[b]).wait()
            fire(i + NBUF, b)

    for b in range(NBUF):
        fire(b, b)

    @pl.loop(0, NGROUPS - 1)
    def _(g):
        i0 = g * NBUF
        for b in range(NBUF):
            visit(i0 + b, b, True)

    last = (NGROUPS - 1) * NBUF
    for b in range(NBUF):
        visit(last + b, b, False)
    for b in range(NBUF):
        pltpu.make_async_copy(rows.at[b], z_sh.at[dbufs[b]],
                              ssem.at[b]).wait()

    plsc.subcore_barrier()
    pltpu.sync_copy(z_sh.at[pl.ds(r0, ROWS_PER_TILE)],
                    z_out.at[cid, pl.ds(r0, ROWS_PER_TILE)])


_ROWBLK = 2048


def _scale_body(degp_ref, x_ref, u_ref, dinv_ref):
    deg = degp_ref[0, :] + degp_ref[1, :] + 1.0
    y = lax.rsqrt(deg)
    y = y * (1.5 - 0.5 * deg * y * y)
    dinv = y[:, None]
    dinv_ref[...] = dinv
    u_ref[...] = x_ref[...] * dinv


def _scale(degp, x):
    grid = (NPAD // _ROWBLK,)
    return pl.pallas_call(
        _scale_body,
        grid=grid,
        in_specs=[
            pl.BlockSpec((NC, _ROWBLK), lambda i: (0, i)),
            pl.BlockSpec((_ROWBLK, D_IN), lambda i: (i, 0)),
        ],
        out_specs=[
            pl.BlockSpec((_ROWBLK, D_IN), lambda i: (i, 0)),
            pl.BlockSpec((_ROWBLK, 1), lambda i: (i, 0)),
        ],
        out_shape=[
            jax.ShapeDtypeStruct((N, D_IN), jnp.float32),
            jax.ShapeDtypeStruct((N, 1), jnp.float32),
        ],
    )(degp, x)


def _dense_body(z_ref, u_ref, dinv_ref, w1_ref, b1_ref, w2_ref, b2_ref,
                out_ref):
    zsum = z_ref[0] + z_ref[1] + u_ref[...]
    y = zsum * dinv_ref[...]
    h = jnp.dot(y, w1_ref[...], preferred_element_type=jnp.float32)
    h = jnp.maximum(h + b1_ref[...], 0.0)
    o = jnp.dot(h, w2_ref[...], preferred_element_type=jnp.float32)
    o = o + b2_ref[...]
    m = jnp.max(o, axis=1, keepdims=True)
    lse = jnp.log(jnp.sum(jnp.exp(o - m), axis=1, keepdims=True)) + m
    out_ref[...] = o - lse


def _dense(zp, u, dinv, w1, b1, w2, b2):
    grid = (NPAD // _ROWBLK,)
    return pl.pallas_call(
        _dense_body,
        grid=grid,
        in_specs=[
            pl.BlockSpec((NC, _ROWBLK, D_IN), lambda i: (0, i, 0)),
            pl.BlockSpec((_ROWBLK, D_IN), lambda i: (i, 0)),
            pl.BlockSpec((_ROWBLK, 1), lambda i: (i, 0)),
            pl.BlockSpec((D_IN, H), lambda i: (0, 0)),
            pl.BlockSpec((1, H), lambda i: (0, 0)),
            pl.BlockSpec((H, C), lambda i: (0, 0)),
            pl.BlockSpec((1, C), lambda i: (0, 0)),
        ],
        out_specs=pl.BlockSpec((_ROWBLK, C), lambda i: (i, 0)),
        out_shape=jax.ShapeDtypeStruct((N, C), jnp.float32),
    )(zp, u, dinv, w1, b1, w2, b2)


def kernel(x, edge_index, w1, b1, w2, b2):
    eif = edge_index.reshape(2 * E)
    zeros_deg = jnp.zeros((ROWS_PER_TILE,), jnp.float32)
    ones_chunk = jnp.ones((DEG_CHUNK,), jnp.float32)
    zeros_rows = jnp.zeros((ROWS_PER_TILE, D_IN), jnp.float32)

    degp = _deg_kernel(eif, zeros_deg, ones_chunk)
    u, dinv = _scale(degp, x)
    zp = _agg_kernel(u, eif, zeros_rows)
    return _dense(zp, u, dinv, w1, b1.reshape(1, H), w2, b2.reshape(1, C))

# --- scband reference (transcript-rebuilt; emitter-appended) ---
"""Pipeline reference for scband-gcn-463856468484 (READ-ONLY COPY).

The authoritative reference and input builder live on the scoring server;
editing this copy changes nothing except your own understanding.
"""

import jax, jax.numpy as jnp
import numpy as np

N = 10000
E = 320000
D_IN = 128
H = 256
C = 40


def setup_inputs(seed: int = 0) -> dict:
    key = jax.random.key(seed)
    ks = jax.random.split(key, 6)
    x = jax.random.normal(ks[0], (N, D_IN), dtype=jnp.float32)
    edge_index = jax.random.randint(ks[1], (2, E), 0, N, dtype=jnp.int32)
    # GCNConv(128 -> 256) weight/bias (glorot-ish init) and Linear(256 -> 40)
    w1 = jax.random.normal(ks[2], (D_IN, H), dtype=jnp.float32) * (1.0 / np.sqrt(D_IN))
    b1 = jnp.zeros((H,), dtype=jnp.float32)
    w2 = jax.random.normal(ks[3], (H, C), dtype=jnp.float32) * (1.0 / np.sqrt(H))
    b2 = jnp.zeros((C,), dtype=jnp.float32)
    return {"x": x, "edge_index": edge_index, "w1": w1, "b1": b1, "w2": w2, "b2": b2}


def gcn_conv(x, edge_index, w, b):
    # Faithful PyG GCNConv: linear transform, add self-loops, symmetric normalization,
    # scatter-add aggregation by destination node, then bias.
    n = x.shape[0]
    h = x @ w
    loop = jnp.arange(n, dtype=edge_index.dtype)
    src = jnp.concatenate([edge_index[0], loop])
    dst = jnp.concatenate([edge_index[1], loop])
    deg = jnp.zeros((n,), dtype=h.dtype).at[dst].add(1.0)
    dinv = jnp.where(deg > 0, deg ** -0.5, 0.0)
    norm = dinv[src] * dinv[dst]
    msg = h[src] * norm[:, None]
    out = jnp.zeros_like(h).at[dst].add(msg)
    return out + b


def reference(x, edge_index, w1, b1, w2, b2):
    # n_conv=1, n_linear=1 path of GCN.forward (eval mode: dropout = identity)
    h = gcn_conv(x, edge_index, w1, b1)
    h = jax.nn.relu(h)
    h = h @ w2 + b2
    return jax.nn.log_softmax(h, axis=1)

if __name__ == "__main__":
    import jax
    _d = setup_inputs()
    print(jax.jit(kernel)(*tuple(_d.values())))

</pallas_src>

<mosaic_0001>
#map = affine_map<(d0, d1) -> (0)>
#map1 = affine_map<(d0, d1) -> (0, 0)>
module attributes {stable_mosaic.version = 14 : i64} {
  func.func @_deg_kernel(%arg0: i32, %arg1: i32, %arg2: memref<640000xi32, #tpu.memory_space<hbm>>, %arg3: memref<640xf32, #tpu.memory_space<hbm>>, %arg4: memref<80xf32, #tpu.memory_space<hbm>>, %arg5: memref<2x10240xf32, #tpu.memory_space<hbm>>, %arg6: memref<80xi32, #tpu.memory_space<vmem>>, %arg7: memref<80xi32, #tpu.memory_space<vmem>>, %arg8: memref<80xi32, #tpu.memory_space<vmem>>, %arg9: memref<80xi32, #tpu.memory_space<vmem>>, %arg10: memref<80xi32, #tpu.memory_space<vmem>>, %arg11: memref<80xf32, #tpu.memory_space<vmem>>, %arg12: memref<10240xf32, #tpu.memory_space<vmem_shared>>, %arg13: memref<5x!tpu.dma_semaphore, #tpu.memory_space<semaphore_mem>>, %arg14: memref<5x!tpu.dma_semaphore, #tpu.memory_space<semaphore_mem>>) attributes {dimension_semantics = [#tpu.dimension_semantics<core_parallel>, #tpu.dimension_semantics<subcore_parallel>], iteration_bounds = array<i64: 2, 16>, scalar_prefetch = 0 : i64, scratch_operands = 9 : i64, tpu.core_type = #tpu.core_type<sc_vector_subcore>, window_params = [{transform_indices = #map}, {transform_indices = #map}, {transform_indices = #map}, {transform_indices = #map1}]} {
    %mul3A = arith.constant 640 : i32
    %mul3A_0 = arith.muli %arg1, %mul3A : i32
    %mul3A_1 = arith.constant 16 : i32
    %mul3A_2 = arith.muli %arg0, %mul3A_1 : i32
    %add3A = arith.addi %mul3A_2, %arg1 : i32
    %mul3A_3 = arith.constant 10000 : i32
    %mul3A_4 = arith.muli %add3A, %mul3A_3 : i32
    %add3A_5 = arith.constant 320000 : i32
    %add3A_6 = arith.addi %add3A_5, %mul3A_4 : i32
    "tpu.region"() ({
      %run_scoped3A = tpu.sem_alloc : memref<!tpu.dma_semaphore, #tpu.memory_space<semaphore_mem>>
      %dma_start3A_120 = tpu.memref_slice %arg12[%mul3A_0] : memref<10240xf32, #tpu.memory_space<vmem_shared>> -> memref<640xf32, #tpu.memory_space<vmem_shared>>
      tpu.enqueue_dma source(%arg3 : memref<640xf32, #tpu.memory_space<hbm>>) target(%dma_start3A_120 : memref<640xf32, #tpu.memory_space<vmem_shared>>) target_semaphore(%run_scoped3A : memref<!tpu.dma_semaphore, #tpu.memory_space<semaphore_mem>>)
      %dma_wait3A_121 = tpu.memref_slice %arg12[%mul3A_0] : memref<10240xf32, #tpu.memory_space<vmem_shared>> -> memref<640xf32, #tpu.memory_space<vmem_shared>>
      tpu.wait_dma2 semaphore(%run_scoped3A : memref<!tpu.dma_semaphore, #tpu.memory_space<semaphore_mem>>) src(%arg3 : memref<640xf32, #tpu.memory_space<hbm>>) dst(%dma_wait3A_121 : memref<640xf32, #tpu.memory_space<vmem_shared>>)
      tpu.yield
    }) : () -> ()
    "tpu.region"() ({
      %run_scoped3A = tpu.sem_alloc : memref<!tpu.dma_semaphore, #tpu.memory_space<semaphore_mem>>
      tpu.enqueue_dma source(%arg4 : memref<80xf32, #tpu.memory_space<hbm>>) target(%arg11 : memref<80xf32, #tpu.memory_space<vmem>>) target_semaphore(%run_scoped3A : memref<!tpu.dma_semaphore, #tpu.memory_space<semaphore_mem>>)
      tpu.wait_dma2 semaphore(%run_scoped3A : memref<!tpu.dma_semaphore, #tpu.memory_space<semaphore_mem>>) src(%arg4 : memref<80xf32, #tpu.memory_space<hbm>>) dst(%arg11 : memref<80xf32, #tpu.memory_space<vmem>>)
      tpu.yield
    }) : () -> ()
    %barrier3A = arith.constant 0 : index
    tpu.barrier barrier_id(%barrier3A)
    %add3A_7 = arith.constant 0 : i32
    %add3A_8 = arith.addi %add3A_6, %add3A_7 : i32
    %dma_start3A = arith.constant 0 : i32
    %dma_start3A_9 = tpu.memref_slice %arg2[%add3A_8] : memref<640000xi32, #tpu.memory_space<hbm>> -> memref<80xi32, #tpu.memory_space<hbm>>
    %dma_start3A_10 = tpu.memref_slice %arg13[%dma_start3A] : memref<5x!tpu.dma_semaphore, #tpu.memory_space<semaphore_mem>> -> memref<1x!tpu.dma_semaphore, #tpu.memory_space<semaphore_mem>>
    %dma_start3A_11 = tpu.memref_squeeze %dma_start3A_10 : memref<1x!tpu.dma_semaphore, #tpu.memory_space<semaphore_mem>> -> memref<!tpu.dma_semaphore, #tpu.memory_space<semaphore_mem>>
    %dma_start3A_12 = tpu.memref_slice %arg2[%add3A_8] : memref<640000xi32, #tpu.memory_space<hbm>> -> memref<80xi32, #tpu.memory_space<hbm>>
    tpu.enqueue_dma source(%dma_start3A_12 : memref<80xi32, #tpu.memory_space<hbm>>) target(%arg6 : memref<80xi32, #tpu.memory_space<vmem>>) target_semaphore(%dma_start3A_11 : memref<!tpu.dma_semaphore, #tpu.memory_space<semaphore_mem>>)
    %add3A_13 = arith.constant 80 : i32
    %add3A_14 = arith.addi %add3A_6, %add3A_13 : i32
    %dma_start3A_15 = arith.constant 1 : i32
    %dma_start3A_16 = tpu.memref_slice %arg2[%add3A_14] : memref<640000xi32, #tpu.memory_space<hbm>> -> memref<80xi32, #tpu.memory_space<hbm>>
    %dma_start3A_17 = tpu.memref_slice %arg13[%dma_start3A_15] : memref<5x!tpu.dma_semaphore, #tpu.memory_space<semaphore_mem>> -> memref<1x!tpu.dma_semaphore, #tpu.memory_space<semaphore_mem>>
    %dma_start3A_18 = tpu.memref_squeeze %dma_start3A_17 : memref<1x!tpu.dma_semaphore, #tpu.memory_space<semaphore_mem>> -> memref<!tpu.dma_semaphore, #tpu.memory_space<semaphore_mem>>
    %dma_start3A_19 = tpu.memref_slice %arg2[%add3A_14] : memref<640000xi32, #tpu.memory_space<hbm>> -> memref<80xi32, #tpu.memory_space<hbm>>
    tpu.enqueue_dma source(%dma_start3A_19 : memref<80xi32, #tpu.memory_space<hbm>>) target(%arg7 : memref<80xi32, #tpu.memory_space<vmem>>) target_semaphore(%dma_start3A_18 : memref<!tpu.dma_semaphore, #tpu.memory_space<semaphore_mem>>)
    %add3A_20 = arith.constant 160 : i32
    %add3A_21 = arith.addi %add3A_6, %add3A_20 : i32
    %dma_start3A_22 = arith.constant 2 : i32
    %dma_start3A_23 = tpu.memref_slice %arg2[%add3A_21] : memref<640000xi32, #tpu.memory_space<hbm>> -> memref<80xi32, #tpu.memory_space<hbm>>
    %dma_start3A_24 = tpu.memref_slice %arg13[%dma_start3A_22] : memref<5x!tpu.dma_semaphore, #tpu.memory_space<semaphore_mem>> -> memref<1x!tpu.dma_semaphore, #tpu.memory_space<semaphore_mem>>
    %dma_start3A_25 = tpu.memref_squeeze %dma_start3A_24 : memref<1x!tpu.dma_semaphore, #tpu.memory_space<semaphore_mem>> -> memref<!tpu.dma_semaphore, #tpu.memory_space<semaphore_mem>>
    %dma_start3A_26 = tpu.memref_slice %arg2[%add3A_21] : memref<640000xi32, #tpu.memory_space<hbm>> -> memref<80xi32, #tpu.memory_space<hbm>>
    tpu.enqueue_dma source(%dma_start3A_26 : memref<80xi32, #tpu.memory_space<hbm>>) target(%arg8 : memref<80xi32, #tpu.memory_space<vmem>>) target_semaphore(%dma_start3A_25 : memref<!tpu.dma_semaphore, #tpu.memory_space<semaphore_mem>>)
    %add3A_27 = arith.constant 240 : i32
    %add3A_28 = arith.addi %add3A_6, %add3A_27 : i32
    %dma_start3A_29 = arith.constant 3 : i32
    %dma_start3A_30 = tpu.memref_slice %arg2[%add3A_28] : memref<640000xi32, #tpu.memory_space<hbm>> -> memref<80xi32, #tpu.memory_space<hbm>>
    %dma_start3A_31 = tpu.memref_slice %arg13[%dma_start3A_29] : memref<5x!tpu.dma_semaphore, #tpu.memory_space<semaphore_mem>> -> memref<1x!tpu.dma_semaphore, #tpu.memory_space<semaphore_mem>>
    %dma_start3A_32 = tpu.memref_squeeze %dma_start3A_31 : memref<1x!tpu.dma_semaphore, #tpu.memory_space<semaphore_mem>> -> memref<!tpu.dma_semaphore, #tpu.memory_space<semaphore_mem>>
    %dma_start3A_33 = tpu.memref_slice %arg2[%add3A_28] : memref<640000xi32, #tpu.memory_space<hbm>> -> memref<80xi32, #tpu.memory_space<hbm>>
    tpu.enqueue_dma source(%dma_start3A_33 : memref<80xi32, #tpu.memory_space<hbm>>) target(%arg9 : memref<80xi32, #tpu.memory_space<vmem>>) target_semaphore(%dma_start3A_32 : memref<!tpu.dma_semaphore, #tpu.memory_space<semaphore_mem>>)
    %add3A_34 = arith.constant 320 : i32
    %add3A_35 = arith.addi %add3A_6, %add3A_34 : i32
    %dma_start3A_36 = arith.constant 4 : i32
    %dma_start3A_37 = tpu.memref_slice %arg2[%add3A_35] : memref<640000xi32, #tpu.memory_space<hbm>> -> memref<80xi32, #tpu.memory_space<hbm>>
    %dma_start3A_38 = tpu.memref_slice %arg13[%dma_start3A_36] : memref<5x!tpu.dma_semaphore, #tpu.memory_space<semaphore_mem>> -> memref<1x!tpu.dma_semaphore, #tpu.memory_space<semaphore_mem>>
    %dma_start3A_39 = tpu.memref_squeeze %dma_start3A_38 : memref<1x!tpu.dma_semaphore, #tpu.memory_space<semaphore_mem>> -> memref<!tpu.dma_semaphore, #tpu.memory_space<semaphore_mem>>
    %dma_start3A_40 = tpu.memref_slice %arg2[%add3A_35] : memref<640000xi32, #tpu.memory_space<hbm>> -> memref<80xi32, #tpu.memory_space<hbm>>
    tpu.enqueue_dma source(%dma_start3A_40 : memref<80xi32, #tpu.memory_space<hbm>>) target(%arg10 : memref<80xi32, #tpu.memory_space<vmem>>) target_semaphore(%dma_start3A_39 : memref<!tpu.dma_semaphore, #tpu.memory_space<semaphore_mem>>)
    %scan3A = arith.constant 0 : i32
    %scan3A_41 = arith.constant 24 : i32
    %scan3A_42 = arith.addi %scan3A, %scan3A_41 : i32
    %scan3A_43 = arith.constant 1 : i32
    scf.for %scan3A_120 = %scan3A to %scan3A_42 step %scan3A_43  : i32 {
      %mul3A_121 = arith.constant 1 : i32
      %mul3A_122 = arith.muli %scan3A_120, %mul3A_121 : i32
      %add3A_123 = arith.constant 0 : i32
      %add3A_124 = arith.addi %add3A_123, %mul3A_122 : i32
      %mul3A_125 = arith.constant 5 : i32
      %mul3A_126 = arith.muli %add3A_124, %mul3A_125 : i32
      %add3A_127 = arith.constant 0 : i32
      %add3A_128 = arith.addi %mul3A_126, %add3A_127 : i32
      %dma_wait3A_129 = arith.constant 0 : i32
      %dma_wait3A_130 = tpu.memref_slice %arg2[%add3A_6] : memref<640000xi32, #tpu.memory_space<hbm>> -> memref<80xi32, #tpu.memory_space<hbm>>
      %dma_wait3A_131 = tpu.memref_slice %arg13[%dma_wait3A_129] : memref<5x!tpu.dma_semaphore, #tpu.memory_space<semaphore_mem>> -> memref<1x!tpu.dma_semaphore, #tpu.memory_space<semaphore_mem>>
      %dma_wait3A_132 = tpu.memref_squeeze %dma_wait3A_131 : memref<1x!tpu.dma_semaphore, #tpu.memory_space<semaphore_mem>> -> memref<!tpu.dma_semaphore, #tpu.memory_space<semaphore_mem>>
      %dma_wait3A_133 = tpu.memref_slice %arg2[%add3A_6] : memref<640000xi32, #tpu.memory_space<hbm>> -> memref<80xi32, #tpu.memory_space<hbm>>
      tpu.wait_dma2 semaphore(%dma_wait3A_132 : memref<!tpu.dma_semaphore, #tpu.memory_space<semaphore_mem>>) src(%dma_wait3A_133 : memref<80xi32, #tpu.memory_space<hbm>>) dst(%arg6 : memref<80xi32, #tpu.memory_space<vmem>>)
      %dma_start3A_134 = arith.constant 0 : i32
      %dma_start3A_135 = arith.constant 0 : i32
      %dma_start3A_136 = tpu.memref_slice %arg12[%dma_start3A_135] : memref<10240xf32, #tpu.memory_space<vmem_shared>> -> memref<10240xf32, #tpu.memory_space<vmem_shared>>
      %dma_start3A_137 = tpu.memref_slice %arg14[%dma_start3A_134] : memref<5x!tpu.dma_semaphore, #tpu.memory_space<semaphore_mem>> -> memref<1x!tpu.dma_semaphore, #tpu.memory_space<semaphore_mem>>
      %dma_start3A_138 = tpu.memref_squeeze %dma_start3A_137 : memref<1x!tpu.dma_semaphore, #tpu.memory_space<semaphore_mem>> -> memref<!tpu.dma_semaphore, #tpu.memory_space<semaphore_mem>>
      tpu.enqueue_indirect_dma source(%arg11 : memref<80xf32, #tpu.memory_space<vmem>>) target(%dma_start3A_136 : memref<10240xf32, #tpu.memory_space<vmem_shared>>) offsets(%arg6 : memref<80xi32, #tpu.memory_space<vmem>>) semaphore(%dma_start3A_138 : memref<!tpu.dma_semaphore, #tpu.memory_space<semaphore_mem>>) {add = true}
      %dma_wait3A_139 = arith.constant 0 : i32
      %dma_wait3A_140 = arith.constant 0 : i32
      %dma_wait3A_141 = tpu.memref_slice %arg12[%dma_wait3A_140] : memref<10240xf32, #tpu.memory_space<vmem_shared>> -> memref<10240xf32, #tpu.memory_space<vmem_shared>>
      %dma_wait3A_142 = tpu.memref_slice %arg14[%dma_wait3A_139] : memref<5x!tpu.dma_semaphore, #tpu.memory_space<semaphore_mem>> -> memref<1x!tpu.dma_semaphore, #tpu.memory_space<semaphore_mem>>
      %dma_wait3A_143 = tpu.memref_squeeze %dma_wait3A_142 : memref<1x!tpu.dma_semaphore, #tpu.memory_space<semaphore_mem>> -> memref<!tpu.dma_semaphore, #tpu.memory_space<semaphore_mem>>
      tpu.wait_indirect_dma semaphore(%dma_wait3A_143 : memref<!tpu.dma_semaphore, #tpu.memory_space<semaphore_mem>>) src(%arg11 : memref<80xf32, #tpu.memory_space<vmem>>) dst(%dma_wait3A_141 : memref<10240xf32, #tpu.memory_space<vmem_shared>>)
      %add3A_144 = arith.constant 5 : i32
      %add3A_145 = arith.addi %add3A_128, %add3A_144 : i32
      %mul3A_146 = arith.constant 80 : i32
      %mul3A_147 = arith.muli %add3A_145, %mul3A_146 : i32
      %add3A_148 = arith.addi %add3A_6, %mul3A_147 : i32
      %dma_start3A_149 = arith.constant 0 : i32
      %dma_start3A_150 = tpu.memref_slice %arg2[%add3A_148] : memref<640000xi32, #tpu.memory_space<hbm>> -> memref<80xi32, #tpu.memory_space<hbm>>
      %dma_start3A_151 = tpu.memref_slice %arg13[%dma_start3A_149] : memref<5x!tpu.dma_semaphore, #tpu.memory_space<semaphore_mem>> -> memref<1x!tpu.dma_semaphore, #tpu.memory_space<semaphore_mem>>
      %dma_start3A_152 = tpu.memref_squeeze %dma_start3A_151 : memref<1x!tpu.dma_semaphore, #tpu.memory_space<semaphore_mem>> -> memref<!tpu.dma_semaphore, #tpu.memory_space<semaphore_mem>>
      %dma_start3A_153 = tpu.memref_slice %arg2[%add3A_148] : memref<640000xi32, #tpu.memory_space<hbm>> -> memref<80xi32, #tpu.memory_space<hbm>>
      tpu.enqueue_dma source(%dma_start3A_153 : memref<80xi32, #tpu.memory_space<hbm>>) target(%arg6 : memref<80xi32, #tpu.memory_space<vmem>>) target_semaphore(%dma_start3A_152 : memref<!tpu.dma_semaphore, #tpu.memory_space<semaphore_mem>>)
      %add3A_154 = arith.constant 1 : i32
      %add3A_155 = arith.addi %mul3A_126, %add3A_154 : i32
      %dma_wait3A_156 = arith.constant 1 : i32
      %dma_wait3A_157 = tpu.memref_slice %arg2[%add3A_6] : memref<640000xi32, #tpu.memory_space<hbm>> -> memref<80xi32, #tpu.memory_space<hbm>>
      %dma_wait3A_158 = tpu.memref_slice %arg13[%dma_wait3A_156] : memref<5x!tpu.dma_semaphore, #tpu.memory_space<semaphore_mem>> -> memref<1x!tpu.dma_semaphore, #tpu.memory_space<semaphore_mem>>
      %dma_wait3A_159 = tpu.memref_squeeze %dma_wait3A_158 : memref<1x!tpu.dma_semaphore, #tpu.memory_space<semaphore_mem>> -> memref<!tpu.dma_semaphore, #tpu.memory_space<semaphore_mem>>
      %dma_wait3A_160 = tpu.memref_slice %arg2[%add3A_6] : memref<640000xi32, #tpu.memory_space<hbm>> -> memref<80xi32, #tpu.memory_space<hbm>>
      tpu.wait_dma2 semaphore(%dma_wait3A_159 : memref<!tpu.dma_semaphore, #tpu.memory_space<semaphore_mem>>) src(%dma_wait3A_160 : memref<80xi32, #tpu.memory_space<hbm>>) dst(%arg7 : memref<80xi32, #tpu.memory_space<vmem>>)
      %dma_start3A_161 = arith.constant 1 : i32
      %dma_start3A_162 = arith.constant 0 : i32
      %dma_start3A_163 = tpu.memref_slice %arg12[%dma_start3A_162] : memref<10240xf32, #tpu.memory_space<vmem_shared>> -> memref<10240xf32, #tpu.memory_space<vmem_shared>>
      %dma_start3A_164 = tpu.memref_slice %arg14[%dma_start3A_161] : memref<5x!tpu.dma_semaphore, #tpu.memory_space<semaphore_mem>> -> memref<1x!tpu.dma_semaphore, #tpu.memory_space<semaphore_mem>>
      %dma_start3A_165 = tpu.memref_squeeze %dma_start3A_164 : memref<1x!tpu.dma_semaphore, #tpu.memory_space<semaphore_mem>> -> memref<!tpu.dma_semaphore, #tpu.memory_space<semaphore_mem>>
      tpu.enqueue_indirect_dma source(%arg11 : memref<80xf32, #tpu.memory_space<vmem>>) target(%dma_start3A_163 : memref<10240xf32, #tpu.memory_space<vmem_shared>>) offsets(%arg7 : memref<80xi32, #tpu.memory_space<vmem>>) semaphore(%dma_start3A_165 : memref<!tpu.dma_semaphore, #tpu.memory_space<semaphore_mem>>) {add = true}
      %dma_wait3A_166 = arith.constant 1 : i32
      %dma_wait3A_167 = arith.constant 0 : i32
      %dma_wait3A_168 = tpu.memref_slice %arg12[%dma_wait3A_167] : memref<10240xf32, #tpu.memory_space<vmem_shared>> -> memref<10240xf32, #tpu.memory_space<vmem_shared>>
      %dma_wait3A_169 = tpu.memref_slice %arg14[%dma_wait3A_166] : memref<5x!tpu.dma_semaphore, #tpu.memory_space<semaphore_mem>> -> memref<1x!tpu.dma_semaphore, #tpu.memory_space<semaphore_mem>>
      %dma_wait3A_170 = tpu.memref_squeeze %dma_wait3A_169 : memref<1x!tpu.dma_semaphore, #tpu.memory_space<semaphore_mem>> -> memref<!tpu.dma_semaphore, #tpu.memory_space<semaphore_mem>>
      tpu.wait_indirect_dma semaphore(%dma_wait3A_170 : memref<!tpu.dma_semaphore, #tpu.memory_space<semaphore_mem>>) src(%arg11 : memref<80xf32, #tpu.memory_space<vmem>>) dst(%dma_wait3A_168 : memref<10240xf32, #tpu.memory_space<vmem_shared>>)
      %add3A_171 = arith.constant 5 : i32
      %add3A_172 = arith.addi %add3A_155, %add3A_171 : i32
      %mul3A_173 = arith.constant 80 : i32
      %mul3A_174 = arith.muli %add3A_172, %mul3A_173 : i32
      %add3A_175 = arith.addi %add3A_6, %mul3A_174 : i32
      %dma_start3A_176 = arith.constant 1 : i32
      %dma_start3A_177 = tpu.memref_slice %arg2[%add3A_175] : memref<640000xi32, #tpu.memory_space<hbm>> -> memref<80xi32, #tpu.memory_space<hbm>>
      %dma_start3A_178 = tpu.memref_slice %arg13[%dma_start3A_176] : memref<5x!tpu.dma_semaphore, #tpu.memory_space<semaphore_mem>> -> memref<1x!tpu.dma_semaphore, #tpu.memory_space<semaphore_mem>>
      %dma_start3A_179 = tpu.memref_squeeze %dma_start3A_178 : memref<1x!tpu.dma_semaphore, #tpu.memory_space<semaphore_mem>> -> memref<!tpu.dma_semaphore, #tpu.memory_space<semaphore_mem>>
      %dma_start3A_180 = tpu.memref_slice %arg2[%add3A_175] : memref<640000xi32, #tpu.memory_space<hbm>> -> memref<80xi32, #tpu.memory_space<hbm>>
      tpu.enqueue_dma source(%dma_start3A_180 : memref<80xi32, #tpu.memory_space<hbm>>) target(%arg7 : memref<80xi32, #tpu.memory_space<vmem>>) target_semaphore(%dma_start3A_179 : memref<!tpu.dma_semaphore, #tpu.memory_space<semaphore_mem>>)
      %add3A_181 = arith.constant 2 : i32
      %add3A_182 = arith.addi %mul3A_126, %add3A_181 : i32
      %dma_wait3A_183 = arith.constant 2 : i32
      %dma_wait3A_184 = tpu.memref_slice %arg2[%add3A_6] : memref<640000xi32, #tpu.memory_space<hbm>> -> memref<80xi32, #tpu.memory_space<hbm>>
      %dma_wait3A_185 = tpu.memref_slice %arg13[%dma_wait3A_183] : memref<5x!tpu.dma_semaphore, #tpu.memory_space<semaphore_mem>> -> memref<1x!tpu.dma_semaphore, #tpu.memory_space<semaphore_mem>>
      %dma_wait3A_186 = tpu.memref_squeeze %dma_wait3A_185 : memref<1x!tpu.dma_semaphore, #tpu.memory_space<semaphore_mem>> -> memref<!tpu.dma_semaphore, #tpu.memory_space<semaphore_mem>>
      %dma_wait3A_187 = tpu.memref_slice %arg2[%add3A_6] : memref<640000xi32, #tpu.memory_space<hbm>> -> memref<80xi32, #tpu.memory_space<hbm>>
      tpu.wait_dma2 semaphore(%dma_wait3A_186 : memref<!tpu.dma_semaphore, #tpu.memory_space<semaphore_mem>>) src(%dma_wait3A_187 : memref<80xi32, #tpu.memory_space<hbm>>) dst(%arg8 : memref<80xi32, #tpu.memory_space<vmem>>)
      %dma_start3A_188 = arith.constant 2 : i32
      %dma_start3A_189 = arith.constant 0 : i32
      %dma_start3A_190 = tpu.memref_slice %arg12[%dma_start3A_189] : memref<10240xf32, #tpu.memory_space<vmem_shared>> -> memref<10240xf32, #tpu.memory_space<vmem_shared>>
      %dma_start3A_191 = tpu.memref_slice %arg14[%dma_start3A_188] : memref<5x!tpu.dma_semaphore, #tpu.memory_space<semaphore_mem>> -> memref<1x!tpu.dma_semaphore, #tpu.memory_space<semaphore_mem>>
      %dma_start3A_192 = tpu.memref_squeeze %dma_start3A_191 : memref<1x!tpu.dma_semaphore, #tpu.memory_space<semaphore_mem>> -> memref<!tpu.dma_semaphore, #tpu.memory_space<semaphore_mem>>
      tpu.enqueue_indirect_dma source(%arg11 : memref<80xf32, #tpu.memory_space<vmem>>) target(%dma_start3A_190 : memref<10240xf32, #tpu.memory_space<vmem_shared>>) offsets(%arg8 : memref<80xi32, #tpu.memory_space<vmem>>) semaphore(%dma_start3A_192 : memref<!tpu.dma_semaphore, #tpu.memory_space<semaphore_mem>>) {add = true}
      %dma_wait3A_193 = arith.constant 2 : i32
      %dma_wait3A_194 = arith.constant 0 : i32
      %dma_wait3A_195 = tpu.memref_slice %arg12[%dma_wait3A_194] : memref<10240xf32, #tpu.memory_space<vmem_shared>> -> memref<10240xf32, #tpu.memory_space<vmem_shared>>
      %dma_wait3A_196 = tpu.memref_slice %arg14[%dma_wait3A_193] : memref<5x!tpu.dma_semaphore, #tpu.memory_space<semaphore_mem>> -> memref<1x!tpu.dma_semaphore, #tpu.memory_space<semaphore_mem>>
      %dma_wait3A_197 = tpu.memref_squeeze %dma_wait3A_196 : memref<1x!tpu.dma_semaphore, #tpu.memory_space<semaphore_mem>> -> memref<!tpu.dma_semaphore, #tpu.memory_space<semaphore_mem>>
      tpu.wait_indirect_dma semaphore(%dma_wait3A_197 : memref<!tpu.dma_semaphore, #tpu.memory_space<semaphore_mem>>) src(%arg11 : memref<80xf32, #tpu.memory_space<vmem>>) dst(%dma_wait3A_195 : memref<10240xf32, #tpu.memory_space<vmem_shared>>)
      %add3A_198 = arith.constant 5 : i32
      %add3A_199 = arith.addi %add3A_182, %add3A_198 : i32
      %mul3A_200 = arith.constant 80 : i32
      %mul3A_201 = arith.muli %add3A_199, %mul3A_200 : i32
      %add3A_202 = arith.addi %add3A_6, %mul3A_201 : i32
      %dma_start3A_203 = arith.constant 2 : i32
      %dma_start3A_204 = tpu.memref_slice %arg2[%add3A_202] : memref<640000xi32, #tpu.memory_space<hbm>> -> memref<80xi32, #tpu.memory_space<hbm>>
      %dma_start3A_205 = tpu.memref_slice %arg13[%dma_start3A_203] : memref<5x!tpu.dma_semaphore, #tpu.memory_space<semaphore_mem>> -> memref<1x!tpu.dma_semaphore, #tpu.memory_space<semaphore_mem>>
      %dma_start3A_206 = tpu.memref_squeeze %dma_start3A_205 : memref<1x!tpu.dma_semaphore, #tpu.memory_space<semaphore_mem>> -> memref<!tpu.dma_semaphore, #tpu.memory_space<semaphore_mem>>
      %dma_start3A_207 = tpu.memref_slice %arg2[%add3A_202] : memref<640000xi32, #tpu.memory_space<hbm>> -> memref<80xi32, #tpu.memory_space<hbm>>
      tpu.enqueue_dma source(%dma_start3A_207 : memref<80xi32, #tpu.memory_space<hbm>>) target(%arg8 : memref<80xi32, #tpu.memory_space<vmem>>) target_semaphore(%dma_start3A_206 : memref<!tpu.dma_semaphore, #tpu.memory_space<semaphore_mem>>)
      %add3A_208 = arith.constant 3 : i32
      %add3A_209 = arith.addi %mul3A_126, %add3A_208 : i32
      %dma_wait3A_210 = arith.constant 3 : i32
      %dma_wait3A_211 = tpu.memref_slice %arg2[%add3A_6] : memref<640000xi32, #tpu.memory_space<hbm>> -> memref<80xi32, #tpu.memory_space<hbm>>
      %dma_wait3A_212 = tpu.memref_slice %arg13[%dma_wait3A_210] : memref<5x!tpu.dma_semaphore, #tpu.memory_space<semaphore_mem>> -> memref<1x!tpu.dma_semaphore, #tpu.memory_space<semaphore_mem>>
      %dma_wait3A_213 = tpu.memref_squeeze %dma_wait3A_212 : memref<1x!tpu.dma_semaphore, #tpu.memory_space<semaphore_mem>> -> memref<!tpu.dma_semaphore, #tpu.memory_space<semaphore_mem>>
      %dma_wait3A_214 = tpu.memref_slice %arg2[%add3A_6] : memref<640000xi32, #tpu.memory_space<hbm>> -> memref<80xi32, #tpu.memory_space<hbm>>
      tpu.wait_dma2 semaphore(%dma_wait3A_213 : memref<!tpu.dma_semaphore, #tpu.memory_space<semaphore_mem>>) src(%dma_wait3A_214 : memref<80xi32, #tpu.memory_space<hbm>>) dst(%arg9 : memref<80xi32, #tpu.memory_space<vmem>>)
      %dma_start3A_215 = arith.constant 3 : i32
      %dma_start3A_216 = arith.constant 0 : i32
      %dma_start3A_217 = tpu.memref_slice %arg12[%dma_start3A_216] : memref<10240xf32, #tpu.memory_space<vmem_shared>> -> memref<10240xf32, #tpu.memory_space<vmem_shared>>
      %dma_start3A_218 = tpu.memref_slice %arg14[%dma_start3A_215] : memref<5x!tpu.dma_semaphore, #tpu.memory_space<semaphore_mem>> -> memref<1x!tpu.dma_semaphore, #tpu.memory_space<semaphore_mem>>
      %dma_start3A_219 = tpu.memref_squeeze %dma_start3A_218 : memref<1x!tpu.dma_semaphore, #tpu.memory_space<semaphore_mem>> -> memref<!tpu.dma_semaphore, #tpu.memory_space<semaphore_mem>>
      tpu.enqueue_indirect_dma source(%arg11 : memref<80xf32, #tpu.memory_space<vmem>>) target(%dma_start3A_217 : memref<10240xf32, #tpu.memory_space<vmem_shared>>) offsets(%arg9 : memref<80xi32, #tpu.memory_space<vmem>>) semaphore(%dma_start3A_219 : memref<!tpu.dma_semaphore, #tpu.memory_space<semaphore_mem>>) {add = true}
      %dma_wait3A_220 = arith.constant 3 : i32
      %dma_wait3A_221 = arith.constant 0 : i32
      %dma_wait3A_222 = tpu.memref_slice %arg12[%dma_wait3A_221] : memref<10240xf32, #tpu.memory_space<vmem_shared>> -> memref<10240xf32, #tpu.memory_space<vmem_shared>>
      %dma_wait3A_223 = tpu.memref_slice %arg14[%dma_wait3A_220] : memref<5x!tpu.dma_semaphore, #tpu.memory_space<semaphore_mem>> -> memref<1x!tpu.dma_semaphore, #tpu.memory_space<semaphore_mem>>
      %dma_wait3A_224 = tpu.memref_squeeze %dma_wait3A_223 : memref<1x!tpu.dma_semaphore, #tpu.memory_space<semaphore_mem>> -> memref<!tpu.dma_semaphore, #tpu.memory_space<semaphore_mem>>
      tpu.wait_indirect_dma semaphore(%dma_wait3A_224 : memref<!tpu.dma_semaphore, #tpu.memory_space<semaphore_mem>>) src(%arg11 : memref<80xf32, #tpu.memory_space<vmem>>) dst(%dma_wait3A_222 : memref<10240xf32, #tpu.memory_space<vmem_shared>>)
      %add3A_225 = arith.constant 5 : i32
      %add3A_226 = arith.addi %add3A_209, %add3A_225 : i32
      %mul3A_227 = arith.constant 80 : i32
      %mul3A_228 = arith.muli %add3A_226, %mul3A_227 : i32
      %add3A_229 = arith.addi %add3A_6, %mul3A_228 : i32
      %dma_start3A_230 = arith.constant 3 : i32
      %dma_start3A_231 = tpu.memref_slice %arg2[%add3A_229] : memref<640000xi32, #tpu.memory_space<hbm>> -> memref<80xi32, #tpu.memory_space<hbm>>
      %dma_start3A_232 = tpu.memref_slice %arg13[%dma_start3A_230] : memref<5x!tpu.dma_semaphore, #tpu.memory_space<semaphore_mem>> -> memref<1x!tpu.dma_semaphore, #tpu.memory_space<semaphore_mem>>
      %dma_start3A_233 = tpu.memref_squeeze %dma_start3A_232 : memref<1x!tpu.dma_semaphore, #tpu.memory_space<semaphore_mem>> -> memref<!tpu.dma_semaphore, #tpu.memory_space<semaphore_mem>>
      %dma_start3A_234 = tpu.memref_slice %arg2[%add3A_229] : memref<640000xi32, #tpu.memory_space<hbm>> -> memref<80xi32, #tpu.memory_space<hbm>>
      tpu.enqueue_dma source(%dma_start3A_234 : memref<80xi32, #tpu.memory_space<hbm>>) target(%arg9 : memref<80xi32, #tpu.memory_space<vmem>>) target_semaphore(%dma_start3A_233 : memref<!tpu.dma_semaphore, #tpu.memory_space<semaphore_mem>>)
      %add3A_235 = arith.constant 4 : i32
      %add3A_236 = arith.addi %mul3A_126, %add3A_235 : i32
      %dma_wait3A_237 = arith.constant 4 : i32
      %dma_wait3A_238 = tpu.memref_slice %arg2[%add3A_6] : memref<640000xi32, #tpu.memory_space<hbm>> -> memref<80xi32, #tpu.memory_space<hbm>>
      %dma_wait3A_239 = tpu.memref_slice %arg13[%dma_wait3A_237] : memref<5x!tpu.dma_semaphore, #tpu.memory_space<semaphore_mem>> -> memref<1x!tpu.dma_semaphore, #tpu.memory_space<semaphore_mem>>
      %dma_wait3A_240 = tpu.memref_squeeze %dma_wait3A_239 : memref<1x!tpu.dma_semaphore, #tpu.memory_space<semaphore_mem>> -> memref<!tpu.dma_semaphore, #tpu.memory_space<semaphore_mem>>
      %dma_wait3A_241 = tpu.memref_slice %arg2[%add3A_6] : memref<640000xi32, #tpu.memory_space<hbm>> -> memref<80xi32, #tpu.memory_space<hbm>>
      tpu.wait_dma2 semaphore(%dma_wait3A_240 : memref<!tpu.dma_semaphore, #tpu.memory_space<semaphore_mem>>) src(%dma_wait3A_241 : memref<80xi32, #tpu.memory_space<hbm>>) dst(%arg10 : memref<80xi32, #tpu.memory_space<vmem>>)
      %dma_start3A_242 = arith.constant 4 : i32
      %dma_start3A_243 = arith.constant 0 : i32
      %dma_start3A_244 = tpu.memref_slice %arg12[%dma_start3A_243] : memref<10240xf32, #tpu.memory_space<vmem_shared>> -> memref<10240xf32, #tpu.memory_space<vmem_shared>>
      %dma_start3A_245 = tpu.memref_slice %arg14[%dma_start3A_242] : memref<5x!tpu.dma_semaphore, #tpu.memory_space<semaphore_mem>> -> memref<1x!tpu.dma_semaphore, #tpu.memory_space<semaphore_mem>>
      %dma_start3A_246 = tpu.memref_squeeze %dma_start3A_245 : memref<1x!tpu.dma_semaphore, #tpu.memory_space<semaphore_mem>> -> memref<!tpu.dma_semaphore, #tpu.memory_space<semaphore_mem>>
      tpu.enqueue_indirect_dma source(%arg11 : memref<80xf32, #tpu.memory_space<vmem>>) target(%dma_start3A_244 : memref<10240xf32, #tpu.memory_space<vmem_shared>>) offsets(%arg10 : memref<80xi32, #tpu.memory_space<vmem>>) semaphore(%dma_start3A_246 : memref<!tpu.dma_semaphore, #tpu.memory_space<semaphore_mem>>) {add = true}
      %dma_wait3A_247 = arith.constant 4 : i32
      %dma_wait3A_248 = arith.constant 0 : i32
      %dma_wait3A_249 = tpu.memref_slice %arg12[%dma_wait3A_248] : memref<10240xf32, #tpu.memory_space<vmem_shared>> -> memref<10240xf32, #tpu.memory_space<vmem_shared>>
      %dma_wait3A_250 = tpu.memref_slice %arg14[%dma_wait3A_247] : memref<5x!tpu.dma_semaphore, #tpu.memory_space<semaphore_mem>> -> memref<1x!tpu.dma_semaphore, #tpu.memory_space<semaphore_mem>>
      %dma_wait3A_251 = tpu.memref_squeeze %dma_wait3A_250 : memref<1x!tpu.dma_semaphore, #tpu.memory_space<semaphore_mem>> -> memref<!tpu.dma_semaphore, #tpu.memory_space<semaphore_mem>>
      tpu.wait_indirect_dma semaphore(%dma_wait3A_251 : memref<!tpu.dma_semaphore, #tpu.memory_space<semaphore_mem>>) src(%arg11 : memref<80xf32, #tpu.memory_space<vmem>>) dst(%dma_wait3A_249 : memref<10240xf32, #tpu.memory_space<vmem_shared>>)
      %add3A_252 = arith.constant 5 : i32
      %add3A_253 = arith.addi %add3A_236, %add3A_252 : i32
      %mul3A_254 = arith.constant 80 : i32
      %mul3A_255 = arith.muli %add3A_253, %mul3A_254 : i32
      %add3A_256 = arith.addi %add3A_6, %mul3A_255 : i32
      %dma_start3A_257 = arith.constant 4 : i32
      %dma_start3A_258 = tpu.memref_slice %arg2[%add3A_256] : memref<640000xi32, #tpu.memory_space<hbm>> -> memref<80xi32, #tpu.memory_space<hbm>>
      %dma_start3A_259 = tpu.memref_slice %arg13[%dma_start3A_257] : memref<5x!tpu.dma_semaphore, #tpu.memory_space<semaphore_mem>> -> memref<1x!tpu.dma_semaphore, #tpu.memory_space<semaphore_mem>>
      %dma_start3A_260 = tpu.memref_squeeze %dma_start3A_259 : memref<1x!tpu.dma_semaphore, #tpu.memory_space<semaphore_mem>> -> memref<!tpu.dma_semaphore, #tpu.memory_space<semaphore_mem>>
      %dma_start3A_261 = tpu.memref_slice %arg2[%add3A_256] : memref<640000xi32, #tpu.memory_space<hbm>> -> memref<80xi32, #tpu.memory_space<hbm>>
      tpu.enqueue_dma source(%dma_start3A_261 : memref<80xi32, #tpu.memory_space<hbm>>) target(%arg10 : memref<80xi32, #tpu.memory_space<vmem>>) target_semaphore(%dma_start3A_260 : memref<!tpu.dma_semaphore, #tpu.memory_space<semaphore_mem>>)
    }
    %scan3A_44 = arith.constant 24 : i32
    %dma_wait3A = arith.constant 0 : i32
    %dma_wait3A_45 = tpu.memref_slice %arg2[%add3A_6] : memref<640000xi32, #tpu.memory_space<hbm>> -> memref<80xi32, #tpu.memory_space<hbm>>
    %dma_wait3A_46 = tpu.memref_slice %arg13[%dma_wait3A] : memref<5x!tpu.dma_semaphore, #tpu.memory_space<semaphore_mem>> -> memref<1x!tpu.dma_semaphore, #tpu.memory_space<semaphore_mem>>
    %dma_wait3A_47 = tpu.memref_squeeze %dma_wait3A_46 : memref<1x!tpu.dma_semaphore, #tpu.memory_space<semaphore_mem>> -> memref<!tpu.dma_semaphore, #tpu.memory_space<semaphore_mem>>
    %dma_wait3A_48 = tpu.memref_slice %arg2[%add3A_6] : memref<640000xi32, #tpu.memory_space<hbm>> -> memref<80xi32, #tpu.memory_space<hbm>>
    tpu.wait_dma2 semaphore(%dma_wait3A_47 : memref<!tpu.dma_semaphore, #tpu.memory_space<semaphore_mem>>) src(%dma_wait3A_48 : memref<80xi32, #tpu.memory_space<hbm>>) dst(%arg6 : memref<80xi32, #tpu.memory_space<vmem>>)
    %dma_start3A_49 = arith.constant 0 : i32
    %dma_start3A_50 = arith.constant 0 : i32
    %dma_start3A_51 = tpu.memref_slice %arg12[%dma_start3A_50] : memref<10240xf32, #tpu.memory_space<vmem_shared>> -> memref<10240xf32, #tpu.memory_space<vmem_shared>>
    %dma_start3A_52 = tpu.memref_slice %arg14[%dma_start3A_49] : memref<5x!tpu.dma_semaphore, #tpu.memory_space<semaphore_mem>> -> memref<1x!tpu.dma_semaphore, #tpu.memory_space<semaphore_mem>>
    %dma_start3A_53 = tpu.memref_squeeze %dma_start3A_52 : memref<1x!tpu.dma_semaphore, #tpu.memory_space<semaphore_mem>> -> memref<!tpu.dma_semaphore, #tpu.memory_space<semaphore_mem>>
    tpu.enqueue_indirect_dma source(%arg11 : memref<80xf32, #tpu.memory_space<vmem>>) target(%dma_start3A_51 : memref<10240xf32, #tpu.memory_space<vmem_shared>>) offsets(%arg6 : memref<80xi32, #tpu.memory_space<vmem>>) semaphore(%dma_start3A_53 : memref<!tpu.dma_semaphore, #tpu.memory_space<semaphore_mem>>) {add = true}
    %dma_wait3A_54 = arith.constant 1 : i32
    %dma_wait3A_55 = tpu.memref_slice %arg2[%add3A_6] : memref<640000xi32, #tpu.memory_space<hbm>> -> memref<80xi32, #tpu.memory_space<hbm>>
    %dma_wait3A_56 = tpu.memref_slice %arg13[%dma_wait3A_54] : memref<5x!tpu.dma_semaphore, #tpu.memory_space<semaphore_mem>> -> memref<1x!tpu.dma_semaphore, #tpu.memory_space<semaphore_mem>>
    %dma_wait3A_57 = tpu.memref_squeeze %dma_wait3A_56 : memref<1x!tpu.dma_semaphore, #tpu.memory_space<semaphore_mem>> -> memref<!tpu.dma_semaphore, #tpu.memory_space<semaphore_mem>>
    %dma_wait3A_58 = tpu.memref_slice %arg2[%add3A_6] : memref<640000xi32, #tpu.memory_space<hbm>> -> memref<80xi32, #tpu.memory_space<hbm>>
    tpu.wait_dma2 semaphore(%dma_wait3A_57 : memref<!tpu.dma_semaphore, #tpu.memory_space<semaphore_mem>>) src(%dma_wait3A_58 : memref<80xi32, #tpu.memory_space<hbm>>) dst(%arg7 : memref<80xi32, #tpu.memory_space<vmem>>)
    %dma_start3A_59 = arith.constant 1 : i32
    %dma_start3A_60 = arith.constant 0 : i32
    %dma_start3A_61 = tpu.memref_slice %arg12[%dma_start3A_60] : memref<10240xf32, #tpu.memory_space<vmem_shared>> -> memref<10240xf32, #tpu.memory_space<vmem_shared>>
    %dma_start3A_62 = tpu.memref_slice %arg14[%dma_start3A_59] : memref<5x!tpu.dma_semaphore, #tpu.memory_space<semaphore_mem>> -> memref<1x!tpu.dma_semaphore, #tpu.memory_space<semaphore_mem>>
    %dma_start3A_63 = tpu.memref_squeeze %dma_start3A_62 : memref<1x!tpu.dma_semaphore, #tpu.memory_space<semaphore_mem>> -> memref<!tpu.dma_semaphore, #tpu.memory_space<semaphore_mem>>
    tpu.enqueue_indirect_dma source(%arg11 : memref<80xf32, #tpu.memory_space<vmem>>) target(%dma_start3A_61 : memref<10240xf32, #tpu.memory_space<vmem_shared>>) offsets(%arg7 : memref<80xi32, #tpu.memory_space<vmem>>) semaphore(%dma_start3A_63 : memref<!tpu.dma_semaphore, #tpu.memory_space<semaphore_mem>>) {add = true}
    %dma_wait3A_64 = arith.constant 2 : i32
    %dma_wait3A_65 = tpu.memref_slice %arg2[%add3A_6] : memref<640000xi32, #tpu.memory_space<hbm>> -> memref<80xi32, #tpu.memory_space<hbm>>
    %dma_wait3A_66 = tpu.memref_slice %arg13[%dma_wait3A_64] : memref<5x!tpu.dma_semaphore, #tpu.memory_space<semaphore_mem>> -> memref<1x!tpu.dma_semaphore, #tpu.memory_space<semaphore_mem>>
    %dma_wait3A_67 = tpu.memref_squeeze %dma_wait3A_66 : memref<1x!tpu.dma_semaphore, #tpu.memory_space<semaphore_mem>> -> memref<!tpu.dma_semaphore, #tpu.memory_space<semaphore_mem>>
    %dma_wait3A_68 = tpu.memref_slice %arg2[%add3A_6] : memref<640000xi32, #tpu.memory_space<hbm>> -> memref<80xi32, #tpu.memory_space<hbm>>
    tpu.wait_dma2 semaphore(%dma_wait3A_67 : memref<!tpu.dma_semaphore, #tpu.memory_space<semaphore_mem>>) src(%dma_wait3A_68 : memref<80xi32, #tpu.memory_space<hbm>>) dst(%arg8 : memref<80xi32, #tpu.memory_space<vmem>>)
    %dma_start3A_69 = arith.constant 2 : i32
    %dma_start3A_70 = arith.constant 0 : i32
    %dma_start3A_71 = tpu.memref_slice %arg12[%dma_start3A_70] : memref<10240xf32, #tpu.memory_space<vmem_shared>> -> memref<10240xf32, #tpu.memory_space<vmem_shared>>
    %dma_start3A_72 = tpu.memref_slice %arg14[%dma_start3A_69] : memref<5x!tpu.dma_semaphore, #tpu.memory_space<semaphore_mem>> -> memref<1x!tpu.dma_semaphore, #tpu.memory_space<semaphore_mem>>
    %dma_start3A_73 = tpu.memref_squeeze %dma_start3A_72 : memref<1x!tpu.dma_semaphore, #tpu.memory_space<semaphore_mem>> -> memref<!tpu.dma_semaphore, #tpu.memory_space<semaphore_mem>>
    tpu.enqueue_indirect_dma source(%arg11 : memref<80xf32, #tpu.memory_space<vmem>>) target(%dma_start3A_71 : memref<10240xf32, #tpu.memory_space<vmem_shared>>) offsets(%arg8 : memref<80xi32, #tpu.memory_space<vmem>>) semaphore(%dma_start3A_73 : memref<!tpu.dma_semaphore, #tpu.memory_space<semaphore_mem>>) {add = true}
    %dma_wait3A_74 = arith.constant 3 : i32
    %dma_wait3A_75 = tpu.memref_slice %arg2[%add3A_6] : memref<640000xi32, #tpu.memory_space<hbm>> -> memref<80xi32, #tpu.memory_space<hbm>>
    %dma_wait3A_76 = tpu.memref_slice %arg13[%dma_wait3A_74] : memref<5x!tpu.dma_semaphore, #tpu.memory_space<semaphore_mem>> -> memref<1x!tpu.dma_semaphore, #tpu.memory_space<semaphore_mem>>
    %dma_wait3A_77 = tpu.memref_squeeze %dma_wait3A_76 : memref<1x!tpu.dma_semaphore, #tpu.memory_space<semaphore_mem>> -> memref<!tpu.dma_semaphore, #tpu.memory_space<semaphore_mem>>
    %dma_wait3A_78 = tpu.memref_slice %arg2[%add3A_6] : memref<640000xi32, #tpu.memory_space<hbm>> -> memref<80xi32, #tpu.memory_space<hbm>>
    tpu.wait_dma2 semaphore(%dma_wait3A_77 : memref<!tpu.dma_semaphore, #tpu.memory_space<semaphore_mem>>) src(%dma_wait3A_78 : memref<80xi32, #tpu.memory_space<hbm>>) dst(%arg9 : memref<80xi32, #tpu.memory_space<vmem>>)
    %dma_start3A_79 = arith.constant 3 : i32
    %dma_start3A_80 = arith.constant 0 : i32
    %dma_start3A_81 = tpu.memref_slice %arg12[%dma_start3A_80] : memref<10240xf32, #tpu.memory_space<vmem_shared>> -> memref<10240xf32, #tpu.memory_space<vmem_shared>>
    %dma_start3A_82 = tpu.memref_slice %arg14[%dma_start3A_79] : memref<5x!tpu.dma_semaphore, #tpu.memory_space<semaphore_mem>> -> memref<1x!tpu.dma_semaphore, #tpu.memory_space<semaphore_mem>>
    %dma_start3A_83 = tpu.memref_squeeze %dma_start3A_82 : memref<1x!tpu.dma_semaphore, #tpu.memory_space<semaphore_mem>> -> memref<!tpu.dma_semaphore, #tpu.memory_space<semaphore_mem>>
    tpu.enqueue_indirect_dma source(%arg11 : memref<80xf32, #tpu.memory_space<vmem>>) target(%dma_start3A_81 : memref<10240xf32, #tpu.memory_space<vmem_shared>>) offsets(%arg9 : memref<80xi32, #tpu.memory_space<vmem>>) semaphore(%dma_start3A_83 : memref<!tpu.dma_semaphore, #tpu.memory_space<semaphore_mem>>) {add = true}
    %dma_wait3A_84 = arith.constant 4 : i32
    %dma_wait3A_85 = tpu.memref_slice %arg2[%add3A_6] : memref<640000xi32, #tpu.memory_space<hbm>> -> memref<80xi32, #tpu.memory_space<hbm>>
    %dma_wait3A_86 = tpu.memref_slice %arg13[%dma_wait3A_84] : memref<5x!tpu.dma_semaphore, #tpu.memory_space<semaphore_mem>> -> memref<1x!tpu.dma_semaphore, #tpu.memory_space<semaphore_mem>>
    %dma_wait3A_87 = tpu.memref_squeeze %dma_wait3A_86 : memref<1x!tpu.dma_semaphore, #tpu.memory_space<semaphore_mem>> -> memref<!tpu.dma_semaphore, #tpu.memory_space<semaphore_mem>>
    %dma_wait3A_88 = tpu.memref_slice %arg2[%add3A_6] : memref<640000xi32, #tpu.memory_space<hbm>> -> memref<80xi32, #tpu.memory_space<hbm>>
    tpu.wait_dma2 semaphore(%dma_wait3A_87 : memref<!tpu.dma_semaphore, #tpu.memory_space<semaphore_mem>>) src(%dma_wait3A_88 : memref<80xi32, #tpu.memory_space<hbm>>) dst(%arg10 : memref<80xi32, #tpu.memory_space<vmem>>)
    %dma_start3A_89 = arith.constant 4 : i32
    %dma_start3A_90 = arith.constant 0 : i32
    %dma_start3A_91 = tpu.memref_slice %arg12[%dma_start3A_90] : memref<10240xf32, #tpu.memory_space<vmem_shared>> -> memref<10240xf32, #tpu.memory_space<vmem_shared>>
    %dma_start3A_92 = tpu.memref_slice %arg14[%dma_start3A_89] : memref<5x!tpu.dma_semaphore, #tpu.memory_space<semaphore_mem>> -> memref<1x!tpu.dma_semaphore, #tpu.memory_space<semaphore_mem>>
    %dma_start3A_93 = tpu.memref_squeeze %dma_start3A_92 : memref<1x!tpu.dma_semaphore, #tpu.memory_space<semaphore_mem>> -> memref<!tpu.dma_semaphore, #tpu.memory_space<semaphore_mem>>
    tpu.enqueue_indirect_dma source(%arg11 : memref<80xf32, #tpu.memory_space<vmem>>) target(%dma_start3A_91 : memref<10240xf32, #tpu.memory_space<vmem_shared>>) offsets(%arg10 : memref<80xi32, #tpu.memory_space<vmem>>) semaphore(%dma_start3A_93 : memref<!tpu.dma_semaphore, #tpu.memory_space<semaphore_mem>>) {add = true}
    %dma_wait3A_94 = arith.constant 0 : i32
    %dma_wait3A_95 = arith.constant 0 : i32
    %dma_wait3A_96 = tpu.memref_slice %arg12[%dma_wait3A_95] : memref<10240xf32, #tpu.memory_space<vmem_shared>> -> memref<10240xf32, #tpu.memory_space<vmem_shared>>
    %dma_wait3A_97 = tpu.memref_slice %arg14[%dma_wait3A_94] : memref<5x!tpu.dma_semaphore, #tpu.memory_space<semaphore_mem>> -> memref<1x!tpu.dma_semaphore, #tpu.memory_space<semaphore_mem>>
    %dma_wait3A_98 = tpu.memref_squeeze %dma_wait3A_97 : memref<1x!tpu.dma_semaphore, #tpu.memory_space<semaphore_mem>> -> memref<!tpu.dma_semaphore, #tpu.memory_space<semaphore_mem>>
    tpu.wait_indirect_dma semaphore(%dma_wait3A_98 : memref<!tpu.dma_semaphore, #tpu.memory_space<semaphore_mem>>) src(%arg11 : memref<80xf32, #tpu.memory_space<vmem>>) dst(%dma_wait3A_96 : memref<10240xf32, #tpu.memory_space<vmem_shared>>)
    %dma_wait3A_99 = arith.constant 1 : i32
    %dma_wait3A_100 = arith.constant 0 : i32
    %dma_wait3A_101 = tpu.memref_slice %arg12[%dma_wait3A_100] : memref<10240xf32, #tpu.memory_space<vmem_shared>> -> memref<10240xf32, #tpu.memory_space<vmem_shared>>
    %dma_wait3A_102 = tpu.memref_slice %arg14[%dma_wait3A_99] : memref<5x!tpu.dma_semaphore, #tpu.memory_space<semaphore_mem>> -> memref<1x!tpu.dma_semaphore, #tpu.memory_space<semaphore_mem>>
    %dma_wait3A_103 = tpu.memref_squeeze %dma_wait3A_102 : memref<1x!tpu.dma_semaphore, #tpu.memory_space<semaphore_mem>> -> memref<!tpu.dma_semaphore, #tpu.memory_space<semaphore_mem>>
    tpu.wait_indirect_dma semaphore(%dma_wait3A_103 : memref<!tpu.dma_semaphore, #tpu.memory_space<semaphore_mem>>) src(%arg11 : memref<80xf32, #tpu.memory_space<vmem>>) dst(%dma_wait3A_101 : memref<10240xf32, #tpu.memory_space<vmem_shared>>)
    %dma_wait3A_104 = arith.constant 2 : i32
    %dma_wait3A_105 = arith.constant 0 : i32
    %dma_wait3A_106 = tpu.memref_slice %arg12[%dma_wait3A_105] : memref<10240xf32, #tpu.memory_space<vmem_shared>> -> memref<10240xf32, #tpu.memory_space<vmem_shared>>
    %dma_wait3A_107 = tpu.memref_slice %arg14[%dma_wait3A_104] : memref<5x!tpu.dma_semaphore, #tpu.memory_space<semaphore_mem>> -> memref<1x!tpu.dma_semaphore, #tpu.memory_space<semaphore_mem>>
    %dma_wait3A_108 = tpu.memref_squeeze %dma_wait3A_107 : memref<1x!tpu.dma_semaphore, #tpu.memory_space<semaphore_mem>> -> memref<!tpu.dma_semaphore, #tpu.memory_space<semaphore_mem>>
    tpu.wait_indirect_dma semaphore(%dma_wait3A_108 : memref<!tpu.dma_semaphore, #tpu.memory_space<semaphore_mem>>) src(%arg11 : memref<80xf32, #tpu.memory_space<vmem>>) dst(%dma_wait3A_106 : memref<10240xf32, #tpu.memory_space<vmem_shared>>)
    %dma_wait3A_109 = arith.constant 3 : i32
    %dma_wait3A_110 = arith.constant 0 : i32
    %dma_wait3A_111 = tpu.memref_slice %arg12[%dma_wait3A_110] : memref<10240xf32, #tpu.memory_space<vmem_shared>> -> memref<10240xf32, #tpu.memory_space<vmem_shared>>
    %dma_wait3A_112 = tpu.memref_slice %arg14[%dma_wait3A_109] : memref<5x!tpu.dma_semaphore, #tpu.memory_space<semaphore_mem>> -> memref<1x!tpu.dma_semaphore, #tpu.memory_space<semaphore_mem>>
    %dma_wait3A_113 = tpu.memref_squeeze %dma_wait3A_112 : memref<1x!tpu.dma_semaphore, #tpu.memory_space<semaphore_mem>> -> memref<!tpu.dma_semaphore, #tpu.memory_space<semaphore_mem>>
    tpu.wait_indirect_dma semaphore(%dma_wait3A_113 : memref<!tpu.dma_semaphore, #tpu.memory_space<semaphore_mem>>) src(%arg11 : memref<80xf32, #tpu.memory_space<vmem>>) dst(%dma_wait3A_111 : memref<10240xf32, #tpu.memory_space<vmem_shared>>)
    %dma_wait3A_114 = arith.constant 4 : i32
    %dma_wait3A_115 = arith.constant 0 : i32
    %dma_wait3A_116 = tpu.memref_slice %arg12[%dma_wait3A_115] : memref<10240xf32, #tpu.memory_space<vmem_shared>> -> memref<10240xf32, #tpu.memory_space<vmem_shared>>
    %dma_wait3A_117 = tpu.memref_slice %arg14[%dma_wait3A_114] : memref<5x!tpu.dma_semaphore, #tpu.memory_space<semaphore_mem>> -> memref<1x!tpu.dma_semaphore, #tpu.memory_space<semaphore_mem>>
    %dma_wait3A_118 = tpu.memref_squeeze %dma_wait3A_117 : memref<1x!tpu.dma_semaphore, #tpu.memory_space<semaphore_mem>> -> memref<!tpu.dma_semaphore, #tpu.memory_space<semaphore_mem>>
    tpu.wait_indirect_dma semaphore(%dma_wait3A_118 : memref<!tpu.dma_semaphore, #tpu.memory_space<semaphore_mem>>) src(%arg11 : memref<80xf32, #tpu.memory_space<vmem>>) dst(%dma_wait3A_116 : memref<10240xf32, #tpu.memory_space<vmem_shared>>)
    %barrier3A_119 = arith.constant 0 : index
    tpu.barrier barrier_id(%barrier3A_119)
    "tpu.region"() ({
      %run_scoped3A = tpu.sem_alloc : memref<!tpu.dma_semaphore, #tpu.memory_space<semaphore_mem>>
      %dma_start3A_120 = tpu.memref_slice %arg5[%arg0, %mul3A_0] : memref<2x10240xf32, #tpu.memory_space<hbm>> -> memref<1x640xf32, #tpu.memory_space<hbm>>
      %dma_start3A_121 = tpu.memref_squeeze %dma_start3A_120 : memref<1x640xf32, #tpu.memory_space<hbm>> -> memref<640xf32, #tpu.memory_space<hbm>>
      %dma_start3A_122 = tpu.memref_slice %arg12[%mul3A_0] : memref<10240xf32, #tpu.memory_space<vmem_shared>> -> memref<640xf32, #tpu.memory_space<vmem_shared>>
      tpu.enqueue_dma source(%dma_start3A_122 : memref<640xf32, #tpu.memory_space<vmem_shared>>) target(%dma_start3A_121 : memref<640xf32, #tpu.memory_space<hbm>>) target_semaphore(%run_scoped3A : memref<!tpu.dma_semaphore, #tpu.memory_space<semaphore_mem>>)
      %dma_wait3A_123 = tpu.memref_slice %arg5[%arg0, %mul3A_0] : memref<2x10240xf32, #tpu.memory_space<hbm>> -> memref<1x640xf32, #tpu.memory_space<hbm>>
      %dma_wait3A_124 = tpu.memref_squeeze %dma_wait3A_123 : memref<1x640xf32, #tpu.memory_space<hbm>> -> memref<640xf32, #tpu.memory_space<hbm>>
      %dma_wait3A_125 = tpu.memref_slice %arg12[%mul3A_0] : memref<10240xf32, #tpu.memory_space<vmem_shared>> -> memref<640xf32, #tpu.memory_space<vmem_shared>>
      tpu.wait_dma2 semaphore(%run_scoped3A : memref<!tpu.dma_semaphore, #tpu.memory_space<semaphore_mem>>) src(%dma_wait3A_125 : memref<640xf32, #tpu.memory_space<vmem_shared>>) dst(%dma_wait3A_124 : memref<640xf32, #tpu.memory_space<hbm>>)
      tpu.yield
    }) : () -> ()
    return
  }
}

#map = affine_map<(d0, d1) -> (0, 0)>
#map1 = affine_map<(d0, d1) -> (0)>
#map2 = affine_map<(d0, d1) -> (0, 0, 0)>
module attributes {stable_mosaic.version = 14 : i64} {
  func.func @_agg_kernel(%arg0: i32, %arg1: i32, %arg2: memref<10000x128xf32, #tpu.memory_space<hbm>>, %arg3: memref<640000xi32, #tpu.memory_space<hbm>>, %arg4: memref<640x128xf32, #tpu.memory_space<hbm>>, %arg5: memref<2x10240x128xf32, #tpu.memory_space<hbm>>, %arg6: memref<10000xi32, #tpu.memory_space<vmem>>, %arg7: memref<40xi32, #tpu.memory_space<vmem>>, %arg8: memref<40xi32, #tpu.memory_space<vmem>>, %arg9: memref<40xi32, #tpu.memory_space<vmem>>, %arg10: memref<40xi32, #tpu.memory_space<vmem>>, %arg11: memref<40xi32, #tpu.memory_space<vmem>>, %arg12: memref<5x40x128xf32, #tpu.memory_space<vmem>>, %arg13: memref<10240x128xf32, #tpu.memory_space<vmem_shared>>, %arg14: memref<5x!tpu.dma_semaphore, #tpu.memory_space<semaphore_mem>>, %arg15: memref<5x!tpu.dma_semaphore, #tpu.memory_space<semaphore_mem>>, %arg16: memref<5x!tpu.dma_semaphore, #tpu.memory_space<semaphore_mem>>) attributes {dimension_semantics = [#tpu.dimension_semantics<core_parallel>, #tpu.dimension_semantics<subcore_parallel>], iteration_bounds = array<i64: 2, 16>, scalar_prefetch = 0 : i64, scratch_operands = 11 : i64, tpu.core_type = #tpu.core_type<sc_vector_subcore>, window_params = [{transform_indices = #map}, {transform_indices = #map1}, {transform_indices = #map}, {transform_indices = #map2}]} {
    %mul3A = arith.constant 640 : i32
    %mul3A_0 = arith.muli %arg1, %mul3A : i32
    %mul3A_1 = arith.constant 16 : i32
    %mul3A_2 = arith.muli %arg0, %mul3A_1 : i32
    %add3A = arith.addi %mul3A_2, %arg1 : i32
    %mul3A_3 = arith.constant 10000 : i32
    %mul3A_4 = arith.muli %add3A, %mul3A_3 : i32
    %mul3A_5 = arith.constant 10000 : i32
    %mul3A_6 = arith.muli %add3A, %mul3A_5 : i32
    %add3A_7 = arith.constant 320000 : i32
    %add3A_8 = arith.addi %add3A_7, %mul3A_6 : i32
    "tpu.region"() ({
      %run_scoped3A = tpu.sem_alloc : memref<!tpu.dma_semaphore, #tpu.memory_space<semaphore_mem>>
      %dma_start3A_312 = arith.constant 0 : i32
      %dma_start3A_313 = tpu.memref_slice %arg13[%mul3A_0, %dma_start3A_312] : memref<10240x128xf32, #tpu.memory_space<vmem_shared>> -> memref<640x128xf32, #tpu.memory_space<vmem_shared>>
      tpu.enqueue_dma source(%arg4 : memref<640x128xf32, #tpu.memory_space<hbm>>) target(%dma_start3A_313 : memref<640x128xf32, #tpu.memory_space<vmem_shared>>) target_semaphore(%run_scoped3A : memref<!tpu.dma_semaphore, #tpu.memory_space<semaphore_mem>>)
      %dma_wait3A_314 = arith.constant 0 : i32
      %dma_wait3A_315 = tpu.memref_slice %arg13[%mul3A_0, %dma_wait3A_314] : memref<10240x128xf32, #tpu.memory_space<vmem_shared>> -> memref<640x128xf32, #tpu.memory_space<vmem_shared>>
      tpu.wait_dma2 semaphore(%run_scoped3A : memref<!tpu.dma_semaphore, #tpu.memory_space<semaphore_mem>>) src(%arg4 : memref<640x128xf32, #tpu.memory_space<hbm>>) dst(%dma_wait3A_315 : memref<640x128xf32, #tpu.memory_space<vmem_shared>>)
      tpu.yield
    }) : () -> ()
    "tpu.region"() ({
      %run_scoped3A = tpu.sem_alloc : memref<!tpu.dma_semaphore, #tpu.memory_space<semaphore_mem>>
      %dma_start3A_312 = tpu.memref_slice %arg3[%mul3A_4] : memref<640000xi32, #tpu.memory_space<hbm>> -> memref<10000xi32, #tpu.memory_space<hbm>>
      %dma_start3A_313 = tpu.memref_slice %arg3[%mul3A_4] : memref<640000xi32, #tpu.memory_space<hbm>> -> memref<10000xi32, #tpu.memory_space<hbm>>
      tpu.enqueue_dma source(%dma_start3A_313 : memref<10000xi32, #tpu.memory_space<hbm>>) target(%arg6 : memref<10000xi32, #tpu.memory_space<vmem>>) target_semaphore(%run_scoped3A : memref<!tpu.dma_semaphore, #tpu.memory_space<semaphore_mem>>)
      %dma_wait3A_314 = tpu.memref_slice %arg3[%mul3A_4] : memref<640000xi32, #tpu.memory_space<hbm>> -> memref<10000xi32, #tpu.memory_space<hbm>>
      %dma_wait3A_315 = tpu.memref_slice %arg3[%mul3A_4] : memref<640000xi32, #tpu.memory_space<hbm>> -> memref<10000xi32, #tpu.memory_space<hbm>>
      tpu.wait_dma2 semaphore(%run_scoped3A : memref<!tpu.dma_semaphore, #tpu.memory_space<semaphore_mem>>) src(%dma_wait3A_315 : memref<10000xi32, #tpu.memory_space<hbm>>) dst(%arg6 : memref<10000xi32, #tpu.memory_space<vmem>>)
      tpu.yield
    }) : () -> ()
    %barrier3A = arith.constant 0 : index
    tpu.barrier barrier_id(%barrier3A)
    %dma_start3A = arith.constant 0 : i32
    %dma_start3A_9 = arith.constant 0 : i32
    %dma_start3A_10 = arith.constant 0 : i32
    %dma_start3A_11 = arith.constant 0 : i32
    %dma_start3A_12 = tpu.memref_slice %arg12[%dma_start3A, %dma_start3A_10, %dma_start3A_11] : memref<5x40x128xf32, #tpu.memory_space<vmem>> -> memref<1x40x128xf32, #tpu.memory_space<vmem>>
    %dma_start3A_13 = tpu.memref_squeeze %dma_start3A_12 : memref<1x40x128xf32, #tpu.memory_space<vmem>> -> memref<40x128xf32, #tpu.memory_space<vmem>>
    %dma_start3A_14 = arith.constant 0 : i32
    %dma_start3A_15 = tpu.memref_slice %arg6[%dma_start3A_14] : memref<10000xi32, #tpu.memory_space<vmem>> -> memref<40xi32, #tpu.memory_space<vmem>>
    %dma_start3A_16 = arith.constant 0 : i32
    %dma_start3A_17 = arith.constant 0 : i32
    %dma_start3A_18 = tpu.memref_slice %arg2[%dma_start3A_16, %dma_start3A_17] : memref<10000x128xf32, #tpu.memory_space<hbm>> -> memref<10000x128xf32, #tpu.memory_space<hbm>>
    %dma_start3A_19 = tpu.memref_slice %arg14[%dma_start3A_9] : memref<5x!tpu.dma_semaphore, #tpu.memory_space<semaphore_mem>> -> memref<1x!tpu.dma_semaphore, #tpu.memory_space<semaphore_mem>>
    %dma_start3A_20 = tpu.memref_squeeze %dma_start3A_19 : memref<1x!tpu.dma_semaphore, #tpu.memory_space<semaphore_mem>> -> memref<!tpu.dma_semaphore, #tpu.memory_space<semaphore_mem>>
    tpu.enqueue_indirect_dma source(%dma_start3A_18 : memref<10000x128xf32, #tpu.memory_space<hbm>>) target(%dma_start3A_13 : memref<40x128xf32, #tpu.memory_space<vmem>>) offsets(%dma_start3A_15 : memref<40xi32, #tpu.memory_space<vmem>>) semaphore(%dma_start3A_20 : memref<!tpu.dma_semaphore, #tpu.memory_space<semaphore_mem>>)
    %add3A_21 = arith.constant 0 : i32
    %add3A_22 = arith.addi %add3A_8, %add3A_21 : i32
    %dma_start3A_23 = arith.constant 0 : i32
    %dma_start3A_24 = tpu.memref_slice %arg3[%add3A_22] : memref<640000xi32, #tpu.memory_space<hbm>> -> memref<40xi32, #tpu.memory_space<hbm>>
    %dma_start3A_25 = tpu.memref_slice %arg16[%dma_start3A_23] : memref<5x!tpu.dma_semaphore, #tpu.memory_space<semaphore_mem>> -> memref<1x!tpu.dma_semaphore, #tpu.memory_space<semaphore_mem>>
    %dma_start3A_26 = tpu.memref_squeeze %dma_start3A_25 : memref<1x!tpu.dma_semaphore, #tpu.memory_space<semaphore_mem>> -> memref<!tpu.dma_semaphore, #tpu.memory_space<semaphore_mem>>
    %dma_start3A_27 = tpu.memref_slice %arg3[%add3A_22] : memref<640000xi32, #tpu.memory_space<hbm>> -> memref<40xi32, #tpu.memory_space<hbm>>
    tpu.enqueue_dma source(%dma_start3A_27 : memref<40xi32, #tpu.memory_space<hbm>>) target(%arg7 : memref<40xi32, #tpu.memory_space<vmem>>) target_semaphore(%dma_start3A_26 : memref<!tpu.dma_semaphore, #tpu.memory_space<semaphore_mem>>)
    %dma_start3A_28 = arith.constant 1 : i32
    %dma_start3A_29 = arith.constant 1 : i32
    %dma_start3A_30 = arith.constant 0 : i32
    %dma_start3A_31 = arith.constant 0 : i32
    %dma_start3A_32 = tpu.memref_slice %arg12[%dma_start3A_28, %dma_start3A_30, %dma_start3A_31] : memref<5x40x128xf32, #tpu.memory_space<vmem>> -> memref<1x40x128xf32, #tpu.memory_space<vmem>>
    %dma_start3A_33 = tpu.memref_squeeze %dma_start3A_32 : memref<1x40x128xf32, #tpu.memory_space<vmem>> -> memref<40x128xf32, #tpu.memory_space<vmem>>
    %dma_start3A_34 = arith.constant 40 : i32
    %dma_start3A_35 = tpu.memref_slice %arg6[%dma_start3A_34] : memref<10000xi32, #tpu.memory_space<vmem>> -> memref<40xi32, #tpu.memory_space<vmem>>
    %dma_start3A_36 = arith.constant 0 : i32
    %dma_start3A_37 = arith.constant 0 : i32
    %dma_start3A_38 = tpu.memref_slice %arg2[%dma_start3A_36, %dma_start3A_37] : memref<10000x128xf32, #tpu.memory_space<hbm>> -> memref<10000x128xf32, #tpu.memory_space<hbm>>
    %dma_start3A_39 = tpu.memref_slice %arg14[%dma_start3A_29] : memref<5x!tpu.dma_semaphore, #tpu.memory_space<semaphore_mem>> -> memref<1x!tpu.dma_semaphore, #tpu.memory_space<semaphore_mem>>
    %dma_start3A_40 = tpu.memref_squeeze %dma_start3A_39 : memref<1x!tpu.dma_semaphore, #tpu.memory_space<semaphore_mem>> -> memref<!tpu.dma_semaphore, #tpu.memory_space<semaphore_mem>>
    tpu.enqueue_indirect_dma source(%dma_start3A_38 : memref<10000x128xf32, #tpu.memory_space<hbm>>) target(%dma_start3A_33 : memref<40x128xf32, #tpu.memory_space<vmem>>) offsets(%dma_start3A_35 : memref<40xi32, #tpu.memory_space<vmem>>) semaphore(%dma_start3A_40 : memref<!tpu.dma_semaphore, #tpu.memory_space<semaphore_mem>>)
    %add3A_41 = arith.constant 40 : i32
    %add3A_42 = arith.addi %add3A_8, %add3A_41 : i32
    %dma_start3A_43 = arith.constant 1 : i32
    %dma_start3A_44 = tpu.memref_slice %arg3[%add3A_42] : memref<640000xi32, #tpu.memory_space<hbm>> -> memref<40xi32, #tpu.memory_space<hbm>>
    %dma_start3A_45 = tpu.memref_slice %arg16[%dma_start3A_43] : memref<5x!tpu.dma_semaphore, #tpu.memory_space<semaphore_mem>> -> memref<1x!tpu.dma_semaphore, #tpu.memory_space<semaphore_mem>>
    %dma_start3A_46 = tpu.memref_squeeze %dma_start3A_45 : memref<1x!tpu.dma_semaphore, #tpu.memory_space<semaphore_mem>> -> memref<!tpu.dma_semaphore, #tpu.memory_space<semaphore_mem>>
    %dma_start3A_47 = tpu.memref_slice %arg3[%add3A_42] : memref<640000xi32, #tpu.memory_space<hbm>> -> memref<40xi32, #tpu.memory_space<hbm>>
    tpu.enqueue_dma source(%dma_start3A_47 : memref<40xi32, #tpu.memory_space<hbm>>) target(%arg8 : memref<40xi32, #tpu.memory_space<vmem>>) target_semaphore(%dma_start3A_46 : memref<!tpu.dma_semaphore, #tpu.memory_space<semaphore_mem>>)
    %dma_start3A_48 = arith.constant 2 : i32
    %dma_start3A_49 = arith.constant 2 : i32
    %dma_start3A_50 = arith.constant 0 : i32
    %dma_start3A_51 = arith.constant 0 : i32
    %dma_start3A_52 = tpu.memref_slice %arg12[%dma_start3A_48, %dma_start3A_50, %dma_start3A_51] : memref<5x40x128xf32, #tpu.memory_space<vmem>> -> memref<1x40x128xf32, #tpu.memory_space<vmem>>
    %dma_start3A_53 = tpu.memref_squeeze %dma_start3A_52 : memref<1x40x128xf32, #tpu.memory_space<vmem>> -> memref<40x128xf32, #tpu.memory_space<vmem>>
    %dma_start3A_54 = arith.constant 80 : i32
    %dma_start3A_55 = tpu.memref_slice %arg6[%dma_start3A_54] : memref<10000xi32, #tpu.memory_space<vmem>> -> memref<40xi32, #tpu.memory_space<vmem>>
    %dma_start3A_56 = arith.constant 0 : i32
    %dma_start3A_57 = arith.constant 0 : i32
    %dma_start3A_58 = tpu.memref_slice %arg2[%dma_start3A_56, %dma_start3A_57] : memref<10000x128xf32, #tpu.memory_space<hbm>> -> memref<10000x128xf32, #tpu.memory_space<hbm>>
    %dma_start3A_59 = tpu.memref_slice %arg14[%dma_start3A_49] : memref<5x!tpu.dma_semaphore, #tpu.memory_space<semaphore_mem>> -> memref<1x!tpu.dma_semaphore, #tpu.memory_space<semaphore_mem>>
    %dma_start3A_60 = tpu.memref_squeeze %dma_start3A_59 : memref<1x!tpu.dma_semaphore, #tpu.memory_space<semaphore_mem>> -> memref<!tpu.dma_semaphore, #tpu.memory_space<semaphore_mem>>
    tpu.enqueue_indirect_dma source(%dma_start3A_58 : memref<10000x128xf32, #tpu.memory_space<hbm>>) target(%dma_start3A_53 : memref<40x128xf32, #tpu.memory_space<vmem>>) offsets(%dma_start3A_55 : memref<40xi32, #tpu.memory_space<vmem>>) semaphore(%dma_start3A_60 : memref<!tpu.dma_semaphore, #tpu.memory_space<semaphore_mem>>)
    %add3A_61 = arith.constant 80 : i32
    %add3A_62 = arith.addi %add3A_8, %add3A_61 : i32
    %dma_start3A_63 = arith.constant 2 : i32
    %dma_start3A_64 = tpu.memref_slice %arg3[%add3A_62] : memref<640000xi32, #tpu.memory_space<hbm>> -> memref<40xi32, #tpu.memory_space<hbm>>
    %dma_start3A_65 = tpu.memref_slice %arg16[%dma_start3A_63] : memref<5x!tpu.dma_semaphore, #tpu.memory_space<semaphore_mem>> -> memref<1x!tpu.dma_semaphore, #tpu.memory_space<semaphore_mem>>
    %dma_start3A_66 = tpu.memref_squeeze %dma_start3A_65 : memref<1x!tpu.dma_semaphore, #tpu.memory_space<semaphore_mem>> -> memref<!tpu.dma_semaphore, #tpu.memory_space<semaphore_mem>>
    %dma_start3A_67 = tpu.memref_slice %arg3[%add3A_62] : memref<640000xi32, #tpu.memory_space<hbm>> -> memref<40xi32, #tpu.memory_space<hbm>>
    tpu.enqueue_dma source(%dma_start3A_67 : memref<40xi32, #tpu.memory_space<hbm>>) target(%arg9 : memref<40xi32, #tpu.memory_space<vmem>>) target_semaphore(%dma_start3A_66 : memref<!tpu.dma_semaphore, #tpu.memory_space<semaphore_mem>>)
    %dma_start3A_68 = arith.constant 3 : i32
    %dma_start3A_69 = arith.constant 3 : i32
    %dma_start3A_70 = arith.constant 0 : i32
    %dma_start3A_71 = arith.constant 0 : i32
    %dma_start3A_72 = tpu.memref_slice %arg12[%dma_start3A_68, %dma_start3A_70, %dma_start3A_71] : memref<5x40x128xf32, #tpu.memory_space<vmem>> -> memref<1x40x128xf32, #tpu.memory_space<vmem>>
    %dma_start3A_73 = tpu.memref_squeeze %dma_start3A_72 : memref<1x40x128xf32, #tpu.memory_space<vmem>> -> memref<40x128xf32, #tpu.memory_space<vmem>>
    %dma_start3A_74 = arith.constant 120 : i32
    %dma_start3A_75 = tpu.memref_slice %arg6[%dma_start3A_74] : memref<10000xi32, #tpu.memory_space<vmem>> -> memref<40xi32, #tpu.memory_space<vmem>>
    %dma_start3A_76 = arith.constant 0 : i32
    %dma_start3A_77 = arith.constant 0 : i32
    %dma_start3A_78 = tpu.memref_slice %arg2[%dma_start3A_76, %dma_start3A_77] : memref<10000x128xf32, #tpu.memory_space<hbm>> -> memref<10000x128xf32, #tpu.memory_space<hbm>>
    %dma_start3A_79 = tpu.memref_slice %arg14[%dma_start3A_69] : memref<5x!tpu.dma_semaphore, #tpu.memory_space<semaphore_mem>> -> memref<1x!tpu.dma_semaphore, #tpu.memory_space<semaphore_mem>>
    %dma_start3A_80 = tpu.memref_squeeze %dma_start3A_79 : memref<1x!tpu.dma_semaphore, #tpu.memory_space<semaphore_mem>> -> memref<!tpu.dma_semaphore, #tpu.memory_space<semaphore_mem>>
    tpu.enqueue_indirect_dma source(%dma_start3A_78 : memref<10000x128xf32, #tpu.memory_space<hbm>>) target(%dma_start3A_73 : memref<40x128xf32, #tpu.memory_space<vmem>>) offsets(%dma_start3A_75 : memref<40xi32, #tpu.memory_space<vmem>>) semaphore(%dma_start3A_80 : memref<!tpu.dma_semaphore, #tpu.memory_space<semaphore_mem>>)
    %add3A_81 = arith.constant 120 : i32
    %add3A_82 = arith.addi %add3A_8, %add3A_81 : i32
    %dma_start3A_83 = arith.constant 3 : i32
    %dma_start3A_84 = tpu.memref_slice %arg3[%add3A_82] : memref<640000xi32, #tpu.memory_space<hbm>> -> memref<40xi32, #tpu.memory_space<hbm>>
    %dma_start3A_85 = tpu.memref_slice %arg16[%dma_start3A_83] : memref<5x!tpu.dma_semaphore, #tpu.memory_space<semaphore_mem>> -> memref<1x!tpu.dma_semaphore, #tpu.memory_space<semaphore_mem>>
    %dma_start3A_86 = tpu.memref_squeeze %dma_start3A_85 : memref<1x!tpu.dma_semaphore, #tpu.memory_space<semaphore_mem>> -> memref<!tpu.dma_semaphore, #tpu.memory_space<semaphore_mem>>
    %dma_start3A_87 = tpu.memref_slice %arg3[%add3A_82] : memref<640000xi32, #tpu.memory_space<hbm>> -> memref<40xi32, #tpu.memory_space<hbm>>
    tpu.enqueue_dma source(%dma_start3A_87 : memref<40xi32, #tpu.memory_space<hbm>>) target(%arg10 : memref<40xi32, #tpu.memory_space<vmem>>) target_semaphore(%dma_start3A_86 : memref<!tpu.dma_semaphore, #tpu.memory_space<semaphore_mem>>)
    %dma_start3A_88 = arith.constant 4 : i32
    %dma_start3A_89 = arith.constant 4 : i32
    %dma_start3A_90 = arith.constant 0 : i32
    %dma_start3A_91 = arith.constant 0 : i32
    %dma_start3A_92 = tpu.memref_slice %arg12[%dma_start3A_88, %dma_start3A_90, %dma_start3A_91] : memref<5x40x128xf32, #tpu.memory_space<vmem>> -> memref<1x40x128xf32, #tpu.memory_space<vmem>>
    %dma_start3A_93 = tpu.memref_squeeze %dma_start3A_92 : memref<1x40x128xf32, #tpu.memory_space<vmem>> -> memref<40x128xf32, #tpu.memory_space<vmem>>
    %dma_start3A_94 = arith.constant 160 : i32
    %dma_start3A_95 = tpu.memref_slice %arg6[%dma_start3A_94] : memref<10000xi32, #tpu.memory_space<vmem>> -> memref<40xi32, #tpu.memory_space<vmem>>
    %dma_start3A_96 = arith.constant 0 : i32
    %dma_start3A_97 = arith.constant 0 : i32
    %dma_start3A_98 = tpu.memref_slice %arg2[%dma_start3A_96, %dma_start3A_97] : memref<10000x128xf32, #tpu.memory_space<hbm>> -> memref<10000x128xf32, #tpu.memory_space<hbm>>
    %dma_start3A_99 = tpu.memref_slice %arg14[%dma_start3A_89] : memref<5x!tpu.dma_semaphore, #tpu.memory_space<semaphore_mem>> -> memref<1x!tpu.dma_semaphore, #tpu.memory_space<semaphore_mem>>
    %dma_start3A_100 = tpu.memref_squeeze %dma_start3A_99 : memref<1x!tpu.dma_semaphore, #tpu.memory_space<semaphore_mem>> -> memref<!tpu.dma_semaphore, #tpu.memory_space<semaphore_mem>>
    tpu.enqueue_indirect_dma source(%dma_start3A_98 : memref<10000x128xf32, #tpu.memory_space<hbm>>) target(%dma_start3A_93 : memref<40x128xf32, #tpu.memory_space<vmem>>) offsets(%dma_start3A_95 : memref<40xi32, #tpu.memory_space<vmem>>) semaphore(%dma_start3A_100 : memref<!tpu.dma_semaphore, #tpu.memory_space<semaphore_mem>>)
    %add3A_101 = arith.constant 160 : i32
    %add3A_102 = arith.addi %add3A_8, %add3A_101 : i32
    %dma_start3A_103 = arith.constant 4 : i32
    %dma_start3A_104 = tpu.memref_slice %arg3[%add3A_102] : memref<640000xi32, #tpu.memory_space<hbm>> -> memref<40xi32, #tpu.memory_space<hbm>>
    %dma_start3A_105 = tpu.memref_slice %arg16[%dma_start3A_103] : memref<5x!tpu.dma_semaphore, #tpu.memory_space<semaphore_mem>> -> memref<1x!tpu.dma_semaphore, #tpu.memory_space<semaphore_mem>>
    %dma_start3A_106 = tpu.memref_squeeze %dma_start3A_105 : memref<1x!tpu.dma_semaphore, #tpu.memory_space<semaphore_mem>> -> memref<!tpu.dma_semaphore, #tpu.memory_space<semaphore_mem>>
    %dma_start3A_107 = tpu.memref_slice %arg3[%add3A_102] : memref<640000xi32, #tpu.memory_space<hbm>> -> memref<40xi32, #tpu.memory_space<hbm>>
    tpu.enqueue_dma source(%dma_start3A_107 : memref<40xi32, #tpu.memory_space<hbm>>) target(%arg11 : memref<40xi32, #tpu.memory_space<vmem>>) target_semaphore(%dma_start3A_106 : memref<!tpu.dma_semaphore, #tpu.memory_space<semaphore_mem>>)
    %scan3A = arith.constant 0 : i32
    %scan3A_108 = arith.constant 49 : i32
    %scan3A_109 = arith.addi %scan3A, %scan3A_108 : i32
    %scan3A_110 = arith.constant 1 : i32
    scf.for %scan3A_312 = %scan3A to %scan3A_109 step %scan3A_110  : i32 {
      %mul3A_313 = arith.constant 1 : i32
      %mul3A_314 = arith.muli %scan3A_312, %mul3A_313 : i32
      %add3A_315 = arith.constant 0 : i32
      %add3A_316 = arith.addi %add3A_315, %mul3A_314 : i32
      %mul3A_317 = arith.constant 5 : i32
      %mul3A_318 = arith.muli %add3A_316, %mul3A_317 : i32
      %add3A_319 = arith.constant 0 : i32
      %add3A_320 = arith.addi %mul3A_318, %add3A_319 : i32
      %dma_wait3A_321 = arith.constant 0 : i32
      %dma_wait3A_322 = tpu.memref_slice %arg3[%add3A_8] : memref<640000xi32, #tpu.memory_space<hbm>> -> memref<40xi32, #tpu.memory_space<hbm>>
      %dma_wait3A_323 = tpu.memref_slice %arg16[%dma_wait3A_321] : memref<5x!tpu.dma_semaphore, #tpu.memory_space<semaphore_mem>> -> memref<1x!tpu.dma_semaphore, #tpu.memory_space<semaphore_mem>>
      %dma_wait3A_324 = tpu.memref_squeeze %dma_wait3A_323 : memref<1x!tpu.dma_semaphore, #tpu.memory_space<semaphore_mem>> -> memref<!tpu.dma_semaphore, #tpu.memory_space<semaphore_mem>>
      %dma_wait3A_325 = tpu.memref_slice %arg3[%add3A_8] : memref<640000xi32, #tpu.memory_space<hbm>> -> memref<40xi32, #tpu.memory_space<hbm>>
      tpu.wait_dma2 semaphore(%dma_wait3A_324 : memref<!tpu.dma_semaphore, #tpu.memory_space<semaphore_mem>>) src(%dma_wait3A_325 : memref<40xi32, #tpu.memory_space<hbm>>) dst(%arg7 : memref<40xi32, #tpu.memory_space<vmem>>)
      %dma_wait3A_326 = arith.constant 0 : i32
      %dma_wait3A_327 = arith.constant 0 : i32
      %dma_wait3A_328 = arith.constant 0 : i32
      %dma_wait3A_329 = arith.constant 0 : i32
      %dma_wait3A_330 = tpu.memref_slice %arg12[%dma_wait3A_326, %dma_wait3A_328, %dma_wait3A_329] : memref<5x40x128xf32, #tpu.memory_space<vmem>> -> memref<1x40x128xf32, #tpu.memory_space<vmem>>
      %dma_wait3A_331 = tpu.memref_squeeze %dma_wait3A_330 : memref<1x40x128xf32, #tpu.memory_space<vmem>> -> memref<40x128xf32, #tpu.memory_space<vmem>>
      %dma_wait3A_332 = arith.constant 0 : i32
      %dma_wait3A_333 = tpu.memref_slice %arg6[%dma_wait3A_332] : memref<10000xi32, #tpu.memory_space<vmem>> -> memref<40xi32, #tpu.memory_space<vmem>>
      %dma_wait3A_334 = arith.constant 0 : i32
      %dma_wait3A_335 = arith.constant 0 : i32
      %dma_wait3A_336 = tpu.memref_slice %arg2[%dma_wait3A_334, %dma_wait3A_335] : memref<10000x128xf32, #tpu.memory_space<hbm>> -> memref<10000x128xf32, #tpu.memory_space<hbm>>
      %dma_wait3A_337 = tpu.memref_slice %arg14[%dma_wait3A_327] : memref<5x!tpu.dma_semaphore, #tpu.memory_space<semaphore_mem>> -> memref<1x!tpu.dma_semaphore, #tpu.memory_space<semaphore_mem>>
      %dma_wait3A_338 = tpu.memref_squeeze %dma_wait3A_337 : memref<1x!tpu.dma_semaphore, #tpu.memory_space<semaphore_mem>> -> memref<!tpu.dma_semaphore, #tpu.memory_space<semaphore_mem>>
      tpu.wait_indirect_dma semaphore(%dma_wait3A_338 : memref<!tpu.dma_semaphore, #tpu.memory_space<semaphore_mem>>) src(%dma_wait3A_336 : memref<10000x128xf32, #tpu.memory_space<hbm>>) dst(%dma_wait3A_331 : memref<40x128xf32, #tpu.memory_space<vmem>>)
      %dma_start3A_339 = arith.constant 0 : i32
      %dma_start3A_340 = arith.constant 0 : i32
      %dma_start3A_341 = arith.constant 0 : i32
      %dma_start3A_342 = arith.constant 0 : i32
      %dma_start3A_343 = tpu.memref_slice %arg12[%dma_start3A_339, %dma_start3A_341, %dma_start3A_342] : memref<5x40x128xf32, #tpu.memory_space<vmem>> -> memref<1x40x128xf32, #tpu.memory_space<vmem>>
      %dma_start3A_344 = tpu.memref_squeeze %dma_start3A_343 : memref<1x40x128xf32, #tpu.memory_space<vmem>> -> memref<40x128xf32, #tpu.memory_space<vmem>>
      %dma_start3A_345 = arith.constant 0 : i32
      %dma_start3A_346 = arith.constant 0 : i32
      %dma_start3A_347 = tpu.memref_slice %arg13[%dma_start3A_345, %dma_start3A_346] : memref<10240x128xf32, #tpu.memory_space<vmem_shared>> -> memref<10240x128xf32, #tpu.memory_space<vmem_shared>>
      %dma_start3A_348 = tpu.memref_slice %arg15[%dma_start3A_340] : memref<5x!tpu.dma_semaphore, #tpu.memory_space<semaphore_mem>> -> memref<1x!tpu.dma_semaphore, #tpu.memory_space<semaphore_mem>>
      %dma_start3A_349 = tpu.memref_squeeze %dma_start3A_348 : memref<1x!tpu.dma_semaphore, #tpu.memory_space<semaphore_mem>> -> memref<!tpu.dma_semaphore, #tpu.memory_space<semaphore_mem>>
      tpu.enqueue_indirect_dma source(%dma_start3A_344 : memref<40x128xf32, #tpu.memory_space<vmem>>) target(%dma_start3A_347 : memref<10240x128xf32, #tpu.memory_space<vmem_shared>>) offsets(%arg7 : memref<40xi32, #tpu.memory_space<vmem>>) semaphore(%dma_start3A_349 : memref<!tpu.dma_semaphore, #tpu.memory_space<semaphore_mem>>) {add = true}
      %dma_wait3A_350 = arith.constant 0 : i32
      %dma_wait3A_351 = arith.constant 0 : i32
      %dma_wait3A_352 = arith.constant 0 : i32
      %dma_wait3A_353 = arith.constant 0 : i32
      %dma_wait3A_354 = tpu.memref_slice %arg12[%dma_wait3A_350, %dma_wait3A_352, %dma_wait3A_353] : memref<5x40x128xf32, #tpu.memory_space<vmem>> -> memref<1x40x128xf32, #tpu.memory_space<vmem>>
      %dma_wait3A_355 = tpu.memref_squeeze %dma_wait3A_354 : memref<1x40x128xf32, #tpu.memory_space<vmem>> -> memref<40x128xf32, #tpu.memory_space<vmem>>
      %dma_wait3A_356 = arith.constant 0 : i32
      %dma_wait3A_357 = arith.constant 0 : i32
      %dma_wait3A_358 = tpu.memref_slice %arg13[%dma_wait3A_356, %dma_wait3A_357] : memref<10240x128xf32, #tpu.memory_space<vmem_shared>> -> memref<10240x128xf32, #tpu.memory_space<vmem_shared>>
      %dma_wait3A_359 = tpu.memref_slice %arg15[%dma_wait3A_351] : memref<5x!tpu.dma_semaphore, #tpu.memory_space<semaphore_mem>> -> memref<1x!tpu.dma_semaphore, #tpu.memory_space<semaphore_mem>>
      %dma_wait3A_360 = tpu.memref_squeeze %dma_wait3A_359 : memref<1x!tpu.dma_semaphore, #tpu.memory_space<semaphore_mem>> -> memref<!tpu.dma_semaphore, #tpu.memory_space<semaphore_mem>>
      tpu.wait_indirect_dma semaphore(%dma_wait3A_360 : memref<!tpu.dma_semaphore, #tpu.memory_space<semaphore_mem>>) src(%dma_wait3A_355 : memref<40x128xf32, #tpu.memory_space<vmem>>) dst(%dma_wait3A_358 : memref<10240x128xf32, #tpu.memory_space<vmem_shared>>)
      %add3A_361 = arith.constant 5 : i32
      %add3A_362 = arith.addi %add3A_320, %add3A_361 : i32
      %mul3A_363 = arith.constant 40 : i32
      %mul3A_364 = arith.muli %add3A_362, %mul3A_363 : i32
      %dma_start3A_365 = arith.constant 0 : i32
      %dma_start3A_366 = arith.constant 0 : i32
      %dma_start3A_367 = arith.constant 0 : i32
      %dma_start3A_368 = arith.constant 0 : i32
      %dma_start3A_369 = tpu.memref_slice %arg12[%dma_start3A_365, %dma_start3A_367, %dma_start3A_368] : memref<5x40x128xf32, #tpu.memory_space<vmem>> -> memref<1x40x128xf32, #tpu.memory_space<vmem>>
      %dma_start3A_370 = tpu.memref_squeeze %dma_start3A_369 : memref<1x40x128xf32, #tpu.memory_space<vmem>> -> memref<40x128xf32, #tpu.memory_space<vmem>>
      %dma_start3A_371 = tpu.memref_slice %arg6[%mul3A_364] : memref<10000xi32, #tpu.memory_space<vmem>> -> memref<40xi32, #tpu.memory_space<vmem>>
      %dma_start3A_372 = arith.constant 0 : i32
      %dma_start3A_373 = arith.constant 0 : i32
      %dma_start3A_374 = tpu.memref_slice %arg2[%dma_start3A_372, %dma_start3A_373] : memref<10000x128xf32, #tpu.memory_space<hbm>> -> memref<10000x128xf32, #tpu.memory_space<hbm>>
      %dma_start3A_375 = tpu.memref_slice %arg14[%dma_start3A_366] : memref<5x!tpu.dma_semaphore, #tpu.memory_space<semaphore_mem>> -> memref<1x!tpu.dma_semaphore, #tpu.memory_space<semaphore_mem>>
      %dma_start3A_376 = tpu.memref_squeeze %dma_start3A_375 : memref<1x!tpu.dma_semaphore, #tpu.memory_space<semaphore_mem>> -> memref<!tpu.dma_semaphore, #tpu.memory_space<semaphore_mem>>
      tpu.enqueue_indirect_dma source(%dma_start3A_374 : memref<10000x128xf32, #tpu.memory_space<hbm>>) target(%dma_start3A_370 : memref<40x128xf32, #tpu.memory_space<vmem>>) offsets(%dma_start3A_371 : memref<40xi32, #tpu.memory_space<vmem>>) semaphore(%dma_start3A_376 : memref<!tpu.dma_semaphore, #tpu.memory_space<semaphore_mem>>)
      %mul3A_377 = arith.constant 40 : i32
      %mul3A_378 = arith.muli %add3A_362, %mul3A_377 : i32
      %add3A_379 = arith.addi %add3A_8, %mul3A_378 : i32
      %dma_start3A_380 = arith.constant 0 : i32
      %dma_start3A_381 = tpu.memref_slice %arg3[%add3A_379] : memref<640000xi32, #tpu.memory_space<hbm>> -> memref<40xi32, #tpu.memory_space<hbm>>
      %dma_start3A_382 = tpu.memref_slice %arg16[%dma_start3A_380] : memref<5x!tpu.dma_semaphore, #tpu.memory_space<semaphore_mem>> -> memref<1x!tpu.dma_semaphore, #tpu.memory_space<semaphore_mem>>
      %dma_start3A_383 = tpu.memref_squeeze %dma_start3A_382 : memref<1x!tpu.dma_semaphore, #tpu.memory_space<semaphore_mem>> -> memref<!tpu.dma_semaphore, #tpu.memory_space<semaphore_mem>>
      %dma_start3A_384 = tpu.memref_slice %arg3[%add3A_379] : memref<640000xi32, #tpu.memory_space<hbm>> -> memref<40xi32, #tpu.memory_space<hbm>>
      tpu.enqueue_dma source(%dma_start3A_384 : memref<40xi32, #tpu.memory_space<hbm>>) target(%arg7 : memref<40xi32, #tpu.memory_space<vmem>>) target_semaphore(%dma_start3A_383 : memref<!tpu.dma_semaphore, #tpu.memory_space<semaphore_mem>>)
      %add3A_385 = arith.constant 1 : i32
      %add3A_386 = arith.addi %mul3A_318, %add3A_385 : i32
      %dma_wait3A_387 = arith.constant 1 : i32
      %dma_wait3A_388 = tpu.memref_slice %arg3[%add3A_8] : memref<640000xi32, #tpu.memory_space<hbm>> -> memref<40xi32, #tpu.memory_space<hbm>>
      %dma_wait3A_389 = tpu.memref_slice %arg16[%dma_wait3A_387] : memref<5x!tpu.dma_semaphore, #tpu.memory_space<semaphore_mem>> -> memref<1x!tpu.dma_semaphore, #tpu.memory_space<semaphore_mem>>
      %dma_wait3A_390 = tpu.memref_squeeze %dma_wait3A_389 : memref<1x!tpu.dma_semaphore, #tpu.memory_space<semaphore_mem>> -> memref<!tpu.dma_semaphore, #tpu.memory_space<semaphore_mem>>
      %dma_wait3A_391 = tpu.memref_slice %arg3[%add3A_8] : memref<640000xi32, #tpu.memory_space<hbm>> -> memref<40xi32, #tpu.memory_space<hbm>>
      tpu.wait_dma2 semaphore(%dma_wait3A_390 : memref<!tpu.dma_semaphore, #tpu.memory_space<semaphore_mem>>) src(%dma_wait3A_391 : memref<40xi32, #tpu.memory_space<hbm>>) dst(%arg8 : memref<40xi32, #tpu.memory_space<vmem>>)
      %dma_wait3A_392 = arith.constant 1 : i32
      %dma_wait3A_393 = arith.constant 1 : i32
      %dma_wait3A_394 = arith.constant 0 : i32
      %dma_wait3A_395 = arith.constant 0 : i32
      %dma_wait3A_396 = tpu.memref_slice %arg12[%dma_wait3A_392, %dma_wait3A_394, %dma_wait3A_395] : memref<5x40x128xf32, #tpu.memory_space<vmem>> -> memref<1x40x128xf32, #tpu.memory_space<vmem>>
      %dma_wait3A_397 = tpu.memref_squeeze %dma_wait3A_396 : memref<1x40x128xf32, #tpu.memory_space<vmem>> -> memref<40x128xf32, #tpu.memory_space<vmem>>
      %dma_wait3A_398 = arith.constant 0 : i32
      %dma_wait3A_399 = tpu.memref_slice %arg6[%dma_wait3A_398] : memref<10000xi32, #tpu.memory_space<vmem>> -> memref<40xi32, #tpu.memory_space<vmem>>
      %dma_wait3A_400 = arith.constant 0 : i32
      %dma_wait3A_401 = arith.constant 0 : i32
      %dma_wait3A_402 = tpu.memref_slice %arg2[%dma_wait3A_400, %dma_wait3A_401] : memref<10000x128xf32, #tpu.memory_space<hbm>> -> memref<10000x128xf32, #tpu.memory_space<hbm>>
      %dma_wait3A_403 = tpu.memref_slice %arg14[%dma_wait3A_393] : memref<5x!tpu.dma_semaphore, #tpu.memory_space<semaphore_mem>> -> memref<1x!tpu.dma_semaphore, #tpu.memory_space<semaphore_mem>>
      %dma_wait3A_404 = tpu.memref_squeeze %dma_wait3A_403 : memref<1x!tpu.dma_semaphore, #tpu.memory_space<semaphore_mem>> -> memref<!tpu.dma_semaphore, #tpu.memory_space<semaphore_mem>>
      tpu.wait_indirect_dma semaphore(%dma_wait3A_404 : memref<!tpu.dma_semaphore, #tpu.memory_space<semaphore_mem>>) src(%dma_wait3A_402 : memref<10000x128xf32, #tpu.memory_space<hbm>>) dst(%dma_wait3A_397 : memref<40x128xf32, #tpu.memory_space<vmem>>)
      %dma_start3A_405 = arith.constant 1 : i32
      %dma_start3A_406 = arith.constant 1 : i32
      %dma_start3A_407 = arith.constant 0 : i32
      %dma_start3A_408 = arith.constant 0 : i32
      %dma_start3A_409 = tpu.memref_slice %arg12[%dma_start3A_405, %dma_start3A_407, %dma_start3A_408] : memref<5x40x128xf32, #tpu.memory_space<vmem>> -> memref<1x40x128xf32, #tpu.memory_space<vmem>>
      %dma_start3A_410 = tpu.memref_squeeze %dma_start3A_409 : memref<1x40x128xf32, #tpu.memory_space<vmem>> -> memref<40x128xf32, #tpu.memory_space<vmem>>
      %dma_start3A_411 = arith.constant 0 : i32
      %dma_start3A_412 = arith.constant 0 : i32
      %dma_start3A_413 = tpu.memref_slice %arg13[%dma_start3A_411, %dma_start3A_412] : memref<10240x128xf32, #tpu.memory_space<vmem_shared>> -> memref<10240x128xf32, #tpu.memory_space<vmem_shared>>
      %dma_start3A_414 = tpu.memref_slice %arg15[%dma_start3A_406] : memref<5x!tpu.dma_semaphore, #tpu.memory_space<semaphore_mem>> -> memref<1x!tpu.dma_semaphore, #tpu.memory_space<semaphore_mem>>
      %dma_start3A_415 = tpu.memref_squeeze %dma_start3A_414 : memref<1x!tpu.dma_semaphore, #tpu.memory_space<semaphore_mem>> -> memref<!tpu.dma_semaphore, #tpu.memory_space<semaphore_mem>>
      tpu.enqueue_indirect_dma source(%dma_start3A_410 : memref<40x128xf32, #tpu.memory_space<vmem>>) target(%dma_start3A_413 : memref<10240x128xf32, #tpu.memory_space<vmem_shared>>) offsets(%arg8 : memref<40xi32, #tpu.memory_space<vmem>>) semaphore(%dma_start3A_415 : memref<!tpu.dma_semaphore, #tpu.memory_space<semaphore_mem>>) {add = true}
      %dma_wait3A_416 = arith.constant 1 : i32
      %dma_wait3A_417 = arith.constant 1 : i32
      %dma_wait3A_418 = arith.constant 0 : i32
      %dma_wait3A_419 = arith.constant 0 : i32
      %dma_wait3A_420 = tpu.memref_slice %arg12[%dma_wait3A_416, %dma_wait3A_418, %dma_wait3A_419] : memref<5x40x128xf32, #tpu.memory_space<vmem>> -> memref<1x40x128xf32, #tpu.memory_space<vmem>>
      %dma_wait3A_421 = tpu.memref_squeeze %dma_wait3A_420 : memref<1x40x128xf32, #tpu.memory_space<vmem>> -> memref<40x128xf32, #tpu.memory_space<vmem>>
      %dma_wait3A_422 = arith.constant 0 : i32
      %dma_wait3A_423 = arith.constant 0 : i32
      %dma_wait3A_424 = tpu.memref_slice %arg13[%dma_wait3A_422, %dma_wait3A_423] : memref<10240x128xf32, #tpu.memory_space<vmem_shared>> -> memref<10240x128xf32, #tpu.memory_space<vmem_shared>>
      %dma_wait3A_425 = tpu.memref_slice %arg15[%dma_wait3A_417] : memref<5x!tpu.dma_semaphore, #tpu.memory_space<semaphore_mem>> -> memref<1x!tpu.dma_semaphore, #tpu.memory_space<semaphore_mem>>
      %dma_wait3A_426 = tpu.memref_squeeze %dma_wait3A_425 : memref<1x!tpu.dma_semaphore, #tpu.memory_space<semaphore_mem>> -> memref<!tpu.dma_semaphore, #tpu.memory_space<semaphore_mem>>
      tpu.wait_indirect_dma semaphore(%dma_wait3A_426 : memref<!tpu.dma_semaphore, #tpu.memory_space<semaphore_mem>>) src(%dma_wait3A_421 : memref<40x128xf32, #tpu.memory_space<vmem>>) dst(%dma_wait3A_424 : memref<10240x128xf32, #tpu.memory_space<vmem_shared>>)
      %add3A_427 = arith.constant 5 : i32
      %add3A_428 = arith.addi %add3A_386, %add3A_427 : i32
      %mul3A_429 = arith.constant 40 : i32
      %mul3A_430 = arith.muli %add3A_428, %mul3A_429 : i32
      %dma_start3A_431 = arith.constant 1 : i32
      %dma_start3A_432 = arith.constant 1 : i32
      %dma_start3A_433 = arith.constant 0 : i32
      %dma_start3A_434 = arith.constant 0 : i32
      %dma_start3A_435 = tpu.memref_slice %arg12[%dma_start3A_431, %dma_start3A_433, %dma_start3A_434] : memref<5x40x128xf32, #tpu.memory_space<vmem>> -> memref<1x40x128xf32, #tpu.memory_space<vmem>>
      %dma_start3A_436 = tpu.memref_squeeze %dma_start3A_435 : memref<1x40x128xf32, #tpu.memory_space<vmem>> -> memref<40x128xf32, #tpu.memory_space<vmem>>
      %dma_start3A_437 = tpu.memref_slice %arg6[%mul3A_430] : memref<10000xi32, #tpu.memory_space<vmem>> -> memref<40xi32, #tpu.memory_space<vmem>>
      %dma_start3A_438 = arith.constant 0 : i32
      %dma_start3A_439 = arith.constant 0 : i32
      %dma_start3A_440 = tpu.memref_slice %arg2[%dma_start3A_438, %dma_start3A_439] : memref<10000x128xf32, #tpu.memory_space<hbm>> -> memref<10000x128xf32, #tpu.memory_space<hbm>>
      %dma_start3A_441 = tpu.memref_slice %arg14[%dma_start3A_432] : memref<5x!tpu.dma_semaphore, #tpu.memory_space<semaphore_mem>> -> memref<1x!tpu.dma_semaphore, #tpu.memory_space<semaphore_mem>>
      %dma_start3A_442 = tpu.memref_squeeze %dma_start3A_441 : memref<1x!tpu.dma_semaphore, #tpu.memory_space<semaphore_mem>> -> memref<!tpu.dma_semaphore, #tpu.memory_space<semaphore_mem>>
      tpu.enqueue_indirect_dma source(%dma_start3A_440 : memref<10000x128xf32, #tpu.memory_space<hbm>>) target(%dma_start3A_436 : memref<40x128xf32, #tpu.memory_space<vmem>>) offsets(%dma_start3A_437 : memref<40xi32, #tpu.memory_space<vmem>>) semaphore(%dma_start3A_442 : memref<!tpu.dma_semaphore, #tpu.memory_space<semaphore_mem>>)
      %mul3A_443 = arith.constant 40 : i32
      %mul3A_444 = arith.muli %add3A_428, %mul3A_443 : i32
      %add3A_445 = arith.addi %add3A_8, %mul3A_444 : i32
      %dma_start3A_446 = arith.constant 1 : i32
      %dma_start3A_447 = tpu.memref_slice %arg3[%add3A_445] : memref<640000xi32, #tpu.memory_space<hbm>> -> memref<40xi32, #tpu.memory_space<hbm>>
      %dma_start3A_448 = tpu.memref_slice %arg16[%dma_start3A_446] : memref<5x!tpu.dma_semaphore, #tpu.memory_space<semaphore_mem>> -> memref<1x!tpu.dma_semaphore, #tpu.memory_space<semaphore_mem>>
      %dma_start3A_449 = tpu.memref_squeeze %dma_start3A_448 : memref<1x!tpu.dma_semaphore, #tpu.memory_space<semaphore_mem>> -> memref<!tpu.dma_semaphore, #tpu.memory_space<semaphore_mem>>
      %dma_start3A_450 = tpu.memref_slice %arg3[%add3A_445] : memref<640000xi32, #tpu.memory_space<hbm>> -> memref<40xi32, #tpu.memory_space<hbm>>
      tpu.enqueue_dma source(%dma_start3A_450 : memref<40xi32, #tpu.memory_space<hbm>>) target(%arg8 : memref<40xi32, #tpu.memory_space<vmem>>) target_semaphore(%dma_start3A_449 : memref<!tpu.dma_semaphore, #tpu.memory_space<semaphore_mem>>)
      %add3A_451 = arith.constant 2 : i32
      %add3A_452 = arith.addi %mul3A_318, %add3A_451 : i32
      %dma_wait3A_453 = arith.constant 2 : i32
      %dma_wait3A_454 = tpu.memref_slice %arg3[%add3A_8] : memref<640000xi32, #tpu.memory_space<hbm>> -> memref<40xi32, #tpu.memory_space<hbm>>
      %dma_wait3A_455 = tpu.memref_slice %arg16[%dma_wait3A_453] : memref<5x!tpu.dma_semaphore, #tpu.memory_space<semaphore_mem>> -> memref<1x!tpu.dma_semaphore, #tpu.memory_space<semaphore_mem>>
      %dma_wait3A_456 = tpu.memref_squeeze %dma_wait3A_455 : memref<1x!tpu.dma_semaphore, #tpu.memory_space<semaphore_mem>> -> memref<!tpu.dma_semaphore, #tpu.memory_space<semaphore_mem>>
      %dma_wait3A_457 = tpu.memref_slice %arg3[%add3A_8] : memref<640000xi32, #tpu.memory_space<hbm>> -> memref<40xi32, #tpu.memory_space<hbm>>
      tpu.wait_dma2 semaphore(%dma_wait3A_456 : memref<!tpu.dma_semaphore, #tpu.memory_space<semaphore_mem>>) src(%dma_wait3A_457 : memref<40xi32, #tpu.memory_space<hbm>>) dst(%arg9 : memref<40xi32, #tpu.memory_space<vmem>>)
      %dma_wait3A_458 = arith.constant 2 : i32
      %dma_wait3A_459 = arith.constant 2 : i32
      %dma_wait3A_460 = arith.constant 0 : i32
      %dma_wait3A_461 = arith.constant 0 : i32
      %dma_wait3A_462 = tpu.memref_slice %arg12[%dma_wait3A_458, %dma_wait3A_460, %dma_wait3A_461] : memref<5x40x128xf32, #tpu.memory_space<vmem>> -> memref<1x40x128xf32, #tpu.memory_space<vmem>>
      %dma_wait3A_463 = tpu.memref_squeeze %dma_wait3A_462 : memref<1x40x128xf32, #tpu.memory_space<vmem>> -> memref<40x128xf32, #tpu.memory_space<vmem>>
      %dma_wait3A_464 = arith.constant 0 : i32
      %dma_wait3A_465 = tpu.memref_slice %arg6[%dma_wait3A_464] : memref<10000xi32, #tpu.memory_space<vmem>> -> memref<40xi32, #tpu.memory_space<vmem>>
      %dma_wait3A_466 = arith.constant 0 : i32
      %dma_wait3A_467 = arith.constant 0 : i32
      %dma_wait3A_468 = tpu.memref_slice %arg2[%dma_wait3A_466, %dma_wait3A_467] : memref<10000x128xf32, #tpu.memory_space<hbm>> -> memref<10000x128xf32, #tpu.memory_space<hbm>>
      %dma_wait3A_469 = tpu.memref_slice %arg14[%dma_wait3A_459] : memref<5x!tpu.dma_semaphore, #tpu.memory_space<semaphore_mem>> -> memref<1x!tpu.dma_semaphore, #tpu.memory_space<semaphore_mem>>
      %dma_wait3A_470 = tpu.memref_squeeze %dma_wait3A_469 : memref<1x!tpu.dma_semaphore, #tpu.memory_space<semaphore_mem>> -> memref<!tpu.dma_semaphore, #tpu.memory_space<semaphore_mem>>
      tpu.wait_indirect_dma semaphore(%dma_wait3A_470 : memref<!tpu.dma_semaphore, #tpu.memory_space<semaphore_mem>>) src(%dma_wait3A_468 : memref<10000x128xf32, #tpu.memory_space<hbm>>) dst(%dma_wait3A_463 : memref<40x128xf32, #tpu.memory_space<vmem>>)
      %dma_start3A_471 = arith.constant 2 : i32
      %dma_start3A_472 = arith.constant 2 : i32
      %dma_start3A_473 = arith.constant 0 : i32
      %dma_start3A_474 = arith.constant 0 : i32
      %dma_start3A_475 = tpu.memref_slice %arg12[%dma_start3A_471, %dma_start3A_473, %dma_start3A_474] : memref<5x40x128xf32, #tpu.memory_space<vmem>> -> memref<1x40x128xf32, #tpu.memory_space<vmem>>
      %dma_start3A_476 = tpu.memref_squeeze %dma_start3A_475 : memref<1x40x128xf32, #tpu.memory_space<vmem>> -> memref<40x128xf32, #tpu.memory_space<vmem>>
      %dma_start3A_477 = arith.constant 0 : i32
      %dma_start3A_478 = arith.constant 0 : i32
      %dma_start3A_479 = tpu.memref_slice %arg13[%dma_start3A_477, %dma_start3A_478] : memref<10240x128xf32, #tpu.memory_space<vmem_shared>> -> memref<10240x128xf32, #tpu.memory_space<vmem_shared>>
      %dma_start3A_480 = tpu.memref_slice %arg15[%dma_start3A_472] : memref<5x!tpu.dma_semaphore, #tpu.memory_space<semaphore_mem>> -> memref<1x!tpu.dma_semaphore, #tpu.memory_space<semaphore_mem>>
      %dma_start3A_481 = tpu.memref_squeeze %dma_start3A_480 : memref<1x!tpu.dma_semaphore, #tpu.memory_space<semaphore_mem>> -> memref<!tpu.dma_semaphore, #tpu.memory_space<semaphore_mem>>
      tpu.enqueue_indirect_dma source(%dma_start3A_476 : memref<40x128xf32, #tpu.memory_space<vmem>>) target(%dma_start3A_479 : memref<10240x128xf32, #tpu.memory_space<vmem_shared>>) offsets(%arg9 : memref<40xi32, #tpu.memory_space<vmem>>) semaphore(%dma_start3A_481 : memref<!tpu.dma_semaphore, #tpu.memory_space<semaphore_mem>>) {add = true}
      %dma_wait3A_482 = arith.constant 2 : i32
      %dma_wait3A_483 = arith.constant 2 : i32
      %dma_wait3A_484 = arith.constant 0 : i32
      %dma_wait3A_485 = arith.constant 0 : i32
      %dma_wait3A_486 = tpu.memref_slice %arg12[%dma_wait3A_482, %dma_wait3A_484, %dma_wait3A_485] : memref<5x40x128xf32, #tpu.memory_space<vmem>> -> memref<1x40x128xf32, #tpu.memory_space<vmem>>
      %dma_wait3A_487 = tpu.memref_squeeze %dma_wait3A_486 : memref<1x40x128xf32, #tpu.memory_space<vmem>> -> memref<40x128xf32, #tpu.memory_space<vmem>>
      %dma_wait3A_488 = arith.constant 0 : i32
      %dma_wait3A_489 = arith.constant 0 : i32
      %dma_wait3A_490 = tpu.memref_slice %arg13[%dma_wait3A_488, %dma_wait3A_489] : memref<10240x128xf32, #tpu.memory_space<vmem_shared>> -> memref<10240x128xf32, #tpu.memory_space<vmem_shared>>
      %dma_wait3A_491 = tpu.memref_slice %arg15[%dma_wait3A_483] : memref<5x!tpu.dma_semaphore, #tpu.memory_space<semaphore_mem>> -> memref<1x!tpu.dma_semaphore, #tpu.memory_space<semaphore_mem>>
      %dma_wait3A_492 = tpu.memref_squeeze %dma_wait3A_491 : memref<1x!tpu.dma_semaphore, #tpu.memory_space<semaphore_mem>> -> memref<!tpu.dma_semaphore, #tpu.memory_space<semaphore_mem>>
      tpu.wait_indirect_dma semaphore(%dma_wait3A_492 : memref<!tpu.dma_semaphore, #tpu.memory_space<semaphore_mem>>) src(%dma_wait3A_487 : memref<40x128xf32, #tpu.memory_space<vmem>>) dst(%dma_wait3A_490 : memref<10240x128xf32, #tpu.memory_space<vmem_shared>>)
      %add3A_493 = arith.constant 5 : i32
      %add3A_494 = arith.addi %add3A_452, %add3A_493 : i32
      %mul3A_495 = arith.constant 40 : i32
      %mul3A_496 = arith.muli %add3A_494, %mul3A_495 : i32
      %dma_start3A_497 = arith.constant 2 : i32
      %dma_start3A_498 = arith.constant 2 : i32
      %dma_start3A_499 = arith.constant 0 : i32
      %dma_start3A_500 = arith.constant 0 : i32
      %dma_start3A_501 = tpu.memref_slice %arg12[%dma_start3A_497, %dma_start3A_499, %dma_start3A_500] : memref<5x40x128xf32, #tpu.memory_space<vmem>> -> memref<1x40x128xf32, #tpu.memory_space<vmem>>
      %dma_start3A_502 = tpu.memref_squeeze %dma_start3A_501 : memref<1x40x128xf32, #tpu.memory_space<vmem>> -> memref<40x128xf32, #tpu.memory_space<vmem>>
      %dma_start3A_503 = tpu.memref_slice %arg6[%mul3A_496] : memref<10000xi32, #tpu.memory_space<vmem>> -> memref<40xi32, #tpu.memory_space<vmem>>
      %dma_start3A_504 = arith.constant 0 : i32
      %dma_start3A_505 = arith.constant 0 : i32
      %dma_start3A_506 = tpu.memref_slice %arg2[%dma_start3A_504, %dma_start3A_505] : memref<10000x128xf32, #tpu.memory_space<hbm>> -> memref<10000x128xf32, #tpu.memory_space<hbm>>
      %dma_start3A_507 = tpu.memref_slice %arg14[%dma_start3A_498] : memref<5x!tpu.dma_semaphore, #tpu.memory_space<semaphore_mem>> -> memref<1x!tpu.dma_semaphore, #tpu.memory_space<semaphore_mem>>
      %dma_start3A_508 = tpu.memref_squeeze %dma_start3A_507 : memref<1x!tpu.dma_semaphore, #tpu.memory_space<semaphore_mem>> -> memref<!tpu.dma_semaphore, #tpu.memory_space<semaphore_mem>>
      tpu.enqueue_indirect_dma source(%dma_start3A_506 : memref<10000x128xf32, #tpu.memory_space<hbm>>) target(%dma_start3A_502 : memref<40x128xf32, #tpu.memory_space<vmem>>) offsets(%dma_start3A_503 : memref<40xi32, #tpu.memory_space<vmem>>) semaphore(%dma_start3A_508 : memref<!tpu.dma_semaphore, #tpu.memory_space<semaphore_mem>>)
      %mul3A_509 = arith.constant 40 : i32
      %mul3A_510 = arith.muli %add3A_494, %mul3A_509 : i32
      %add3A_511 = arith.addi %add3A_8, %mul3A_510 : i32
      %dma_start3A_512 = arith.constant 2 : i32
      %dma_start3A_513 = tpu.memref_slice %arg3[%add3A_511] : memref<640000xi32, #tpu.memory_space<hbm>> -> memref<40xi32, #tpu.memory_space<hbm>>
      %dma_start3A_514 = tpu.memref_slice %arg16[%dma_start3A_512] : memref<5x!tpu.dma_semaphore, #tpu.memory_space<semaphore_mem>> -> memref<1x!tpu.dma_semaphore, #tpu.memory_space<semaphore_mem>>
      %dma_start3A_515 = tpu.memref_squeeze %dma_start3A_514 : memref<1x!tpu.dma_semaphore, #tpu.memory_space<semaphore_mem>> -> memref<!tpu.dma_semaphore, #tpu.memory_space<semaphore_mem>>
      %dma_start3A_516 = tpu.memref_slice %arg3[%add3A_511] : memref<640000xi32, #tpu.memory_space<hbm>> -> memref<40xi32, #tpu.memory_space<hbm>>
      tpu.enqueue_dma source(%dma_start3A_516 : memref<40xi32, #tpu.memory_space<hbm>>) target(%arg9 : memref<40xi32, #tpu.memory_space<vmem>>) target_semaphore(%dma_start3A_515 : memref<!tpu.dma_semaphore, #tpu.memory_space<semaphore_mem>>)
      %add3A_517 = arith.constant 3 : i32
      %add3A_518 = arith.addi %mul3A_318, %add3A_517 : i32
      %dma_wait3A_519 = arith.constant 3 : i32
      %dma_wait3A_520 = tpu.memref_slice %arg3[%add3A_8] : memref<640000xi32, #tpu.memory_space<hbm>> -> memref<40xi32, #tpu.memory_space<hbm>>
      %dma_wait3A_521 = tpu.memref_slice %arg16[%dma_wait3A_519] : memref<5x!tpu.dma_semaphore, #tpu.memory_space<semaphore_mem>> -> memref<1x!tpu.dma_semaphore, #tpu.memory_space<semaphore_mem>>
      %dma_wait3A_522 = tpu.memref_squeeze %dma_wait3A_521 : memref<1x!tpu.dma_semaphore, #tpu.memory_space<semaphore_mem>> -> memref<!tpu.dma_semaphore, #tpu.memory_space<semaphore_mem>>
      %dma_wait3A_523 = tpu.memref_slice %arg3[%add3A_8] : memref<640000xi32, #tpu.memory_space<hbm>> -> memref<40xi32, #tpu.memory_space<hbm>>
      tpu.wait_dma2 semaphore(%dma_wait3A_522 : memref<!tpu.dma_semaphore, #tpu.memory_space<semaphore_mem>>) src(%dma_wait3A_523 : memref<40xi32, #tpu.memory_space<hbm>>) dst(%arg10 : memref<40xi32, #tpu.memory_space<vmem>>)
      %dma_wait3A_524 = arith.constant 3 : i32
      %dma_wait3A_525 = arith.constant 3 : i32
      %dma_wait3A_526 = arith.constant 0 : i32
      %dma_wait3A_527 = arith.constant 0 : i32
      %dma_wait3A_528 = tpu.memref_slice %arg12[%dma_wait3A_524, %dma_wait3A_526, %dma_wait3A_527] : memref<5x40x128xf32, #tpu.memory_space<vmem>> -> memref<1x40x128xf32, #tpu.memory_space<vmem>>
      %dma_wait3A_529 = tpu.memref_squeeze %dma_wait3A_528 : memref<1x40x128xf32, #tpu.memory_space<vmem>> -> memref<40x128xf32, #tpu.memory_space<vmem>>
      %dma_wait3A_530 = arith.constant 0 : i32
      %dma_wait3A_531 = tpu.memref_slice %arg6[%dma_wait3A_530] : memref<10000xi32, #tpu.memory_space<vmem>> -> memref<40xi32, #tpu.memory_space<vmem>>
      %dma_wait3A_532 = arith.constant 0 : i32
      %dma_wait3A_533 = arith.constant 0 : i32
      %dma_wait3A_534 = tpu.memref_slice %arg2[%dma_wait3A_532, %dma_wait3A_533] : memref<10000x128xf32, #tpu.memory_space<hbm>> -> memref<10000x128xf32, #tpu.memory_space<hbm>>
      %dma_wait3A_535 = tpu.memref_slice %arg14[%dma_wait3A_525] : memref<5x!tpu.dma_semaphore, #tpu.memory_space<semaphore_mem>> -> memref<1x!tpu.dma_semaphore, #tpu.memory_space<semaphore_mem>>
      %dma_wait3A_536 = tpu.memref_squeeze %dma_wait3A_535 : memref<1x!tpu.dma_semaphore, #tpu.memory_space<semaphore_mem>> -> memref<!tpu.dma_semaphore, #tpu.memory_space<semaphore_mem>>
      tpu.wait_indirect_dma semaphore(%dma_wait3A_536 : memref<!tpu.dma_semaphore, #tpu.memory_space<semaphore_mem>>) src(%dma_wait3A_534 : memref<10000x128xf32, #tpu.memory_space<hbm>>) dst(%dma_wait3A_529 : memref<40x128xf32, #tpu.memory_space<vmem>>)
      %dma_start3A_537 = arith.constant 3 : i32
      %dma_start3A_538 = arith.constant 3 : i32
      %dma_start3A_539 = arith.constant 0 : i32
      %dma_start3A_540 = arith.constant 0 : i32
      %dma_start3A_541 = tpu.memref_slice %arg12[%dma_start3A_537, %dma_start3A_539, %dma_start3A_540] : memref<5x40x128xf32, #tpu.memory_space<vmem>> -> memref<1x40x128xf32, #tpu.memory_space<vmem>>
      %dma_start3A_542 = tpu.memref_squeeze %dma_start3A_541 : memref<1x40x128xf32, #tpu.memory_space<vmem>> -> memref<40x128xf32, #tpu.memory_space<vmem>>
      %dma_start3A_543 = arith.constant 0 : i32
      %dma_start3A_544 = arith.constant 0 : i32
      %dma_start3A_545 = tpu.memref_slice %arg13[%dma_start3A_543, %dma_start3A_544] : memref<10240x128xf32, #tpu.memory_space<vmem_shared>> -> memref<10240x128xf32, #tpu.memory_space<vmem_shared>>
      %dma_start3A_546 = tpu.memref_slice %arg15[%dma_start3A_538] : memref<5x!tpu.dma_semaphore, #tpu.memory_space<semaphore_mem>> -> memref<1x!tpu.dma_semaphore, #tpu.memory_space<semaphore_mem>>
      %dma_start3A_547 = tpu.memref_squeeze %dma_start3A_546 : memref<1x!tpu.dma_semaphore, #tpu.memory_space<semaphore_mem>> -> memref<!tpu.dma_semaphore, #tpu.memory_space<semaphore_mem>>
      tpu.enqueue_indirect_dma source(%dma_start3A_542 : memref<40x128xf32, #tpu.memory_space<vmem>>) target(%dma_start3A_545 : memref<10240x128xf32, #tpu.memory_space<vmem_shared>>) offsets(%arg10 : memref<40xi32, #tpu.memory_space<vmem>>) semaphore(%dma_start3A_547 : memref<!tpu.dma_semaphore, #tpu.memory_space<semaphore_mem>>) {add = true}
      %dma_wait3A_548 = arith.constant 3 : i32
      %dma_wait3A_549 = arith.constant 3 : i32
      %dma_wait3A_550 = arith.constant 0 : i32
      %dma_wait3A_551 = arith.constant 0 : i32
      %dma_wait3A_552 = tpu.memref_slice %arg12[%dma_wait3A_548, %dma_wait3A_550, %dma_wait3A_551] : memref<5x40x128xf32, #tpu.memory_space<vmem>> -> memref<1x40x128xf32, #tpu.memory_space<vmem>>
      %dma_wait3A_553 = tpu.memref_squeeze %dma_wait3A_552 : memref<1x40x128xf32, #tpu.memory_space<vmem>> -> memref<40x128xf32, #tpu.memory_space<vmem>>
      %dma_wait3A_554 = arith.constant 0 : i32
      %dma_wait3A_555 = arith.constant 0 : i32
      %dma_wait3A_556 = tpu.memref_slice %arg13[%dma_wait3A_554, %dma_wait3A_555] : memref<10240x128xf32, #tpu.memory_space<vmem_shared>> -> memref<10240x128xf32, #tpu.memory_space<vmem_shared>>
      %dma_wait3A_557 = tpu.memref_slice %arg15[%dma_wait3A_549] : memref<5x!tpu.dma_semaphore, #tpu.memory_space<semaphore_mem>> -> memref<1x!tpu.dma_semaphore, #tpu.memory_space<semaphore_mem>>
      %dma_wait3A_558 = tpu.memref_squeeze %dma_wait3A_557 : memref<1x!tpu.dma_semaphore, #tpu.memory_space<semaphore_mem>> -> memref<!tpu.dma_semaphore, #tpu.memory_space<semaphore_mem>>
      tpu.wait_indirect_dma semaphore(%dma_wait3A_558 : memref<!tpu.dma_semaphore, #tpu.memory_space<semaphore_mem>>) src(%dma_wait3A_553 : memref<40x128xf32, #tpu.memory_space<vmem>>) dst(%dma_wait3A_556 : memref<10240x128xf32, #tpu.memory_space<vmem_shared>>)
      %add3A_559 = arith.constant 5 : i32
      %add3A_560 = arith.addi %add3A_518, %add3A_559 : i32
      %mul3A_561 = arith.constant 40 : i32
      %mul3A_562 = arith.muli %add3A_560, %mul3A_561 : i32
      %dma_start3A_563 = arith.constant 3 : i32
      %dma_start3A_564 = arith.constant 3 : i32
      %dma_start3A_565 = arith.constant 0 : i32
      %dma_start3A_566 = arith.constant 0 : i32
      %dma_start3A_567 = tpu.memref_slice %arg12[%dma_start3A_563, %dma_start3A_565, %dma_start3A_566] : memref<5x40x128xf32, #tpu.memory_space<vmem>> -> memref<1x40x128xf32, #tpu.memory_space<vmem>>
      %dma_start3A_568 = tpu.memref_squeeze %dma_start3A_567 : memref<1x40x128xf32, #tpu.memory_space<vmem>> -> memref<40x128xf32, #tpu.memory_space<vmem>>
      %dma_start3A_569 = tpu.memref_slice %arg6[%mul3A_562] : memref<10000xi32, #tpu.memory_space<vmem>> -> memref<40xi32, #tpu.memory_space<vmem>>
      %dma_start3A_570 = arith.constant 0 : i32
      %dma_start3A_571 = arith.constant 0 : i32
      %dma_start3A_572 = tpu.memref_slice %arg2[%dma_start3A_570, %dma_start3A_571] : memref<10000x128xf32, #tpu.memory_space<hbm>> -> memref<10000x128xf32, #tpu.memory_space<hbm>>
      %dma_start3A_573 = tpu.memref_slice %arg14[%dma_start3A_564] : memref<5x!tpu.dma_semaphore, #tpu.memory_space<semaphore_mem>> -> memref<1x!tpu.dma_semaphore, #tpu.memory_space<semaphore_mem>>
      %dma_start3A_574 = tpu.memref_squeeze %dma_start3A_573 : memref<1x!tpu.dma_semaphore, #tpu.memory_space<semaphore_mem>> -> memref<!tpu.dma_semaphore, #tpu.memory_space<semaphore_mem>>
      tpu.enqueue_indirect_dma source(%dma_start3A_572 : memref<10000x128xf32, #tpu.memory_space<hbm>>) target(%dma_start3A_568 : memref<40x128xf32, #tpu.memory_space<vmem>>) offsets(%dma_start3A_569 : memref<40xi32, #tpu.memory_space<vmem>>) semaphore(%dma_start3A_574 : memref<!tpu.dma_semaphore, #tpu.memory_space<semaphore_mem>>)
      %mul3A_575 = arith.constant 40 : i32
      %mul3A_576 = arith.muli %add3A_560, %mul3A_575 : i32
      %add3A_577 = arith.addi %add3A_8, %mul3A_576 : i32
      %dma_start3A_578 = arith.constant 3 : i32
      %dma_start3A_579 = tpu.memref_slice %arg3[%add3A_577] : memref<640000xi32, #tpu.memory_space<hbm>> -> memref<40xi32, #tpu.memory_space<hbm>>
      %dma_start3A_580 = tpu.memref_slice %arg16[%dma_start3A_578] : memref<5x!tpu.dma_semaphore, #tpu.memory_space<semaphore_mem>> -> memref<1x!tpu.dma_semaphore, #tpu.memory_space<semaphore_mem>>
      %dma_start3A_581 = tpu.memref_squeeze %dma_start3A_580 : memref<1x!tpu.dma_semaphore, #tpu.memory_space<semaphore_mem>> -> memref<!tpu.dma_semaphore, #tpu.memory_space<semaphore_mem>>
      %dma_start3A_582 = tpu.memref_slice %arg3[%add3A_577] : memref<640000xi32, #tpu.memory_space<hbm>> -> memref<40xi32, #tpu.memory_space<hbm>>
      tpu.enqueue_dma source(%dma_start3A_582 : memref<40xi32, #tpu.memory_space<hbm>>) target(%arg10 : memref<40xi32, #tpu.memory_space<vmem>>) target_semaphore(%dma_start3A_581 : memref<!tpu.dma_semaphore, #tpu.memory_space<semaphore_mem>>)
      %add3A_583 = arith.constant 4 : i32
      %add3A_584 = arith.addi %mul3A_318, %add3A_583 : i32
      %dma_wait3A_585 = arith.constant 4 : i32
      %dma_wait3A_586 = tpu.memref_slice %arg3[%add3A_8] : memref<640000xi32, #tpu.memory_space<hbm>> -> memref<40xi32, #tpu.memory_space<hbm>>
      %dma_wait3A_587 = tpu.memref_slice %arg16[%dma_wait3A_585] : memref<5x!tpu.dma_semaphore, #tpu.memory_space<semaphore_mem>> -> memref<1x!tpu.dma_semaphore, #tpu.memory_space<semaphore_mem>>
      %dma_wait3A_588 = tpu.memref_squeeze %dma_wait3A_587 : memref<1x!tpu.dma_semaphore, #tpu.memory_space<semaphore_mem>> -> memref<!tpu.dma_semaphore, #tpu.memory_space<semaphore_mem>>
      %dma_wait3A_589 = tpu.memref_slice %arg3[%add3A_8] : memref<640000xi32, #tpu.memory_space<hbm>> -> memref<40xi32, #tpu.memory_space<hbm>>
      tpu.wait_dma2 semaphore(%dma_wait3A_588 : memref<!tpu.dma_semaphore, #tpu.memory_space<semaphore_mem>>) src(%dma_wait3A_589 : memref<40xi32, #tpu.memory_space<hbm>>) dst(%arg11 : memref<40xi32, #tpu.memory_space<vmem>>)
      %dma_wait3A_590 = arith.constant 4 : i32
      %dma_wait3A_591 = arith.constant 4 : i32
      %dma_wait3A_592 = arith.constant 0 : i32
      %dma_wait3A_593 = arith.constant 0 : i32
      %dma_wait3A_594 = tpu.memref_slice %arg12[%dma_wait3A_590, %dma_wait3A_592, %dma_wait3A_593] : memref<5x40x128xf32, #tpu.memory_space<vmem>> -> memref<1x40x128xf32, #tpu.memory_space<vmem>>
      %dma_wait3A_595 = tpu.memref_squeeze %dma_wait3A_594 : memref<1x40x128xf32, #tpu.memory_space<vmem>> -> memref<40x128xf32, #tpu.memory_space<vmem>>
      %dma_wait3A_596 = arith.constant 0 : i32
      %dma_wait3A_597 = tpu.memref_slice %arg6[%dma_wait3A_596] : memref<10000xi32, #tpu.memory_space<vmem>> -> memref<40xi32, #tpu.memory_space<vmem>>
      %dma_wait3A_598 = arith.constant 0 : i32
      %dma_wait3A_599 = arith.constant 0 : i32
      %dma_wait3A_600 = tpu.memref_slice %arg2[%dma_wait3A_598, %dma_wait3A_599] : memref<10000x128xf32, #tpu.memory_space<hbm>> -> memref<10000x128xf32, #tpu.memory_space<hbm>>
      %dma_wait3A_601 = tpu.memref_slice %arg14[%dma_wait3A_591] : memref<5x!tpu.dma_semaphore, #tpu.memory_space<semaphore_mem>> -> memref<1x!tpu.dma_semaphore, #tpu.memory_space<semaphore_mem>>
      %dma_wait3A_602 = tpu.memref_squeeze %dma_wait3A_601 : memref<1x!tpu.dma_semaphore, #tpu.memory_space<semaphore_mem>> -> memref<!tpu.dma_semaphore, #tpu.memory_space<semaphore_mem>>
      tpu.wait_indirect_dma semaphore(%dma_wait3A_602 : memref<!tpu.dma_semaphore, #tpu.memory_space<semaphore_mem>>) src(%dma_wait3A_600 : memref<10000x128xf32, #tpu.memory_space<hbm>>) dst(%dma_wait3A_595 : memref<40x128xf32, #tpu.memory_space<vmem>>)
      %dma_start3A_603 = arith.constant 4 : i32
      %dma_start3A_604 = arith.constant 4 : i32
      %dma_start3A_605 = arith.constant 0 : i32
      %dma_start3A_606 = arith.constant 0 : i32
      %dma_start3A_607 = tpu.memref_slice %arg12[%dma_start3A_603, %dma_start3A_605, %dma_start3A_606] : memref<5x40x128xf32, #tpu.memory_space<vmem>> -> memref<1x40x128xf32, #tpu.memory_space<vmem>>
      %dma_start3A_608 = tpu.memref_squeeze %dma_start3A_607 : memref<1x40x128xf32, #tpu.memory_space<vmem>> -> memref<40x128xf32, #tpu.memory_space<vmem>>
      %dma_start3A_609 = arith.constant 0 : i32
      %dma_start3A_610 = arith.constant 0 : i32
      %dma_start3A_611 = tpu.memref_slice %arg13[%dma_start3A_609, %dma_start3A_610] : memref<10240x128xf32, #tpu.memory_space<vmem_shared>> -> memref<10240x128xf32, #tpu.memory_space<vmem_shared>>
      %dma_start3A_612 = tpu.memref_slice %arg15[%dma_start3A_604] : memref<5x!tpu.dma_semaphore, #tpu.memory_space<semaphore_mem>> -> memref<1x!tpu.dma_semaphore, #tpu.memory_space<semaphore_mem>>
      %dma_start3A_613 = tpu.memref_squeeze %dma_start3A_612 : memref<1x!tpu.dma_semaphore, #tpu.memory_space<semaphore_mem>> -> memref<!tpu.dma_semaphore, #tpu.memory_space<semaphore_mem>>
      tpu.enqueue_indirect_dma source(%dma_start3A_608 : memref<40x128xf32, #tpu.memory_space<vmem>>) target(%dma_start3A_611 : memref<10240x128xf32, #tpu.memory_space<vmem_shared>>) offsets(%arg11 : memref<40xi32, #tpu.memory_space<vmem>>) semaphore(%dma_start3A_613 : memref<!tpu.dma_semaphore, #tpu.memory_space<semaphore_mem>>) {add = true}
      %dma_wait3A_614 = arith.constant 4 : i32
      %dma_wait3A_615 = arith.constant 4 : i32
      %dma_wait3A_616 = arith.constant 0 : i32
      %dma_wait3A_617 = arith.constant 0 : i32
      %dma_wait3A_618 = tpu.memref_slice %arg12[%dma_wait3A_614, %dma_wait3A_616, %dma_wait3A_617] : memref<5x40x128xf32, #tpu.memory_space<vmem>> -> memref<1x40x128xf32, #tpu.memory_space<vmem>>
      %dma_wait3A_619 = tpu.memref_squeeze %dma_wait3A_618 : memref<1x40x128xf32, #tpu.memory_space<vmem>> -> memref<40x128xf32, #tpu.memory_space<vmem>>
      %dma_wait3A_620 = arith.constant 0 : i32
      %dma_wait3A_621 = arith.constant 0 : i32
      %dma_wait3A_622 = tpu.memref_slice %arg13[%dma_wait3A_620, %dma_wait3A_621] : memref<10240x128xf32, #tpu.memory_space<vmem_shared>> -> memref<10240x128xf32, #tpu.memory_space<vmem_shared>>
      %dma_wait3A_623 = tpu.memref_slice %arg15[%dma_wait3A_615] : memref<5x!tpu.dma_semaphore, #tpu.memory_space<semaphore_mem>> -> memref<1x!tpu.dma_semaphore, #tpu.memory_space<semaphore_mem>>
      %dma_wait3A_624 = tpu.memref_squeeze %dma_wait3A_623 : memref<1x!tpu.dma_semaphore, #tpu.memory_space<semaphore_mem>> -> memref<!tpu.dma_semaphore, #tpu.memory_space<semaphore_mem>>
      tpu.wait_indirect_dma semaphore(%dma_wait3A_624 : memref<!tpu.dma_semaphore, #tpu.memory_space<semaphore_mem>>) src(%dma_wait3A_619 : memref<40x128xf32, #tpu.memory_space<vmem>>) dst(%dma_wait3A_622 : memref<10240x128xf32, #tpu.memory_space<vmem_shared>>)
      %add3A_625 = arith.constant 5 : i32
      %add3A_626 = arith.addi %add3A_584, %add3A_625 : i32
      %mul3A_627 = arith.constant 40 : i32
      %mul3A_628 = arith.muli %add3A_626, %mul3A_627 : i32
      %dma_start3A_629 = arith.constant 4 : i32
      %dma_start3A_630 = arith.constant 4 : i32
      %dma_start3A_631 = arith.constant 0 : i32
      %dma_start3A_632 = arith.constant 0 : i32
      %dma_start3A_633 = tpu.memref_slice %arg12[%dma_start3A_629, %dma_start3A_631, %dma_start3A_632] : memref<5x40x128xf32, #tpu.memory_space<vmem>> -> memref<1x40x128xf32, #tpu.memory_space<vmem>>
      %dma_start3A_634 = tpu.memref_squeeze %dma_start3A_633 : memref<1x40x128xf32, #tpu.memory_space<vmem>> -> memref<40x128xf32, #tpu.memory_space<vmem>>
      %dma_start3A_635 = tpu.memref_slice %arg6[%mul3A_628] : memref<10000xi32, #tpu.memory_space<vmem>> -> memref<40xi32, #tpu.memory_space<vmem>>
      %dma_start3A_636 = arith.constant 0 : i32
      %dma_start3A_637 = arith.constant 0 : i32
      %dma_start3A_638 = tpu.memref_slice %arg2[%dma_start3A_636, %dma_start3A_637] : memref<10000x128xf32, #tpu.memory_space<hbm>> -> memref<10000x128xf32, #tpu.memory_space<hbm>>
      %dma_start3A_639 = tpu.memref_slice %arg14[%dma_start3A_630] : memref<5x!tpu.dma_semaphore, #tpu.memory_space<semaphore_mem>> -> memref<1x!tpu.dma_semaphore, #tpu.memory_space<semaphore_mem>>
      %dma_start3A_640 = tpu.memref_squeeze %dma_start3A_639 : memref<1x!tpu.dma_semaphore, #tpu.memory_space<semaphore_mem>> -> memref<!tpu.dma_semaphore, #tpu.memory_space<semaphore_mem>>
      tpu.enqueue_indirect_dma source(%dma_start3A_638 : memref<10000x128xf32, #tpu.memory_space<hbm>>) target(%dma_start3A_634 : memref<40x128xf32, #tpu.memory_space<vmem>>) offsets(%dma_start3A_635 : memref<40xi32, #tpu.memory_space<vmem>>) semaphore(%dma_start3A_640 : memref<!tpu.dma_semaphore, #tpu.memory_space<semaphore_mem>>)
      %mul3A_641 = arith.constant 40 : i32
      %mul3A_642 = arith.muli %add3A_626, %mul3A_641 : i32
      %add3A_643 = arith.addi %add3A_8, %mul3A_642 : i32
      %dma_start3A_644 = arith.constant 4 : i32
      %dma_start3A_645 = tpu.memref_slice %arg3[%add3A_643] : memref<640000xi32, #tpu.memory_space<hbm>> -> memref<40xi32, #tpu.memory_space<hbm>>
      %dma_start3A_646 = tpu.memref_slice %arg16[%dma_start3A_644] : memref<5x!tpu.dma_semaphore, #tpu.memory_space<semaphore_mem>> -> memref<1x!tpu.dma_semaphore, #tpu.memory_space<semaphore_mem>>
      %dma_start3A_647 = tpu.memref_squeeze %dma_start3A_646 : memref<1x!tpu.dma_semaphore, #tpu.memory_space<semaphore_mem>> -> memref<!tpu.dma_semaphore, #tpu.memory_space<semaphore_mem>>
      %dma_start3A_648 = tpu.memref_slice %arg3[%add3A_643] : memref<640000xi32, #tpu.memory_space<hbm>> -> memref<40xi32, #tpu.memory_space<hbm>>
      tpu.enqueue_dma source(%dma_start3A_648 : memref<40xi32, #tpu.memory_space<hbm>>) target(%arg11 : memref<40xi32, #tpu.memory_space<vmem>>) target_semaphore(%dma_start3A_647 : memref<!tpu.dma_semaphore, #tpu.memory_space<semaphore_mem>>)
    }
    %scan3A_111 = arith.constant 49 : i32
    %dma_wait3A = arith.constant 0 : i32
    %dma_wait3A_112 = tpu.memref_slice %arg3[%add3A_8] : memref<640000xi32, #tpu.memory_space<hbm>> -> memref<40xi32, #tpu.memory_space<hbm>>
    %dma_wait3A_113 = tpu.memref_slice %arg16[%dma_wait3A] : memref<5x!tpu.dma_semaphore, #tpu.memory_space<semaphore_mem>> -> memref<1x!tpu.dma_semaphore, #tpu.memory_space<semaphore_mem>>
    %dma_wait3A_114 = tpu.memref_squeeze %dma_wait3A_113 : memref<1x!tpu.dma_semaphore, #tpu.memory_space<semaphore_mem>> -> memref<!tpu.dma_semaphore, #tpu.memory_space<semaphore_mem>>
    %dma_wait3A_115 = tpu.memref_slice %arg3[%add3A_8] : memref<640000xi32, #tpu.memory_space<hbm>> -> memref<40xi32, #tpu.memory_space<hbm>>
    tpu.wait_dma2 semaphore(%dma_wait3A_114 : memref<!tpu.dma_semaphore, #tpu.memory_space<semaphore_mem>>) src(%dma_wait3A_115 : memref<40xi32, #tpu.memory_space<hbm>>) dst(%arg7 : memref<40xi32, #tpu.memory_space<vmem>>)
    %dma_wait3A_116 = arith.constant 0 : i32
    %dma_wait3A_117 = arith.constant 0 : i32
    %dma_wait3A_118 = arith.constant 0 : i32
    %dma_wait3A_119 = arith.constant 0 : i32
    %dma_wait3A_120 = tpu.memref_slice %arg12[%dma_wait3A_116, %dma_wait3A_118, %dma_wait3A_119] : memref<5x40x128xf32, #tpu.memory_space<vmem>> -> memref<1x40x128xf32, #tpu.memory_space<vmem>>
    %dma_wait3A_121 = tpu.memref_squeeze %dma_wait3A_120 : memref<1x40x128xf32, #tpu.memory_space<vmem>> -> memref<40x128xf32, #tpu.memory_space<vmem>>
    %dma_wait3A_122 = arith.constant 0 : i32
    %dma_wait3A_123 = tpu.memref_slice %arg6[%dma_wait3A_122] : memref<10000xi32, #tpu.memory_space<vmem>> -> memref<40xi32, #tpu.memory_space<vmem>>
    %dma_wait3A_124 = arith.constant 0 : i32
    %dma_wait3A_125 = arith.constant 0 : i32
    %dma_wait3A_126 = tpu.memref_slice %arg2[%dma_wait3A_124, %dma_wait3A_125] : memref<10000x128xf32, #tpu.memory_space<hbm>> -> memref<10000x128xf32, #tpu.memory_space<hbm>>
    %dma_wait3A_127 = tpu.memref_slice %arg14[%dma_wait3A_117] : memref<5x!tpu.dma_semaphore, #tpu.memory_space<semaphore_mem>> -> memref<1x!tpu.dma_semaphore, #tpu.memory_space<semaphore_mem>>
    %dma_wait3A_128 = tpu.memref_squeeze %dma_wait3A_127 : memref<1x!tpu.dma_semaphore, #tpu.memory_space<semaphore_mem>> -> memref<!tpu.dma_semaphore, #tpu.memory_space<semaphore_mem>>
    tpu.wait_indirect_dma semaphore(%dma_wait3A_128 : memref<!tpu.dma_semaphore, #tpu.memory_space<semaphore_mem>>) src(%dma_wait3A_126 : memref<10000x128xf32, #tpu.memory_space<hbm>>) dst(%dma_wait3A_121 : memref<40x128xf32, #tpu.memory_space<vmem>>)
    %dma_start3A_129 = arith.constant 0 : i32
    %dma_start3A_130 = arith.constant 0 : i32
    %dma_start3A_131 = arith.constant 0 : i32
    %dma_start3A_132 = arith.constant 0 : i32
    %dma_start3A_133 = tpu.memref_slice %arg12[%dma_start3A_129, %dma_start3A_131, %dma_start3A_132] : memref<5x40x128xf32, #tpu.memory_space<vmem>> -> memref<1x40x128xf32, #tpu.memory_space<vmem>>
    %dma_start3A_134 = tpu.memref_squeeze %dma_start3A_133 : memref<1x40x128xf32, #tpu.memory_space<vmem>> -> memref<40x128xf32, #tpu.memory_space<vmem>>
    %dma_start3A_135 = arith.constant 0 : i32
    %dma_start3A_136 = arith.constant 0 : i32
    %dma_start3A_137 = tpu.memref_slice %arg13[%dma_start3A_135, %dma_start3A_136] : memref<10240x128xf32, #tpu.memory_space<vmem_shared>> -> memref<10240x128xf32, #tpu.memory_space<vmem_shared>>
    %dma_start3A_138 = tpu.memref_slice %arg15[%dma_start3A_130] : memref<5x!tpu.dma_semaphore, #tpu.memory_space<semaphore_mem>> -> memref<1x!tpu.dma_semaphore, #tpu.memory_space<semaphore_mem>>
    %dma_start3A_139 = tpu.memref_squeeze %dma_start3A_138 : memref<1x!tpu.dma_semaphore, #tpu.memory_space<semaphore_mem>> -> memref<!tpu.dma_semaphore, #tpu.memory_space<semaphore_mem>>
    tpu.enqueue_indirect_dma source(%dma_start3A_134 : memref<40x128xf32, #tpu.memory_space<vmem>>) target(%dma_start3A_137 : memref<10240x128xf32, #tpu.memory_space<vmem_shared>>) offsets(%arg7 : memref<40xi32, #tpu.memory_space<vmem>>) semaphore(%dma_start3A_139 : memref<!tpu.dma_semaphore, #tpu.memory_space<semaphore_mem>>) {add = true}
    %dma_wait3A_140 = arith.constant 1 : i32
    %dma_wait3A_141 = tpu.memref_slice %arg3[%add3A_8] : memref<640000xi32, #tpu.memory_space<hbm>> -> memref<40xi32, #tpu.memory_space<hbm>>
    %dma_wait3A_142 = tpu.memref_slice %arg16[%dma_wait3A_140] : memref<5x!tpu.dma_semaphore, #tpu.memory_space<semaphore_mem>> -> memref<1x!tpu.dma_semaphore, #tpu.memory_space<semaphore_mem>>
    %dma_wait3A_143 = tpu.memref_squeeze %dma_wait3A_142 : memref<1x!tpu.dma_semaphore, #tpu.memory_space<semaphore_mem>> -> memref<!tpu.dma_semaphore, #tpu.memory_space<semaphore_mem>>
    %dma_wait3A_144 = tpu.memref_slice %arg3[%add3A_8] : memref<640000xi32, #tpu.memory_space<hbm>> -> memref<40xi32, #tpu.memory_space<hbm>>
    tpu.wait_dma2 semaphore(%dma_wait3A_143 : memref<!tpu.dma_semaphore, #tpu.memory_space<semaphore_mem>>) src(%dma_wait3A_144 : memref<40xi32, #tpu.memory_space<hbm>>) dst(%arg8 : memref<40xi32, #tpu.memory_space<vmem>>)
    %dma_wait3A_145 = arith.constant 1 : i32
    %dma_wait3A_146 = arith.constant 1 : i32
    %dma_wait3A_147 = arith.constant 0 : i32
    %dma_wait3A_148 = arith.constant 0 : i32
    %dma_wait3A_149 = tpu.memref_slice %arg12[%dma_wait3A_145, %dma_wait3A_147, %dma_wait3A_148] : memref<5x40x128xf32, #tpu.memory_space<vmem>> -> memref<1x40x128xf32, #tpu.memory_space<vmem>>
    %dma_wait3A_150 = tpu.memref_squeeze %dma_wait3A_149 : memref<1x40x128xf32, #tpu.memory_space<vmem>> -> memref<40x128xf32, #tpu.memory_space<vmem>>
    %dma_wait3A_151 = arith.constant 0 : i32
    %dma_wait3A_152 = tpu.memref_slice %arg6[%dma_wait3A_151] : memref<10000xi32, #tpu.memory_space<vmem>> -> memref<40xi32, #tpu.memory_space<vmem>>
    %dma_wait3A_153 = arith.constant 0 : i32
    %dma_wait3A_154 = arith.constant 0 : i32
    %dma_wait3A_155 = tpu.memref_slice %arg2[%dma_wait3A_153, %dma_wait3A_154] : memref<10000x128xf32, #tpu.memory_space<hbm>> -> memref<10000x128xf32, #tpu.memory_space<hbm>>
    %dma_wait3A_156 = tpu.memref_slice %arg14[%dma_wait3A_146] : memref<5x!tpu.dma_semaphore, #tpu.memory_space<semaphore_mem>> -> memref<1x!tpu.dma_semaphore, #tpu.memory_space<semaphore_mem>>
    %dma_wait3A_157 = tpu.memref_squeeze %dma_wait3A_156 : memref<1x!tpu.dma_semaphore, #tpu.memory_space<semaphore_mem>> -> memref<!tpu.dma_semaphore, #tpu.memory_space<semaphore_mem>>
    tpu.wait_indirect_dma semaphore(%dma_wait3A_157 : memref<!tpu.dma_semaphore, #tpu.memory_space<semaphore_mem>>) src(%dma_wait3A_155 : memref<10000x128xf32, #tpu.memory_space<hbm>>) dst(%dma_wait3A_150 : memref<40x128xf32, #tpu.memory_space<vmem>>)
    %dma_start3A_158 = arith.constant 1 : i32
    %dma_start3A_159 = arith.constant 1 : i32
    %dma_start3A_160 = arith.constant 0 : i32
    %dma_start3A_161 = arith.constant 0 : i32
    %dma_start3A_162 = tpu.memref_slice %arg12[%dma_start3A_158, %dma_start3A_160, %dma_start3A_161] : memref<5x40x128xf32, #tpu.memory_space<vmem>> -> memref<1x40x128xf32, #tpu.memory_space<vmem>>
    %dma_start3A_163 = tpu.memref_squeeze %dma_start3A_162 : memref<1x40x128xf32, #tpu.memory_space<vmem>> -> memref<40x128xf32, #tpu.memory_space<vmem>>
    %dma_start3A_164 = arith.constant 0 : i32
    %dma_start3A_165 = arith.constant 0 : i32
    %dma_start3A_166 = tpu.memref_slice %arg13[%dma_start3A_164, %dma_start3A_165] : memref<10240x128xf32, #tpu.memory_space<vmem_shared>> -> memref<10240x128xf32, #tpu.memory_space<vmem_shared>>
    %dma_start3A_167 = tpu.memref_slice %arg15[%dma_start3A_159] : memref<5x!tpu.dma_semaphore, #tpu.memory_space<semaphore_mem>> -> memref<1x!tpu.dma_semaphore, #tpu.memory_space<semaphore_mem>>
    %dma_start3A_168 = tpu.memref_squeeze %dma_start3A_167 : memref<1x!tpu.dma_semaphore, #tpu.memory_space<semaphore_mem>> -> memref<!tpu.dma_semaphore, #tpu.memory_space<semaphore_mem>>
    tpu.enqueue_indirect_dma source(%dma_start3A_163 : memref<40x128xf32, #tpu.memory_space<vmem>>) target(%dma_start3A_166 : memref<10240x128xf32, #tpu.memory_space<vmem_shared>>) offsets(%arg8 : memref<40xi32, #tpu.memory_space<vmem>>) semaphore(%dma_start3A_168 : memref<!tpu.dma_semaphore, #tpu.memory_space<semaphore_mem>>) {add = true}
    %dma_wait3A_169 = arith.constant 2 : i32
    %dma_wait3A_170 = tpu.memref_slice %arg3[%add3A_8] : memref<640000xi32, #tpu.memory_space<hbm>> -> memref<40xi32, #tpu.memory_space<hbm>>
    %dma_wait3A_171 = tpu.memref_slice %arg16[%dma_wait3A_169] : memref<5x!tpu.dma_semaphore, #tpu.memory_space<semaphore_mem>> -> memref<1x!tpu.dma_semaphore, #tpu.memory_space<semaphore_mem>>
    %dma_wait3A_172 = tpu.memref_squeeze %dma_wait3A_171 : memref<1x!tpu.dma_semaphore, #tpu.memory_space<semaphore_mem>> -> memref<!tpu.dma_semaphore, #tpu.memory_space<semaphore_mem>>
    %dma_wait3A_173 = tpu.memref_slice %arg3[%add3A_8] : memref<640000xi32, #tpu.memory_space<hbm>> -> memref<40xi32, #tpu.memory_space<hbm>>
    tpu.wait_dma2 semaphore(%dma_wait3A_172 : memref<!tpu.dma_semaphore, #tpu.memory_space<semaphore_mem>>) src(%dma_wait3A_173 : memref<40xi32, #tpu.memory_space<hbm>>) dst(%arg9 : memref<40xi32, #tpu.memory_space<vmem>>)
    %dma_wait3A_174 = arith.constant 2 : i32
    %dma_wait3A_175 = arith.constant 2 : i32
    %dma_wait3A_176 = arith.constant 0 : i32
    %dma_wait3A_177 = arith.constant 0 : i32
    %dma_wait3A_178 = tpu.memref_slice %arg12[%dma_wait3A_174, %dma_wait3A_176, %dma_wait3A_177] : memref<5x40x128xf32, #tpu.memory_space<vmem>> -> memref<1x40x128xf32, #tpu.memory_space<vmem>>
    %dma_wait3A_179 = tpu.memref_squeeze %dma_wait3A_178 : memref<1x40x128xf32, #tpu.memory_space<vmem>> -> memref<40x128xf32, #tpu.memory_space<vmem>>
    %dma_wait3A_180 = arith.constant 0 : i32
    %dma_wait3A_181 = tpu.memref_slice %arg6[%dma_wait3A_180] : memref<10000xi32, #tpu.memory_space<vmem>> -> memref<40xi32, #tpu.memory_space<vmem>>
    %dma_wait3A_182 = arith.constant 0 : i32
    %dma_wait3A_183 = arith.constant 0 : i32
    %dma_wait3A_184 = tpu.memref_slice %arg2[%dma_wait3A_182, %dma_wait3A_183] : memref<10000x128xf32, #tpu.memory_space<hbm>> -> memref<10000x128xf32, #tpu.memory_space<hbm>>
    %dma_wait3A_185 = tpu.memref_slice %arg14[%dma_wait3A_175] : memref<5x!tpu.dma_semaphore, #tpu.memory_space<semaphore_mem>> -> memref<1x!tpu.dma_semaphore, #tpu.memory_space<semaphore_mem>>
    %dma_wait3A_186 = tpu.memref_squeeze %dma_wait3A_185 : memref<1x!tpu.dma_semaphore, #tpu.memory_space<semaphore_mem>> -> memref<!tpu.dma_semaphore, #tpu.memory_space<semaphore_mem>>
    tpu.wait_indirect_dma semaphore(%dma_wait3A_186 : memref<!tpu.dma_semaphore, #tpu.memory_space<semaphore_mem>>) src(%dma_wait3A_184 : memref<10000x128xf32, #tpu.memory_space<hbm>>) dst(%dma_wait3A_179 : memref<40x128xf32, #tpu.memory_space<vmem>>)
    %dma_start3A_187 = arith.constant 2 : i32
    %dma_start3A_188 = arith.constant 2 : i32
    %dma_start3A_189 = arith.constant 0 : i32
    %dma_start3A_190 = arith.constant 0 : i32
    %dma_start3A_191 = tpu.memref_slice %arg12[%dma_start3A_187, %dma_start3A_189, %dma_start3A_190] : memref<5x40x128xf32, #tpu.memory_space<vmem>> -> memref<1x40x128xf32, #tpu.memory_space<vmem>>
    %dma_start3A_192 = tpu.memref_squeeze %dma_start3A_191 : memref<1x40x128xf32, #tpu.memory_space<vmem>> -> memref<40x128xf32, #tpu.memory_space<vmem>>
    %dma_start3A_193 = arith.constant 0 : i32
    %dma_start3A_194 = arith.constant 0 : i32
    %dma_start3A_195 = tpu.memref_slice %arg13[%dma_start3A_193, %dma_start3A_194] : memref<10240x128xf32, #tpu.memory_space<vmem_shared>> -> memref<10240x128xf32, #tpu.memory_space<vmem_shared>>
    %dma_start3A_196 = tpu.memref_slice %arg15[%dma_start3A_188] : memref<5x!tpu.dma_semaphore, #tpu.memory_space<semaphore_mem>> -> memref<1x!tpu.dma_semaphore, #tpu.memory_space<semaphore_mem>>
    %dma_start3A_197 = tpu.memref_squeeze %dma_start3A_196 : memref<1x!tpu.dma_semaphore, #tpu.memory_space<semaphore_mem>> -> memref<!tpu.dma_semaphore, #tpu.memory_space<semaphore_mem>>
    tpu.enqueue_indirect_dma source(%dma_start3A_192 : memref<40x128xf32, #tpu.memory_space<vmem>>) target(%dma_start3A_195 : memref<10240x128xf32, #tpu.memory_space<vmem_shared>>) offsets(%arg9 : memref<40xi32, #tpu.memory_space<vmem>>) semaphore(%dma_start3A_197 : memref<!tpu.dma_semaphore, #tpu.memory_space<semaphore_mem>>) {add = true}
    %dma_wait3A_198 = arith.constant 3 : i32
    %dma_wait3A_199 = tpu.memref_slice %arg3[%add3A_8] : memref<640000xi32, #tpu.memory_space<hbm>> -> memref<40xi32, #tpu.memory_space<hbm>>
    %dma_wait3A_200 = tpu.memref_slice %arg16[%dma_wait3A_198] : memref<5x!tpu.dma_semaphore, #tpu.memory_space<semaphore_mem>> -> memref<1x!tpu.dma_semaphore, #tpu.memory_space<semaphore_mem>>
    %dma_wait3A_201 = tpu.memref_squeeze %dma_wait3A_200 : memref<1x!tpu.dma_semaphore, #tpu.memory_space<semaphore_mem>> -> memref<!tpu.dma_semaphore, #tpu.memory_space<semaphore_mem>>
    %dma_wait3A_202 = tpu.memref_slice %arg3[%add3A_8] : memref<640000xi32, #tpu.memory_space<hbm>> -> memref<40xi32, #tpu.memory_space<hbm>>
    tpu.wait_dma2 semaphore(%dma_wait3A_201 : memref<!tpu.dma_semaphore, #tpu.memory_space<semaphore_mem>>) src(%dma_wait3A_202 : memref<40xi32, #tpu.memory_space<hbm>>) dst(%arg10 : memref<40xi32, #tpu.memory_space<vmem>>)
    %dma_wait3A_203 = arith.constant 3 : i32
    %dma_wait3A_204 = arith.constant 3 : i32
    %dma_wait3A_205 = arith.constant 0 : i32
    %dma_wait3A_206 = arith.constant 0 : i32
    %dma_wait3A_207 = tpu.memref_slice %arg12[%dma_wait3A_203, %dma_wait3A_205, %dma_wait3A_206] : memref<5x40x128xf32, #tpu.memory_space<vmem>> -> memref<1x40x128xf32, #tpu.memory_space<vmem>>
    %dma_wait3A_208 = tpu.memref_squeeze %dma_wait3A_207 : memref<1x40x128xf32, #tpu.memory_space<vmem>> -> memref<40x128xf32, #tpu.memory_space<vmem>>
    %dma_wait3A_209 = arith.constant 0 : i32
    %dma_wait3A_210 = tpu.memref_slice %arg6[%dma_wait3A_209] : memref<10000xi32, #tpu.memory_space<vmem>> -> memref<40xi32, #tpu.memory_space<vmem>>
    %dma_wait3A_211 = arith.constant 0 : i32
    %dma_wait3A_212 = arith.constant 0 : i32
    %dma_wait3A_213 = tpu.memref_slice %arg2[%dma_wait3A_211, %dma_wait3A_212] : memref<10000x128xf32, #tpu.memory_space<hbm>> -> memref<10000x128xf32, #tpu.memory_space<hbm>>
    %dma_wait3A_214 = tpu.memref_slice %arg14[%dma_wait3A_204] : memref<5x!tpu.dma_semaphore, #tpu.memory_space<semaphore_mem>> -> memref<1x!tpu.dma_semaphore, #tpu.memory_space<semaphore_mem>>
    %dma_wait3A_215 = tpu.memref_squeeze %dma_wait3A_214 : memref<1x!tpu.dma_semaphore, #tpu.memory_space<semaphore_mem>> -> memref<!tpu.dma_semaphore, #tpu.memory_space<semaphore_mem>>
    tpu.wait_indirect_dma semaphore(%dma_wait3A_215 : memref<!tpu.dma_semaphore, #tpu.memory_space<semaphore_mem>>) src(%dma_wait3A_213 : memref<10000x128xf32, #tpu.memory_space<hbm>>) dst(%dma_wait3A_208 : memref<40x128xf32, #tpu.memory_space<vmem>>)
    %dma_start3A_216 = arith.constant 3 : i32
    %dma_start3A_217 = arith.constant 3 : i32
    %dma_start3A_218 = arith.constant 0 : i32
    %dma_start3A_219 = arith.constant 0 : i32
    %dma_start3A_220 = tpu.memref_slice %arg12[%dma_start3A_216, %dma_start3A_218, %dma_start3A_219] : memref<5x40x128xf32, #tpu.memory_space<vmem>> -> memref<1x40x128xf32, #tpu.memory_space<vmem>>
    %dma_start3A_221 = tpu.memref_squeeze %dma_start3A_220 : memref<1x40x128xf32, #tpu.memory_space<vmem>> -> memref<40x128xf32, #tpu.memory_space<vmem>>
    %dma_start3A_222 = arith.constant 0 : i32
    %dma_start3A_223 = arith.constant 0 : i32
    %dma_start3A_224 = tpu.memref_slice %arg13[%dma_start3A_222, %dma_start3A_223] : memref<10240x128xf32, #tpu.memory_space<vmem_shared>> -> memref<10240x128xf32, #tpu.memory_space<vmem_shared>>
    %dma_start3A_225 = tpu.memref_slice %arg15[%dma_start3A_217] : memref<5x!tpu.dma_semaphore, #tpu.memory_space<semaphore_mem>> -> memref<1x!tpu.dma_semaphore, #tpu.memory_space<semaphore_mem>>
    %dma_start3A_226 = tpu.memref_squeeze %dma_start3A_225 : memref<1x!tpu.dma_semaphore, #tpu.memory_space<semaphore_mem>> -> memref<!tpu.dma_semaphore, #tpu.memory_space<semaphore_mem>>
    tpu.enqueue_indirect_dma source(%dma_start3A_221 : memref<40x128xf32, #tpu.memory_space<vmem>>) target(%dma_start3A_224 : memref<10240x128xf32, #tpu.memory_space<vmem_shared>>) offsets(%arg10 : memref<40xi32, #tpu.memory_space<vmem>>) semaphore(%dma_start3A_226 : memref<!tpu.dma_semaphore, #tpu.memory_space<semaphore_mem>>) {add = true}
    %dma_wait3A_227 = arith.constant 4 : i32
    %dma_wait3A_228 = tpu.memref_slice %arg3[%add3A_8] : memref<640000xi32, #tpu.memory_space<hbm>> -> memref<40xi32, #tpu.memory_space<hbm>>
    %dma_wait3A_229 = tpu.memref_slice %arg16[%dma_wait3A_227] : memref<5x!tpu.dma_semaphore, #tpu.memory_space<semaphore_mem>> -> memref<1x!tpu.dma_semaphore, #tpu.memory_space<semaphore_mem>>
    %dma_wait3A_230 = tpu.memref_squeeze %dma_wait3A_229 : memref<1x!tpu.dma_semaphore, #tpu.memory_space<semaphore_mem>> -> memref<!tpu.dma_semaphore, #tpu.memory_space<semaphore_mem>>
    %dma_wait3A_231 = tpu.memref_slice %arg3[%add3A_8] : memref<640000xi32, #tpu.memory_space<hbm>> -> memref<40xi32, #tpu.memory_space<hbm>>
    tpu.wait_dma2 semaphore(%dma_wait3A_230 : memref<!tpu.dma_semaphore, #tpu.memory_space<semaphore_mem>>) src(%dma_wait3A_231 : memref<40xi32, #tpu.memory_space<hbm>>) dst(%arg11 : memref<40xi32, #tpu.memory_space<vmem>>)
    %dma_wait3A_232 = arith.constant 4 : i32
    %dma_wait3A_233 = arith.constant 4 : i32
    %dma_wait3A_234 = arith.constant 0 : i32
    %dma_wait3A_235 = arith.constant 0 : i32
    %dma_wait3A_236 = tpu.memref_slice %arg12[%dma_wait3A_232, %dma_wait3A_234, %dma_wait3A_235] : memref<5x40x128xf32, #tpu.memory_space<vmem>> -> memref<1x40x128xf32, #tpu.memory_space<vmem>>
    %dma_wait3A_237 = tpu.memref_squeeze %dma_wait3A_236 : memref<1x40x128xf32, #tpu.memory_space<vmem>> -> memref<40x128xf32, #tpu.memory_space<vmem>>
    %dma_wait3A_238 = arith.constant 0 : i32
    %dma_wait3A_239 = tpu.memref_slice %arg6[%dma_wait3A_238] : memref<10000xi32, #tpu.memory_space<vmem>> -> memref<40xi32, #tpu.memory_space<vmem>>
    %dma_wait3A_240 = arith.constant 0 : i32
    %dma_wait3A_241 = arith.constant 0 : i32
    %dma_wait3A_242 = tpu.memref_slice %arg2[%dma_wait3A_240, %dma_wait3A_241] : memref<10000x128xf32, #tpu.memory_space<hbm>> -> memref<10000x128xf32, #tpu.memory_space<hbm>>
    %dma_wait3A_243 = tpu.memref_slice %arg14[%dma_wait3A_233] : memref<5x!tpu.dma_semaphore, #tpu.memory_space<semaphore_mem>> -> memref<1x!tpu.dma_semaphore, #tpu.memory_space<semaphore_mem>>
    %dma_wait3A_244 = tpu.memref_squeeze %dma_wait3A_243 : memref<1x!tpu.dma_semaphore, #tpu.memory_space<semaphore_mem>> -> memref<!tpu.dma_semaphore, #tpu.memory_space<semaphore_mem>>
    tpu.wait_indirect_dma semaphore(%dma_wait3A_244 : memref<!tpu.dma_semaphore, #tpu.memory_space<semaphore_mem>>) src(%dma_wait3A_242 : memref<10000x128xf32, #tpu.memory_space<hbm>>) dst(%dma_wait3A_237 : memref<40x128xf32, #tpu.memory_space<vmem>>)
    %dma_start3A_245 = arith.constant 4 : i32
    %dma_start3A_246 = arith.constant 4 : i32
    %dma_start3A_247 = arith.constant 0 : i32
    %dma_start3A_248 = arith.constant 0 : i32
    %dma_start3A_249 = tpu.memref_slice %arg12[%dma_start3A_245, %dma_start3A_247, %dma_start3A_248] : memref<5x40x128xf32, #tpu.memory_space<vmem>> -> memref<1x40x128xf32, #tpu.memory_space<vmem>>
    %dma_start3A_250 = tpu.memref_squeeze %dma_start3A_249 : memref<1x40x128xf32, #tpu.memory_space<vmem>> -> memref<40x128xf32, #tpu.memory_space<vmem>>
    %dma_start3A_251 = arith.constant 0 : i32
    %dma_start3A_252 = arith.constant 0 : i32
    %dma_start3A_253 = tpu.memref_slice %arg13[%dma_start3A_251, %dma_start3A_252] : memref<10240x128xf32, #tpu.memory_space<vmem_shared>> -> memref<10240x128xf32, #tpu.memory_space<vmem_shared>>
    %dma_start3A_254 = tpu.memref_slice %arg15[%dma_start3A_246] : memref<5x!tpu.dma_semaphore, #tpu.memory_space<semaphore_mem>> -> memref<1x!tpu.dma_semaphore, #tpu.memory_space<semaphore_mem>>
    %dma_start3A_255 = tpu.memref_squeeze %dma_start3A_254 : memref<1x!tpu.dma_semaphore, #tpu.memory_space<semaphore_mem>> -> memref<!tpu.dma_semaphore, #tpu.memory_space<semaphore_mem>>
    tpu.enqueue_indirect_dma source(%dma_start3A_250 : memref<40x128xf32, #tpu.memory_space<vmem>>) target(%dma_start3A_253 : memref<10240x128xf32, #tpu.memory_space<vmem_shared>>) offsets(%arg11 : memref<40xi32, #tpu.memory_space<vmem>>) semaphore(%dma_start3A_255 : memref<!tpu.dma_semaphore, #tpu.memory_space<semaphore_mem>>) {add = true}
    %dma_wait3A_256 = arith.constant 0 : i32
    %dma_wait3A_257 = arith.constant 0 : i32
    %dma_wait3A_258 = arith.constant 0 : i32
    %dma_wait3A_259 = arith.constant 0 : i32
    %dma_wait3A_260 = tpu.memref_slice %arg12[%dma_wait3A_256, %dma_wait3A_258, %dma_wait3A_259] : memref<5x40x128xf32, #tpu.memory_space<vmem>> -> memref<1x40x128xf32, #tpu.memory_space<vmem>>
    %dma_wait3A_261 = tpu.memref_squeeze %dma_wait3A_260 : memref<1x40x128xf32, #tpu.memory_space<vmem>> -> memref<40x128xf32, #tpu.memory_space<vmem>>
    %dma_wait3A_262 = arith.constant 0 : i32
    %dma_wait3A_263 = arith.constant 0 : i32
    %dma_wait3A_264 = tpu.memref_slice %arg13[%dma_wait3A_262, %dma_wait3A_263] : memref<10240x128xf32, #tpu.memory_space<vmem_shared>> -> memref<10240x128xf32, #tpu.memory_space<vmem_shared>>
    %dma_wait3A_265 = tpu.memref_slice %arg15[%dma_wait3A_257] : memref<5x!tpu.dma_semaphore, #tpu.memory_space<semaphore_mem>> -> memref<1x!tpu.dma_semaphore, #tpu.memory_space<semaphore_mem>>
    %dma_wait3A_266 = tpu.memref_squeeze %dma_wait3A_265 : memref<1x!tpu.dma_semaphore, #tpu.memory_space<semaphore_mem>> -> memref<!tpu.dma_semaphore, #tpu.memory_space<semaphore_mem>>
    tpu.wait_indirect_dma semaphore(%dma_wait3A_266 : memref<!tpu.dma_semaphore, #tpu.memory_space<semaphore_mem>>) src(%dma_wait3A_261 : memref<40x128xf32, #tpu.memory_space<vmem>>) dst(%dma_wait3A_264 : memref<10240x128xf32, #tpu.memory_space<vmem_shared>>)
    %dma_wait3A_267 = arith.constant 1 : i32
    %dma_wait3A_268 = arith.constant 1 : i32
    %dma_wait3A_269 = arith.constant 0 : i32
    %dma_wait3A_270 = arith.constant 0 : i32
    %dma_wait3A_271 = tpu.memref_slice %arg12[%dma_wait3A_267, %dma_wait3A_269, %dma_wait3A_270] : memref<5x40x128xf32, #tpu.memory_space<vmem>> -> memref<1x40x128xf32, #tpu.memory_space<vmem>>
    %dma_wait3A_272 = tpu.memref_squeeze %dma_wait3A_271 : memref<1x40x128xf32, #tpu.memory_space<vmem>> -> memref<40x128xf32, #tpu.memory_space<vmem>>
    %dma_wait3A_273 = arith.constant 0 : i32
    %dma_wait3A_274 = arith.constant 0 : i32
    %dma_wait3A_275 = tpu.memref_slice %arg13[%dma_wait3A_273, %dma_wait3A_274] : memref<10240x128xf32, #tpu.memory_space<vmem_shared>> -> memref<10240x128xf32, #tpu.memory_space<vmem_shared>>
    %dma_wait3A_276 = tpu.memref_slice %arg15[%dma_wait3A_268] : memref<5x!tpu.dma_semaphore, #tpu.memory_space<semaphore_mem>> -> memref<1x!tpu.dma_semaphore, #tpu.memory_space<semaphore_mem>>
    %dma_wait3A_277 = tpu.memref_squeeze %dma_wait3A_276 : memref<1x!tpu.dma_semaphore, #tpu.memory_space<semaphore_mem>> -> memref<!tpu.dma_semaphore, #tpu.memory_space<semaphore_mem>>
    tpu.wait_indirect_dma semaphore(%dma_wait3A_277 : memref<!tpu.dma_semaphore, #tpu.memory_space<semaphore_mem>>) src(%dma_wait3A_272 : memref<40x128xf32, #tpu.memory_space<vmem>>) dst(%dma_wait3A_275 : memref<10240x128xf32, #tpu.memory_space<vmem_shared>>)
    %dma_wait3A_278 = arith.constant 2 : i32
    %dma_wait3A_279 = arith.constant 2 : i32
    %dma_wait3A_280 = arith.constant 0 : i32
    %dma_wait3A_281 = arith.constant 0 : i32
    %dma_wait3A_282 = tpu.memref_slice %arg12[%dma_wait3A_278, %dma_wait3A_280, %dma_wait3A_281] : memref<5x40x128xf32, #tpu.memory_space<vmem>> -> memref<1x40x128xf32, #tpu.memory_space<vmem>>
    %dma_wait3A_283 = tpu.memref_squeeze %dma_wait3A_282 : memref<1x40x128xf32, #tpu.memory_space<vmem>> -> memref<40x128xf32, #tpu.memory_space<vmem>>
    %dma_wait3A_284 = arith.constant 0 : i32
    %dma_wait3A_285 = arith.constant 0 : i32
    %dma_wait3A_286 = tpu.memref_slice %arg13[%dma_wait3A_284, %dma_wait3A_285] : memref<10240x128xf32, #tpu.memory_space<vmem_shared>> -> memref<10240x128xf32, #tpu.memory_space<vmem_shared>>
    %dma_wait3A_287 = tpu.memref_slice %arg15[%dma_wait3A_279] : memref<5x!tpu.dma_semaphore, #tpu.memory_space<semaphore_mem>> -> memref<1x!tpu.dma_semaphore, #tpu.memory_space<semaphore_mem>>
    %dma_wait3A_288 = tpu.memref_squeeze %dma_wait3A_287 : memref<1x!tpu.dma_semaphore, #tpu.memory_space<semaphore_mem>> -> memref<!tpu.dma_semaphore, #tpu.memory_space<semaphore_mem>>
    tpu.wait_indirect_dma semaphore(%dma_wait3A_288 : memref<!tpu.dma_semaphore, #tpu.memory_space<semaphore_mem>>) src(%dma_wait3A_283 : memref<40x128xf32, #tpu.memory_space<vmem>>) dst(%dma_wait3A_286 : memref<10240x128xf32, #tpu.memory_space<vmem_shared>>)
    %dma_wait3A_289 = arith.constant 3 : i32
    %dma_wait3A_290 = arith.constant 3 : i32
    %dma_wait3A_291 = arith.constant 0 : i32
    %dma_wait3A_292 = arith.constant 0 : i32
    %dma_wait3A_293 = tpu.memref_slice %arg12[%dma_wait3A_289, %dma_wait3A_291, %dma_wait3A_292] : memref<5x40x128xf32, #tpu.memory_space<vmem>> -> memref<1x40x128xf32, #tpu.memory_space<vmem>>
    %dma_wait3A_294 = tpu.memref_squeeze %dma_wait3A_293 : memref<1x40x128xf32, #tpu.memory_space<vmem>> -> memref<40x128xf32, #tpu.memory_space<vmem>>
    %dma_wait3A_295 = arith.constant 0 : i32
    %dma_wait3A_296 = arith.constant 0 : i32
    %dma_wait3A_297 = tpu.memref_slice %arg13[%dma_wait3A_295, %dma_wait3A_296] : memref<10240x128xf32, #tpu.memory_space<vmem_shared>> -> memref<10240x128xf32, #tpu.memory_space<vmem_shared>>
    %dma_wait3A_298 = tpu.memref_slice %arg15[%dma_wait3A_290] : memref<5x!tpu.dma_semaphore, #tpu.memory_space<semaphore_mem>> -> memref<1x!tpu.dma_semaphore, #tpu.memory_space<semaphore_mem>>
    %dma_wait3A_299 = tpu.memref_squeeze %dma_wait3A_298 : memref<1x!tpu.dma_semaphore, #tpu.memory_space<semaphore_mem>> -> memref<!tpu.dma_semaphore, #tpu.memory_space<semaphore_mem>>
    tpu.wait_indirect_dma semaphore(%dma_wait3A_299 : memref<!tpu.dma_semaphore, #tpu.memory_space<semaphore_mem>>) src(%dma_wait3A_294 : memref<40x128xf32, #tpu.memory_space<vmem>>) dst(%dma_wait3A_297 : memref<10240x128xf32, #tpu.memory_space<vmem_shared>>)
    %dma_wait3A_300 = arith.constant 4 : i32
    %dma_wait3A_301 = arith.constant 4 : i32
    %dma_wait3A_302 = arith.constant 0 : i32
    %dma_wait3A_303 = arith.constant 0 : i32
    %dma_wait3A_304 = tpu.memref_slice %arg12[%dma_wait3A_300, %dma_wait3A_302, %dma_wait3A_303] : memref<5x40x128xf32, #tpu.memory_space<vmem>> -> memref<1x40x128xf32, #tpu.memory_space<vmem>>
    %dma_wait3A_305 = tpu.memref_squeeze %dma_wait3A_304 : memref<1x40x128xf32, #tpu.memory_space<vmem>> -> memref<40x128xf32, #tpu.memory_space<vmem>>
    %dma_wait3A_306 = arith.constant 0 : i32
    %dma_wait3A_307 = arith.constant 0 : i32
    %dma_wait3A_308 = tpu.memref_slice %arg13[%dma_wait3A_306, %dma_wait3A_307] : memref<10240x128xf32, #tpu.memory_space<vmem_shared>> -> memref<10240x128xf32, #tpu.memory_space<vmem_shared>>
    %dma_wait3A_309 = tpu.memref_slice %arg15[%dma_wait3A_301] : memref<5x!tpu.dma_semaphore, #tpu.memory_space<semaphore_mem>> -> memref<1x!tpu.dma_semaphore, #tpu.memory_space<semaphore_mem>>
    %dma_wait3A_310 = tpu.memref_squeeze %dma_wait3A_309 : memref<1x!tpu.dma_semaphore, #tpu.memory_space<semaphore_mem>> -> memref<!tpu.dma_semaphore, #tpu.memory_space<semaphore_mem>>
    tpu.wait_indirect_dma semaphore(%dma_wait3A_310 : memref<!tpu.dma_semaphore, #tpu.memory_space<semaphore_mem>>) src(%dma_wait3A_305 : memref<40x128xf32, #tpu.memory_space<vmem>>) dst(%dma_wait3A_308 : memref<10240x128xf32, #tpu.memory_space<vmem_shared>>)
    %barrier3A_311 = arith.constant 0 : index
    tpu.barrier barrier_id(%barrier3A_311)
    "tpu.region"() ({
      %run_scoped3A = tpu.sem_alloc : memref<!tpu.dma_semaphore, #tpu.memory_space<semaphore_mem>>
      %dma_start3A_312 = arith.constant 0 : i32
      %dma_start3A_313 = tpu.memref_slice %arg5[%arg0, %mul3A_0, %dma_start3A_312] : memref<2x10240x128xf32, #tpu.memory_space<hbm>> -> memref<1x640x128xf32, #tpu.memory_space<hbm>>
      %dma_start3A_314 = tpu.memref_squeeze %dma_start3A_313 : memref<1x640x128xf32, #tpu.memory_space<hbm>> -> memref<640x128xf32, #tpu.memory_space<hbm>>
      %dma_start3A_315 = arith.constant 0 : i32
      %dma_start3A_316 = tpu.memref_slice %arg13[%mul3A_0, %dma_start3A_315] : memref<10240x128xf32, #tpu.memory_space<vmem_shared>> -> memref<640x128xf32, #tpu.memory_space<vmem_shared>>
      tpu.enqueue_dma source(%dma_start3A_316 : memref<640x128xf32, #tpu.memory_space<vmem_shared>>) target(%dma_start3A_314 : memref<640x128xf32, #tpu.memory_space<hbm>>) target_semaphore(%run_scoped3A : memref<!tpu.dma_semaphore, #tpu.memory_space<semaphore_mem>>)
      %dma_wait3A_317 = arith.constant 0 : i32
      %dma_wait3A_318 = tpu.memref_slice %arg5[%arg0, %mul3A_0, %dma_wait3A_317] : memref<2x10240x128xf32, #tpu.memory_space<hbm>> -> memref<1x640x128xf32, #tpu.memory_space<hbm>>
      %dma_wait3A_319 = tpu.memref_squeeze %dma_wait3A_318 : memref<1x640x128xf32, #tpu.memory_space<hbm>> -> memref<640x128xf32, #tpu.memory_space<hbm>>
      %dma_wait3A_320 = arith.constant 0 : i32
      %dma_wait3A_321 = tpu.memref_slice %arg13[%mul3A_0, %dma_wait3A_320] : memref<10240x128xf32, #tpu.memory_space<vmem_shared>> -> memref<640x128xf32, #tpu.memory_space<vmem_shared>>
      tpu.wait_dma2 semaphore(%run_scoped3A : memref<!tpu.dma_semaphore, #tpu.memory_space<semaphore_mem>>) src(%dma_wait3A_321 : memref<640x128xf32, #tpu.memory_space<vmem_shared>>) dst(%dma_wait3A_319 : memref<640x128xf32, #tpu.memory_space<hbm>>)
      tpu.yield
    }) : () -> ()
    return
  }
}

module attributes {stable_mosaic.version = 14 : i64} {
  func.func @_scale_body(%arg0: i32, %arg1: memref<2x2048xf32, #tpu.memory_space<vmem>>, %arg2: memref<2048x128xf32, #tpu.memory_space<vmem>>, %arg3: memref<2048x128xf32, #tpu.memory_space<vmem>>, %arg4: memref<2048x1xf32, #tpu.memory_space<vmem>>) attributes {dimension_semantics = [#tpu.dimension_semantics<arbitrary>], iteration_bounds = array<i64: 5>, scalar_prefetch = 0 : i64, scratch_operands = 0 : i64, tpu.core_type = #tpu.core_type<tc>, window_params = [{transform_indices = @transform_0, window_bounds = array<i64: 2, 2048>}, {transform_indices = @transform_1, window_bounds = array<i64: 2048, 128>}, {transform_indices = @transform_2, window_bounds = array<i64: 2048, 128>}, {transform_indices = @transform_3, window_bounds = array<i64: 2048, 1>}]} {
    %get3A = arith.constant 0 : index
    %get3A_0 = arith.constant 0 : index
    %get3A_1 = vector.load %arg1[%get3A, %get3A_0] : memref<2x2048xf32, #tpu.memory_space<vmem>>, vector<1x2048xf32>
    %get3A_2 = vector.shape_cast %get3A_1 : vector<1x2048xf32> to vector<2048xf32>
    %get3A_3 = arith.constant 1 : index
    %get3A_4 = arith.constant 0 : index
    %get3A_5 = vector.load %arg1[%get3A_3, %get3A_4] : memref<2x2048xf32, #tpu.memory_space<vmem>>, vector<1x2048xf32>
    %get3A_6 = vector.shape_cast %get3A_5 : vector<1x2048xf32> to vector<2048xf32>
    %add3A = arith.addf %get3A_2, %get3A_6 : vector<2048xf32>
    %add3A_7 = arith.constant 1.000000e+00 : f32
    %add3A_8 = vector.broadcast %add3A_7 : f32 to vector<2048xf32>
    %add3A_9 = arith.addf %add3A, %add3A_8 : vector<2048xf32>
    %rsqrt3A = math.rsqrt %add3A_9 : vector<2048xf32>
    %mul3A = arith.constant 5.000000e-01 : f32
    %mul3A_10 = vector.broadcast %mul3A : f32 to vector<2048xf32>
    %mul3A_11 = arith.mulf %mul3A_10, %add3A_9 : vector<2048xf32>
    %mul3A_12 = arith.mulf %mul3A_11, %rsqrt3A : vector<2048xf32>
    %mul3A_13 = arith.mulf %mul3A_12, %rsqrt3A : vector<2048xf32>
    %sub3A = arith.constant 1.500000e+00 : f32
    %sub3A_14 = vector.broadcast %sub3A : f32 to vector<2048xf32>
    %sub3A_15 = arith.subf %sub3A_14, %mul3A_13 : vector<2048xf32>
    %mul3A_16 = arith.mulf %rsqrt3A, %sub3A_15 : vector<2048xf32>
    %broadcast_in_dim3A = vector.shape_cast %mul3A_16 : vector<2048xf32> to vector<2048x1xf32>
    %swap3A = arith.constant 0 : index
    %swap3A_17 = arith.constant 0 : index
    %swap3A_18 = vector.load %arg4[%swap3A, %swap3A_17] : memref<2048x1xf32, #tpu.memory_space<vmem>>, vector<2048x1xf32>
    tpu.vector_store %arg4[%swap3A, %swap3A_17], %broadcast_in_dim3A {strides = array<i32>} : memref<2048x1xf32, #tpu.memory_space<vmem>>, vector<2048x1xf32>,
    %get3A_19 = arith.constant 0 : index
    %get3A_20 = arith.constant 0 : index
    %get3A_21 = vector.load %arg2[%get3A_19, %get3A_20] : memref<2048x128xf32, #tpu.memory_space<vmem>>, vector<2048x128xf32>
    %mul3A_22 = vector.broadcast %broadcast_in_dim3A : vector<2048x1xf32> to vector<2048x128xf32>
    %mul3A_23 = arith.mulf %get3A_21, %mul3A_22 : vector<2048x128xf32>
    %swap3A_24 = arith.constant 0 : index
    %swap3A_25 = arith.constant 0 : index
    %swap3A_26 = vector.load %arg3[%swap3A_24, %swap3A_25] : memref<2048x128xf32, #tpu.memory_space<vmem>>, vector<2048x128xf32>
    tpu.vector_store %arg3[%swap3A_24, %swap3A_25], %mul3A_23 {strides = array<i32>} : memref<2048x128xf32, #tpu.memory_space<vmem>>, vector<2048x128xf32>,
    return
  }
  func.func @transform_0(%arg0: i32) -> (i32, i32) {
    %c0_i32 = arith.constant 0 : i32
    %c0_i32_0 = arith.constant 0 : i32
    return %c0_i32, %arg0 : i32, i32
  }
  func.func @transform_1(%arg0: i32) -> (i32, i32) {
    %c0_i32 = arith.constant 0 : i32
    %c0_i32_0 = arith.constant 0 : i32
    return %arg0, %c0_i32 : i32, i32
  }
  func.func @transform_2(%arg0: i32) -> (i32, i32) {
    %c0_i32 = arith.constant 0 : i32
    %c0_i32_0 = arith.constant 0 : i32
    return %arg0, %c0_i32 : i32, i32
  }
  func.func @transform_3(%arg0: i32) -> (i32, i32) {
    %c0_i32 = arith.constant 0 : i32
    %c0_i32_0 = arith.constant 0 : i32
    return %arg0, %c0_i32 : i32, i32
  }
}

module attributes {stable_mosaic.version = 14 : i64} {
  func.func @_dense_body(%arg0: i32, %arg1: memref<2x2048x128xf32, #tpu.memory_space<vmem>>, %arg2: memref<2048x128xf32, #tpu.memory_space<vmem>>, %arg3: memref<2048x1xf32, #tpu.memory_space<vmem>>, %arg4: memref<128x256xf32, #tpu.memory_space<vmem>>, %arg5: memref<1x256xf32, #tpu.memory_space<vmem>>, %arg6: memref<256x40xf32, #tpu.memory_space<vmem>>, %arg7: memref<1x40xf32, #tpu.memory_space<vmem>>, %arg8: memref<2048x40xf32, #tpu.memory_space<vmem>>) attributes {dimension_semantics = [#tpu.dimension_semantics<arbitrary>], iteration_bounds = array<i64: 5>, scalar_prefetch = 0 : i64, scratch_operands = 0 : i64, tpu.core_type = #tpu.core_type<tc>, window_params = [{transform_indices = @transform_0, window_bounds = array<i64: 2, 2048, 128>}, {transform_indices = @transform_1, window_bounds = array<i64: 2048, 128>}, {transform_indices = @transform_2, window_bounds = array<i64: 2048, 1>}, {pipeline_mode = #tpu.pipeline_mode<synchronous>, transform_indices = @transform_3, window_bounds = array<i64: 128, 256>}, {pipeline_mode = #tpu.pipeline_mode<synchronous>, transform_indices = @transform_4, window_bounds = array<i64: 1, 256>}, {pipeline_mode = #tpu.pipeline_mode<synchronous>, transform_indices = @transform_5, window_bounds = array<i64: 256, 40>}, {pipeline_mode = #tpu.pipeline_mode<synchronous>, transform_indices = @transform_6, window_bounds = array<i64: 1, 40>}, {transform_indices = @transform_7, window_bounds = array<i64: 2048, 40>}]} {
    %get3A = arith.constant 0 : index
    %get3A_0 = arith.constant 0 : index
    %get3A_1 = arith.constant 0 : index
    %get3A_2 = vector.load %arg1[%get3A, %get3A_0, %get3A_1] : memref<2x2048x128xf32, #tpu.memory_space<vmem>>, vector<1x2048x128xf32>
    %get3A_3 = vector.shape_cast %get3A_2 : vector<1x2048x128xf32> to vector<2048x128xf32>
    %get3A_4 = arith.constant 1 : index
    %get3A_5 = arith.constant 0 : index
    %get3A_6 = arith.constant 0 : index
    %get3A_7 = vector.load %arg1[%get3A_4, %get3A_5, %get3A_6] : memref<2x2048x128xf32, #tpu.memory_space<vmem>>, vector<1x2048x128xf32>
    %get3A_8 = vector.shape_cast %get3A_7 : vector<1x2048x128xf32> to vector<2048x128xf32>
    %add3A = arith.addf %get3A_3, %get3A_8 : vector<2048x128xf32>
    %get3A_9 = arith.constant 0 : index
    %get3A_10 = arith.constant 0 : index
    %get3A_11 = vector.load %arg2[%get3A_9, %get3A_10] : memref<2048x128xf32, #tpu.memory_space<vmem>>, vector<2048x128xf32>
    %add3A_12 = arith.addf %add3A, %get3A_11 : vector<2048x128xf32>
    %get3A_13 = arith.constant 0 : index
    %get3A_14 = arith.constant 0 : index
    %get3A_15 = vector.load %arg3[%get3A_13, %get3A_14] : memref<2048x1xf32, #tpu.memory_space<vmem>>, vector<2048x1xf32>
    %mul3A = vector.broadcast %get3A_15 : vector<2048x1xf32> to vector<2048x128xf32>
    %mul3A_16 = arith.mulf %add3A_12, %mul3A : vector<2048x128xf32>
    %get3A_17 = arith.constant 0 : index
    %get3A_18 = arith.constant 0 : index
    %get3A_19 = vector.load %arg4[%get3A_17, %get3A_18] : memref<128x256xf32, #tpu.memory_space<vmem>>, vector<128x256xf32>
    %dot_general3A = arith.constant dense<0.000000e+00> : vector<2048x256xf32>
    %dot_general3A_20 = tpu.matmul %mul3A_16, %get3A_19, %dot_general3A {dimension_numbers = #tpu.dot_dimension_numbers<[1], [0], [0], [1], [0, 0, 1, 1], [], []>, transpose_lhs_hint = false} : vector<2048x128xf32>, vector<128x256xf32>, vector<2048x256xf32> -> vector<2048x256xf32>
    %get3A_21 = arith.constant 0 : index
    %get3A_22 = arith.constant 0 : index
    %get3A_23 = vector.load %arg5[%get3A_21, %get3A_22] : memref<1x256xf32, #tpu.memory_space<vmem>>, vector<1x256xf32>
    %add3A_24 = vector.broadcast %get3A_23 : vector<1x256xf32> to vector<2048x256xf32>
    %add3A_25 = arith.addf %dot_general3A_20, %add3A_24 : vector<2048x256xf32>
    %max3A = arith.constant 0.000000e+00 : f32
    %max3A_26 = vector.broadcast %max3A : f32 to vector<2048x256xf32>
    %max3A_27 = arith.maximumf %add3A_25, %max3A_26 : vector<2048x256xf32>
    %get3A_28 = arith.constant 0 : index
    %get3A_29 = arith.constant 0 : index
    %get3A_30 = vector.load %arg6[%get3A_28, %get3A_29] : memref<256x40xf32, #tpu.memory_space<vmem>>, vector<256x40xf32>
    %dot_general3A_31 = arith.constant dense<0.000000e+00> : vector<2048x40xf32>
    %dot_general3A_32 = tpu.matmul %max3A_27, %get3A_30, %dot_general3A_31 {dimension_numbers = #tpu.dot_dimension_numbers<[1], [0], [0], [1], [0, 0, 1, 1], [], []>, transpose_lhs_hint = false} : vector<2048x256xf32>, vector<256x40xf32>, vector<2048x40xf32> -> vector<2048x40xf32>
    %get3A_33 = arith.constant 0 : index
    %get3A_34 = arith.constant 0 : index
    %get3A_35 = vector.load %arg7[%get3A_33, %get3A_34] : memref<1x40xf32, #tpu.memory_space<vmem>>, vector<1x40xf32>
    %add3A_36 = vector.broadcast %get3A_35 : vector<1x40xf32> to vector<2048x40xf32>
    %add3A_37 = arith.addf %dot_general3A_32, %add3A_36 : vector<2048x40xf32>
    %reduce_max3A = arith.constant dense<0xFF800000> : vector<2048xf32>
    %reduce_max3A_38 = vector.multi_reduction <maximumf>, %add3A_37, %reduce_max3A [1] : vector<2048x40xf32> to vector<2048xf32>
    %broadcast_in_dim3A = vector.shape_cast %reduce_max3A_38 : vector<2048xf32> to vector<2048x1xf32>
    %sub3A = vector.broadcast %broadcast_in_dim3A : vector<2048x1xf32> to vector<2048x40xf32>
    %sub3A_39 = arith.subf %add3A_37, %sub3A : vector<2048x40xf32>
    %exp3A = math.exp %sub3A_39 : vector<2048x40xf32>
    %reduce_sum3A = arith.constant dense<0.000000e+00> : vector<2048xf32>
    %reduce_sum3A_40 = vector.multi_reduction <add>, %exp3A, %reduce_sum3A [1] : vector<2048x40xf32> to vector<2048xf32>
    %broadcast_in_dim3A_41 = vector.shape_cast %reduce_sum3A_40 : vector<2048xf32> to vector<2048x1xf32>
    %log3A = math.log %broadcast_in_dim3A_41 : vector<2048x1xf32>
    %add3A_42 = arith.addf %log3A, %broadcast_in_dim3A : vector<2048x1xf32>
    %sub3A_43 = vector.broadcast %add3A_42 : vector<2048x1xf32> to vector<2048x40xf32>
    %sub3A_44 = arith.subf %add3A_37, %sub3A_43 : vector<2048x40xf32>
    %swap3A = arith.constant 0 : index
    %swap3A_45 = arith.constant 0 : index
    %swap3A_46 = vector.load %arg8[%swap3A, %swap3A_45] : memref<2048x40xf32, #tpu.memory_space<vmem>>, vector<2048x40xf32>
    tpu.vector_store %arg8[%swap3A, %swap3A_45], %sub3A_44 {strides = array<i32>} : memref<2048x40xf32, #tpu.memory_space<vmem>>, vector<2048x40xf32>,
    return
  }
  func.func @transform_0(%arg0: i32) -> (i32, i32, i32) {
    %c0_i32 = arith.constant 0 : i32
    %c0_i32_0 = arith.constant 0 : i32
    %c0_i32_1 = arith.constant 0 : i32
    return %c0_i32, %arg0, %c0_i32_0 : i32, i32, i32
  }
  func.func @transform_1(%arg0: i32) -> (i32, i32) {
    %c0_i32 = arith.constant 0 : i32
    %c0_i32_0 = arith.constant 0 : i32
    return %arg0, %c0_i32 : i32, i32
  }
  func.func @transform_2(%arg0: i32) -> (i32, i32) {
    %c0_i32 = arith.constant 0 : i32
    %c0_i32_0 = arith.constant 0 : i32
    return %arg0, %c0_i32 : i32, i32
  }
  func.func @transform_3(%arg0: i32) -> (i32, i32) {
    %c0_i32 = arith.constant 0 : i32
    %c0_i32_0 = arith.constant 0 : i32
    %c0_i32_1 = arith.constant 0 : i32
    return %c0_i32, %c0_i32_0 : i32, i32
  }
  func.func @transform_4(%arg0: i32) -> (i32, i32) {
    %c0_i32 = arith.constant 0 : i32
    %c0_i32_0 = arith.constant 0 : i32
    %c0_i32_1 = arith.constant 0 : i32
    return %c0_i32, %c0_i32_0 : i32, i32
  }
  func.func @transform_5(%arg0: i32) -> (i32, i32) {
    %c0_i32 = arith.constant 0 : i32
    %c0_i32_0 = arith.constant 0 : i32
    %c0_i32_1 = arith.constant 0 : i32
    return %c0_i32, %c0_i32_0 : i32, i32
  }
  func.func @transform_6(%arg0: i32) -> (i32, i32) {
    %c0_i32 = arith.constant 0 : i32
    %c0_i32_0 = arith.constant 0 : i32
    %c0_i32_1 = arith.constant 0 : i32
    return %c0_i32, %c0_i32_0 : i32, i32
  }
  func.func @transform_7(%arg0: i32) -> (i32, i32) {
    %c0_i32 = arith.constant 0 : i32
    %c0_i32_0 = arith.constant 0 : i32
    return %arg0, %c0_i32 : i32, i32
  }
}

</mosaic_0001>

<sc_bundles>
// kernel: kernel.6.cloned.1.call-start
scs
__scs_entry_jumppad:
0x0: {  	(pc) =	sbr.rel $0x88, $3  }
0x1: {  	(tag) =	ssettag $0x0;
	lr =	simm.s32 $0x1  }
0x2: {  	[smem:$0x3F9B] =	sst lr;
	_ =	strace $0xD0000000  }
0x3: {  	_ = 	snop  }
0x4: {  	_ = 	snop  }
0x5: {  	_ = 	snop  }
0x6: {  	_ = 	snop  }
0x7: {  	_ = 	snop  }
__scs_overlays_trampoline_lowered:
0x8: {  	[smem:$0x3FAA] =	sst s0  }
0x9: {  	[smem:$0x3FAB] =	sst s1  }
0xa: {  	[smem:$0x3FAC] =	sst s2  }
0xb: {  	[smem:$0x3FAD] =	sst s3  }
0xc: {  	[smem:$0x3FAE] =	sst s4  }
0xd: {  	[smem:$0x3FAF] =	sst s5  }
0xe: {  	[smem:$0x3FB0] =	sst s6  }
0xf: {  	[smem:$0x3FB1] =	sst s7  }
0x10: {  	[smem:$0x3FB2] =	sst s8  }
0x11: {  	[smem:$0x3FB3] =	sst s9;
	s0 =	simm.s32 @!p0 $0x0  }
0x12: {  	s1 =	sld [smem:$0x3F99];
	s0 =	simm.s32 @p0 $0x1  }
0x13: {  	[smem:$0x3FB4] =	sst s0;
	s0 =	simm.s32 @!p1 $0x0  }
0x14: {  	s2 =	sld [smem:$0x3F98];
	s0 =	simm.s32 @p1 $0x1  }
0x15: {  	[smem:$0x3FB5] =	sst s0;
	s0 =	simm.s32 @!p2 $0x0  }
0x16: {  	s3 =	sld [smem:$0x3FDB];
	s0 =	simm.s32 @p2 $0x1  }
0x17: {  	s4 =	simm.s32 $0x1BF5;
	[smem:$0x3FB7] =	sst s0  }
0x18: {  	s0 =	sld [smem:$0x3F9A];
	_ =	swait.ge [sflag:s4], $0x0  }
0x19: {  	s7 =	sld [smem:$0x3F9B]  }
0x1a: {  	s8 =	sadd.s32 $0xFFFFE003, lr  }
0x1b: {  	s9 =	sadd.s32 $0xFFFFFEF7, lr;
	s5 =	simm.s32 $0xFFFFFFFF;
	p2 =	slt.u32 s8, $0xFFFFF086  }
0x1c: {  	p1 =	slt.u32 s9, $0xF7A;
	s5 =	simm.s32 @!p2 $0x0  }
0x1d: {  	s5 =	simm.s32 @p1 $0x1;
	p0 =	seq.s32 s7, s2  }
0x1e: {  	s7 =	smul.u32 @!p0 $0xF7A, s2;
	p2 =	seq.s32 @!p0 s5, $0x0  }
0x1f: {  	s9 =	smul.u32 $0xF7A, s1;
	s8 =	simm.s32 @!p0 $0x1BF5;
	p2 =	por !p2, p0  }
0x20: {  	[sflag:s8] =	ssyncset.s32 @!p0 $0xFFFFF086;
	s6 =	sadd.s32 @!p0 s3, s7;
	s7 =	simm.s32 @!p0 $0x108  }
0x21: {  	s3 =	sadd.s32 s3, s9;
	s6 =	sadd.s32 @!p0 $0x88, s6;
	s7 =	simm.s32 @p2 $0x1082  }
0x22: {  	[simem:s7], [sflag:s8] =	dma.local @!p0 [hbm:s6], $0xF7A  }
0x23: {  	s9 =	sor.u32 $0xD0000000, s2;
	s6 =	simm.s32 $0x108;
	_ =	swait.ge @!p0 [sflag:s8], $0x0  }
0x24: {  	s3 =	sadd.s32 $0x88, s3;
	s6 =	simm.s32 @!p1 $0x1082;
	[sflag:s4] =	ssyncset.s32 $0xFFFFF086  }
0x25: {  	[simem:s6], [sflag:s4] =	dma.local [hbm:s3], $0xF7A  }
0x26: {  	[smem:$0x3F9B] =	sst s1;
	(tag) =	ssettag s2;
	_ =	strace s9  }
0x27: {  	s1 =	sld [smem:$0x3FAB]  }
0x28: {  	s2 =	sld [smem:$0x3FAC]  }
0x29: {  	s4 =	sld [smem:$0x3FAE]  }
0x2a: {  	p0 =	seq.s32 s5, $0x0;
	s5 =	sld [smem:$0x3FAF]  }
0x2b: {  	s6 =	sld [smem:$0x3FB0]  }
0x2c: {  	s7 =	sld [smem:$0x3FB1]  }
0x2d: {  	s3 =	simm.s32 $0x108;
	s8 =	sld [smem:$0x3FB2]  }
0x2e: {  	s3 =	simm.s32 @!p0 $0x1082;
	s9 =	sld [smem:$0x3FB3]  }
0x2f: {  	lr =	sadd.s32 s0, s3;
	s0 =	sld [smem:$0x3FAA]  }
0x30: {  	s3 =	sld [smem:$0x3FAD]  }
0x31: {  	[smem:$0x3FB6] =	sst s10  }
0x32: {  	s10 =	sld [smem:$0x3FB4];
	_ =	sdelay $0x3  }
0x33: {  	p0 =	seq.s32 s10, $0x1;
	s10 =	sld [smem:$0x3FB6];
	_ =	sdelay $0x3  }
0x34: {  	[smem:$0x3FB6] =	sst s10  }
0x35: {  	s10 =	sld [smem:$0x3FB5];
	_ =	sdelay $0x3  }
0x36: {  	p1 =	seq.s32 s10, $0x1;
	s10 =	sld [smem:$0x3FB6];
	_ =	sdelay $0x3  }
0x37: {  	[smem:$0x3FB6] =	sst s10  }
0x38: {  	s10 =	sld [smem:$0x3FB7]  }
0x39: {  	_ = 	snop;
	(pc) =	sbr.ind lr, $3  }
0x3a: {  	_ = 	snop  }
0x3b: {  	_ = 	snop  }
0x3c: {  	p2 =	seq.s32 s10, $0x1;
	s10 =	sld [smem:$0x3FB6]  }
0x3d: {  	_ =	shalt  }
0x3e: {  	_ =	shalt  }
0x3f: {  	_ =	shalt  }
0x40: {  	_ =	shalt  }
0x41: {  	_ =	shalt  }
0x42: {  	_ =	shalt  }
0x43: {  	_ =	shalt  }
0x44: {  	_ =	shalt  }
0x45: {  	_ =	shalt  }
0x46: {  	_ =	shalt  }
0x47: {  	_ =	shalt  }
0x48: {  	_ =	shalt  }
0x49: {  	_ =	shalt  }
0x4a: {  	_ =	shalt  }
0x4b: {  	_ =	shalt  }
0x4c: {  	_ =	shalt  }
0x4d: {  	_ =	shalt  }
0x4e: {  	_ =	shalt  }
0x4f: {  	_ =	shalt  }
0x50: {  	_ =	shalt  }
0x51: {  	_ =	shalt  }
0x52: {  	_ =	shalt  }
0x53: {  	_ =	shalt  }
0x54: {  	_ =	shalt  }
0x55: {  	_ =	shalt  }
0x56: {  	_ =	shalt  }
0x57: {  	_ =	shalt  }
0x58: {  	_ =	shalt  }
0x59: {  	_ =	shalt  }
0x5a: {  	_ =	shalt  }
0x5b: {  	_ =	shalt  }
0x5c: {  	_ =	shalt  }
0x5d: {  	_ =	shalt  }
0x5e: {  	_ =	shalt  }
0x5f: {  	_ =	shalt  }
0x60: {  	_ =	shalt  }
0x61: {  	_ =	shalt  }
0x62: {  	_ =	shalt  }
0x63: {  	_ =	shalt  }
0x64: {  	_ =	shalt  }
0x65: {  	_ =	shalt  }
0x66: {  	_ =	shalt  }
0x67: {  	_ =	shalt  }
0x68: {  	_ =	shalt  }
0x69: {  	_ =	shalt  }
0x6a: {  	_ =	shalt  }
0x6b: {  	_ =	shalt  }
0x6c: {  	_ =	shalt  }
0x6d: {  	_ =	shalt  }
0x6e: {  	_ =	shalt  }
0x6f: {  	_ =	shalt  }
0x70: {  	_ =	shalt  }
0x71: {  	_ =	shalt  }
0x72: {  	_ =	shalt  }
0x73: {  	_ =	shalt  }
0x74: {  	_ =	shalt  }
0x75: {  	_ =	shalt  }
0x76: {  	_ =	shalt  }
0x77: {  	_ =	shalt  }
0x78: {  	_ =	shalt  }
0x79: {  	_ =	shalt  }
0x7a: {  	_ =	shalt  }
0x7b: {  	_ =	shalt  }
0x7c: {  	_ =	shalt  }
0x7d: {  	_ =	shalt  }
0x7e: {  	_ =	shalt  }
0x7f: {  	_ =	shalt  }
0x80: {  	_ =	shalt  }
0x81: {  	_ =	shalt  }
0x82: {  	_ =	shalt  }
0x83: {  	_ =	shalt  }
0x84: {  	_ =	shalt  }
0x85: {  	_ =	shalt  }
0x86: {  	_ =	shalt  }
0x87: {  	_ =	shalt  }
.Lfunc_end0:
.L_simem_size_0:
called_computation_lowered:
.L_overlay_start_0:
0x88: {  	s2 =	sld [smem:$0x3FD9]  }
0x89: {  	s3 =	sld [smem:$0x3FFE];
	_ =	sdelay $0x1  }
0x8a: {  	s1 =	srdreg.scid  }
0x8b: {  	s0 =	sand.u32 $0x1, s1  }
0x8c: {  	s17 =	sshll.u32 s0, $0xA;
	s2 =	sadd.s32 s3, s2  }
0x8d: {  	s2 =	sadd.s32 s2, s17  }
0x8e: {  	[smem:$0x3FC2] =	sst s2  }
0x8f: {  	_ = 	snop  }
0x90: {  	s2 =	sld [smem:$0x3FD0];
	(tm) =	ssettm $0x1  }
0x91: {  	s18 =	sld [smem:$0x3FFB];
	_ =	sdelay $0x3  }
0x92: {  	_ =	strace s18  }
0x93: {  	s3 =	sld [smem:$0x3FFC];
	_ =	sdelay $0x3  }
0x94: {  	_ =	strace s3  }
0x95: {  	s3 =	sld [smem:$0x3FFD];
	_ =	sdelay $0x3  }
0x96: {  	_ =	strace s3  }
0x97: {  	_ =	strace $0x8FFFFFFF  }
0x98: {  	s19 =	sld [smem:$0x3FDB];
	_ =	sdelay $0x1  }
0x99: {  	s4 =	simm.s32 $_scs_section_size  }
0x9a: {  	s5 =	simm.s32 $_size__tile_overlayer_lowered;
	s6 =	simm.s32 $_tile_overlayer_lowered  }
0x9b: {  	s22 =	simm.s32 $0x1BFF;
	s21 =	sshll.u32 s6, $0x1;
	s3 =	sadd.s32 s4, s19  }
0x9c: {  	s7 =	simm.s32 $0x0;
	s20 =	sshll.u32 s5, $0x1;
	s5 =	sadd.s32 s21, s3  }
0x9d: {  	[timem:s7], [sflag:s22] =	dma.local [hbm:s5], s20  }
0x9e: {  	_ =	swait.ge [sflag:s22], s20  }
0x9f: {  	s4 =	ssub.s32 $0x0, s20;
	[sflag:s22] =	ssyncset.done $0x0  }
0xa0: {  	[sflag:s22] =	ssyncadd.s32 s4;
	_ =	sdelay $0x1  }
0xa1: {  	s23 =	simm.s32 $0x1B8B  }
0xa2: {  	_ =	swait.ge [sflag:s23], $0x1  }
0xa3: {  	[sflag:s23] =	ssyncset.done $0x0  }
0xa4: {  	s25 =	simm.s32 $0x1B8E;
	s24 =	sld [smem:$0x3FFE];
	[sflag:s23] =	ssyncadd.s32 $0xFFFFFFFF  }
0xa5: {  	s26 =	simm.s32 $execute0_lowered;
	[smem:$0x3FD2] =	sst s25  }
0xa6: {  	s5 =	sshll.u32 s26, $0x1;
	_ =	strace $0x80000046;
	[dreg:$0x1] =	wrdreg $0xFFFFFFFF  }
0xa7: {  	s28 =	simm.s32 $_size_execute0_lowered;
	s3 =	sadd.s32 s3, s5;
	[dreg:$0x0] =	wrdreg $0x0  }
0xa8: {  	s5 =	sshll.u32 s28, $0x1;
	[dreg:$0x2] =	wrdreg s3  }
0xa9: {  	[dreg:$0x3] =	wrdreg s5  }
0xaa: {  	[dreg:$0x4] =	wrdreg $0xC0  }
0xab: {  	_ =	task [dreg:s7], $0x5FFFF  }
0xac: {  	[dreg:$0x1] =	wrdreg $0xFFFFFFFF  }
0xad: {  	[dreg:$0x0] =	wrdreg $0x60  }
0xae: {  	[dreg:$0x2] =	wrdreg s24  }
0xaf: {  	[dreg:$0x3] =	wrdreg s2  }
0xb0: {  	[dreg:$0x4] =	wrdreg $0x3000  }
0xb1: {  	[dreg:$0x5] =	wrdreg $0x9  }
0xb2: {  	_ =	task.clear_ibuf [dreg:s7], $0x6FFFF;
	_ =	strace $0x90000046  }
0xb3: {  	s29 =	simm.s32 $0x9;
	_ =	strace $0x80000048  }
0xb4: {  	_ =	swait.ge [sflag:s29], $0x1  }
0xb5: {  	[sflag:s29] =	ssyncadd.s32 $0xFFFFFFFF  }
0xb6: {  	_ =	strace $0x90000048  }
0xb7: {  	_ =	sfence  }
0xb8: {  	s30 =	sld [smem:$0x0];
	_ =	sdelay $0x2  }
0xb9: {  	s31 =	sshll.u32 s1, $0xD;
	s1 =	sshrl.u32 s1, $0x2  }
0xba: {  	s3 =	sand.u32 $0x4000, s31;
	s1 =	sadd.s32 s1, s30  }
0xbb: {  	s0 =	sor.u32 s3, s0;
	s1 =	sshll.u32 s1, $0x11  }
0xbc: {  	s0 =	sor.u32 s1, s0  }
0xbd: {  	s0 =	sadd.s32 $0x8F2B, s0  }
0xbe: {  	[sflag:s0] =	ssyncadd.remote.s32 $0x1  }
0xbf: {  	_ =	sfence.sel $0xFFFF  }
0xc0: {  	[dreg:$0x0] =	wrdreg $0xFFFFFFFF;
	(pc) =	sbr.abs _section_cstart, $3  }
0xc1: {  	[dreg:$0x1] =	wrdreg $0xFFFFFFFF  }
0xc2: {  	_ =	task.clear_ibuf [dreg:s7], $0x2FFFF;
	_ =	strace $0x9FFFFFFF  }
0xc3: {  	(tm) =	ssettm $0x7FFFFFFF  }
tec
execute0_lowered:
.L_overlay_start_1:
0x0: {  	(tag) =	ssettag $0x1  }
0x1: {  	s0 =	rddreg [dreg:$0x0]  }
0x2: {  	s2 =	rddreg [dreg:$0x1]  }
0x3: {  	s1 =	rddreg [dreg:$0x2]  }
0x4: {  	s3 =	simm.s32 $0x0;
	s4 =	srdreg.scid;
	s11 =	stileid.u32  }
0x5: {  	s28 =	simm.s32 $0x50;
	s29 =	simm.s32 $0x6;
	s30 =	simm.s32 $0x2  }
0x6: {  	s31 =	simm.s32 $0x7;
	[smem:$0x7FF] =	sst s3;
	s4 =	sand.u32 $0x1, s4  }
0x7: {  	s5 =	sadd.s32 $0x2000, s0;
	s7 =	smul.u32 $0xA00, s11;
	s8 =	sadd.s32 $0x15C00, s0  }
0x8: {  	s0 =	sadd.s32 $0x15A00, s0;
	s13 =	sshll.u32 s11, $0x6;
	s10 =	smul.u32 $0x500, s11  }
0x9: {  	_ =	strace $0x80000047;
	s6 =	sshll.u32 s4, $0x4;
	[dreg:$0x4] =	wrdreg s8  }
0xa: {  	s25 =	ssub.s32 $0x2, s4;
	[dreg:$0x5] =	wrdreg s0;
	s16 =	smul.u32 $0x27100, s4  }
0xb: {  	s4 =	sshll.u32 s4, $0x7;
	s6 =	sor.u32 s11, s6;
	s9 =	sshrl.u32 s25, $0x1  }
0xc: {  	s7 =	sshrl.u32 s7, $0x2;
	s11 =	smul.u32 $0x2710, s11;
	s4 =	sor.u32 s4, s10  }
0xd: {  	s6 =	smul.u32 $0x2710, s6;
	s26 =	ssub.s32 s25, s9;
	s4 =	sshrl.u32 s4, $0x3  }
0xe: {  	s7 =	sadd.s32 s7, s1;
	s20 =	sadd.s32 s11, s16;
	s2 =	sadd.s32 s2, s4  }
0xf: {  	s14 =	sshrl.u32 s6, $0x3;
	s6 =	sor.u32 $0x1C0B, s13;
	s9 =	sadd.s32 $0x4E4D0, s20  }
0x10: {  	s21 =	sadd.s32 $0x4E480, s20;
	[dreg:$0xb] =	wrdreg s2;
	s13 =	smax.u32 s26, $0x1  }
0x11: {  	s24 =	sadd.s32 $0x4E430, s20;
	s25 =	sadd.s32 $0x4E3E0, s20;
	s26 =	sadd.s32 $0x4E390, s20  }
0x12: {  	s20 =	simm.s32 $0xB;
	s15 =	sadd.s32 s5, s14;
	s22 =	sshrl.u32 s9, $0x3  }
0x13: {  	s23 =	sshrl.u32 s21, $0x3;
	s0 =	sshrl.u32 s24, $0x3;
	s2 =	sshrl.u32 s25, $0x3  }
0x14: {  	s4 =	sshrl.u32 s26, $0x3;
	s21 =	simm.s32 $0x280;
	s24 =	simm.s32 $0x180  }
0x15: {  	s25 =	simm.s32 $0x200;
	s26 =	simm.s32 $0x1;
	s9 =	simm.s32 $0x0  }
0x16: {  	s12 =	sadd.s32 $0x9C40, s15;
	s17 =	sadd.s32 $0x9C4A, s15;
	s18 =	sadd.s32 $0x9C54, s15  }
0x17: {  	s19 =	sadd.s32 $0x9C5E, s15;
	s8 =	sadd.s32 $0x9C68, s15;
	[dreg:$0x6] =	wrdreg s12  }
0x18: {  	s14 =	sadd.s32 s22, s5;
	s15 =	sadd.s32 s23, s5;
	[dreg:$0x7] =	wrdreg s17  }
0x19: {  	s16 =	sadd.s32 s0, s5;
	s22 =	simm.s32 $0x80;
	[dreg:$0x8] =	wrdreg s18  }
0x1a: {  	s23 =	simm.s32 $0x100;
	s0 =	simm.s32 $0x3;
	[dreg:$0x9] =	wrdreg s19  }
0x1b: {  	[dreg:$0xa] =	wrdreg s8;
	s17 =	sadd.s32 s2, s5;
	s18 =	sadd.s32 s4, s5  }
0x1c: {  	s19 =	sshrl.u32 s7, $0x3;
	s2 =	simm.s32 $0x8;
	s4 =	simm.s32 $0x4  }
0x1d: {  	s5 =	simm.s32 $0x9;
	s7 =	simm.s32 $0x5;
	s8 =	simm.s32 $0xA  }
.LBB2_1:
0x1e: {  	s10 =	rddreg [dreg:$0x4]  }
0x1f: {  	[spmem:s19], [sflag:s6] =	dma.local [hbm:s10], $0x50  }
0x20: {  	_ =	swait.ge [sflag:s20], $0x50  }
0x21: {  	[sflag:s20] =	ssyncset.done $0x0  }
0x22: {  	s11 =	rddreg [dreg:$0x5];
	[sflag:s20] =	ssyncadd.s32 $0xFFFFFFB0  }
0x23: {  	[tilespmem:s21], [sflag:$0xB] =	stream.linear.gather [hbm4b:s11+s3], $0x80, $0x38;
	[tilespmem:$0x580] =	vst v63  }
0x24: {  	_ =	swait.ge [sflag:s20], $0x80  }
0x25: {  	[sflag:s20] =	ssyncset.done $0x0  }
0x26: {  	[sflag:s20] =	ssyncadd.s32 $0xFFFFFF80  }
0x27: {  	[bflag:$0x0] =	sbarrier.arrive $0xFFFF  }
0x28: {  	s12 =	rddreg [dreg:$0x6]  }
0x29: {  	[tilespmem:s3], [sflag:$0x1] =	stream.linear.gather [hbm4b:s12+s3], $0x50, $0x38;
	[tilespmem:$0x580] =	vst v63  }
0x2a: {  	s11 =	rddreg [dreg:$0x7]  }
0x2b: {  	[tilespmem:s22], [sflag:$0x2] =	stream.linear.gather [hbm4b:s11+s3], $0x50, $0x38;
	[tilespmem:$0x580] =	vst v63  }
0x2c: {  	s12 =	rddreg [dreg:$0x8]  }
0x2d: {  	[tilespmem:s23], [sflag:$0x3] =	stream.linear.gather [hbm4b:s12+s3], $0x50, $0x38;
	[tilespmem:$0x580] =	vst v63  }
0x2e: {  	s11 =	rddreg [dreg:$0x9]  }
0x2f: {  	[tilespmem:s24], [sflag:$0x4] =	stream.linear.gather [hbm4b:s11+s3], $0x50, $0x38;
	[tilespmem:$0x580] =	vst v63  }
0x30: {  	s12 =	rddreg [dreg:$0xa]  }
0x31: {  	[tilespmem:s25], [sflag:$0x5] =	stream.linear.gather [hbm4b:s12+s3], $0x50, $0x38;
	[tilespmem:$0x580] =	vst v63  }
0x32: {  	_ =	swait.ge [sflag:s26], $0x50  }
0x33: {  	[sflag:s26] =	ssyncset.done $0x0  }
0x34: {  	[sflag:s26] =	ssyncadd.s32 $0xFFFFFFB0  }
0x35: {  	[spmem:s1] =	stream.indirect.scatter.add.f32 [tilespmem:s21], [sflag:$0x6], $0x1, s3, s28, $0xb8;
	[tilespmem:$0x580] =	vst v63  }
0x36: {  	_ =	swait.ge [sflag:s29], $0x50  }
0x37: {  	[sflag:s29] =	ssyncset.done $0x0  }
0x38: {  	s11 =	sadd.s32 $0x0, s18;
	[sflag:s29] =	ssyncadd.s32 $0xFFFFFFB0  }
0x39: {  	[tilespmem:s3], [sflag:$0x1] =	stream.linear.gather [hbm4b:s11+s3], $0x50, $0x38;
	[tilespmem:$0x580] =	vst v63  }
0x3a: {  	_ =	swait.ge [sflag:s30], $0x50  }
0x3b: {  	[sflag:s30] =	ssyncset.done $0x0  }
0x3c: {  	[sflag:s30] =	ssyncadd.s32 $0xFFFFFFB0  }
0x3d: {  	[spmem:s1] =	stream.indirect.scatter.add.f32 [tilespmem:s21], [sflag:$0x7], $0x1, s22, s28, $0xb8;
	[tilespmem:$0x580] =	vst v63  }
0x3e: {  	_ =	swait.ge [sflag:s31], $0x50  }
0x3f: {  	[sflag:s31] =	ssyncset.done $0x0  }
0x40: {  	s12 =	sadd.s32 $0x0, s17;
	[sflag:s31] =	ssyncadd.s32 $0xFFFFFFB0  }
0x41: {  	[tilespmem:s22], [sflag:$0x2] =	stream.linear.gather [hbm4b:s12+s3], $0x50, $0x38;
	[tilespmem:$0x580] =	vst v63  }
0x42: {  	_ =	swait.ge [sflag:s0], $0x50  }
0x43: {  	[sflag:s0] =	ssyncset.done $0x0  }
0x44: {  	[sflag:s0] =	ssyncadd.s32 $0xFFFFFFB0  }
0x45: {  	[spmem:s1] =	stream.indirect.scatter.add.f32 [tilespmem:s21], [sflag:$0x8], $0x1, s23, s28, $0xb8;
	[tilespmem:$0x580] =	vst v63  }
0x46: {  	_ =	swait.ge [sflag:s2], $0x50  }
0x47: {  	[sflag:s2] =	ssyncset.done $0x0  }
0x48: {  	s11 =	sadd.s32 $0x0, s16;
	[sflag:s2] =	ssyncadd.s32 $0xFFFFFFB0  }
0x49: {  	[tilespmem:s23], [sflag:$0x3] =	stream.linear.gather [hbm4b:s11+s3], $0x50, $0x38;
	[tilespmem:$0x580] =	vst v63  }
0x4a: {  	_ =	swait.ge [sflag:s4], $0x50  }
0x4b: {  	[sflag:s4] =	ssyncset.done $0x0  }
0x4c: {  	[sflag:s4] =	ssyncadd.s32 $0xFFFFFFB0  }
0x4d: {  	[spmem:s1] =	stream.indirect.scatter.add.f32 [tilespmem:s21], [sflag:$0x9], $0x1, s24, s28, $0xb8;
	[tilespmem:$0x580] =	vst v63  }
0x4e: {  	_ =	swait.ge [sflag:s5], $0x50  }
0x4f: {  	[sflag:s5] =	ssyncset.done $0x0  }
0x50: {  	s12 =	sadd.s32 $0x0, s15;
	[sflag:s5] =	ssyncadd.s32 $0xFFFFFFB0  }
0x51: {  	[tilespmem:s24], [sflag:$0x4] =	stream.linear.gather [hbm4b:s12+s3], $0x50, $0x38;
	[tilespmem:$0x580] =	vst v63  }
0x52: {  	_ =	swait.ge [sflag:s7], $0x50  }
0x53: {  	[sflag:s7] =	ssyncset.done $0x0  }
0x54: {  	[sflag:s7] =	ssyncadd.s32 $0xFFFFFFB0  }
0x55: {  	[spmem:s1] =	stream.indirect.scatter.add.f32 [tilespmem:s21], [sflag:$0xA], $0x1, s25, s28, $0xb8;
	[tilespmem:$0x580] =	vst v63  }
0x56: {  	_ =	swait.ge [sflag:s8], $0x50  }
0x57: {  	[sflag:s8] =	ssyncset.done $0x0  }
0x58: {  	s10 =	simm.s32 $0x32;
	s11 =	sadd.s32 $0x0, s14;
	[sflag:s8] =	ssyncadd.s32 $0xFFFFFFB0  }
.LBB2_2:
0x59: {  	[tilespmem:s25], [sflag:$0x5] =	stream.linear.gather [hbm4b:s11+s3], $0x50, $0x38;
	[tilespmem:$0x580] =	vst v63  }
0x5a: {  	s11 =	smov.u32 s10  }
0x5b: {  	p0 =	sne.s32 s10, $0x47E;
	s10 =	sadd.s32 $0x32, s10;
	_ =	swait.ge [sflag:s26], $0x50  }
0x5c: {  	[sflag:s26] =	ssyncset.done $0x0  }
0x5d: {  	[sflag:s26] =	ssyncadd.s32 $0xFFFFFFB0  }
0x5e: {  	[spmem:s1] =	stream.indirect.scatter.add.f32 [tilespmem:s21], [sflag:$0x6], $0x1, s3, s28, $0xb8;
	[tilespmem:$0x580] =	vst v63  }
0x5f: {  	_ =	swait.ge [sflag:s29], $0x50  }
0x60: {  	[sflag:s29] =	ssyncset.done $0x0  }
0x61: {  	s12 =	sadd.s32 s11, s18;
	[sflag:s29] =	ssyncadd.s32 $0xFFFFFFB0  }
0x62: {  	[tilespmem:s3], [sflag:$0x1] =	stream.linear.gather [hbm4b:s12+s3], $0x50, $0x38;
	[tilespmem:$0x580] =	vst v63  }
0x63: {  	_ =	swait.ge [sflag:s30], $0x50  }
0x64: {  	[sflag:s30] =	ssyncset.done $0x0  }
0x65: {  	[sflag:s30] =	ssyncadd.s32 $0xFFFFFFB0  }
0x66: {  	[spmem:s1] =	stream.indirect.scatter.add.f32 [tilespmem:s21], [sflag:$0x7], $0x1, s22, s28, $0xb8;
	[tilespmem:$0x580] =	vst v63  }
0x67: {  	_ =	swait.ge [sflag:s31], $0x50  }
0x68: {  	[sflag:s31] =	ssyncset.done $0x0  }
0x69: {  	s12 =	sadd.s32 s11, s17;
	[sflag:s31] =	ssyncadd.s32 $0xFFFFFFB0  }
0x6a: {  	[tilespmem:s22], [sflag:$0x2] =	stream.linear.gather [hbm4b:s12+s3], $0x50, $0x38;
	[tilespmem:$0x580] =	vst v63  }
0x6b: {  	_ =	swait.ge [sflag:s0], $0x50  }
0x6c: {  	[sflag:s0] =	ssyncset.done $0x0  }
0x6d: {  	[sflag:s0] =	ssyncadd.s32 $0xFFFFFFB0  }
0x6e: {  	[spmem:s1] =	stream.indirect.scatter.add.f32 [tilespmem:s21], [sflag:$0x8], $0x1, s23, s28, $0xb8;
	[tilespmem:$0x580] =	vst v63  }
0x6f: {  	_ =	swait.ge [sflag:s2], $0x50  }
0x70: {  	[sflag:s2] =	ssyncset.done $0x0  }
0x71: {  	s12 =	sadd.s32 s11, s16;
	[sflag:s2] =	ssyncadd.s32 $0xFFFFFFB0  }
0x72: {  	[tilespmem:s23], [sflag:$0x3] =	stream.linear.gather [hbm4b:s12+s3], $0x50, $0x38;
	[tilespmem:$0x580] =	vst v63  }
0x73: {  	_ =	swait.ge [sflag:s4], $0x50  }
0x74: {  	[sflag:s4] =	ssyncset.done $0x0  }
0x75: {  	[sflag:s4] =	ssyncadd.s32 $0xFFFFFFB0  }
0x76: {  	[spmem:s1] =	stream.indirect.scatter.add.f32 [tilespmem:s21], [sflag:$0x9], $0x1, s24, s28, $0xb8;
	[tilespmem:$0x580] =	vst v63  }
0x77: {  	_ =	swait.ge [sflag:s5], $0x50  }
0x78: {  	[sflag:s5] =	ssyncset.done $0x0  }
0x79: {  	s12 =	sadd.s32 s11, s15;
	[sflag:s5] =	ssyncadd.s32 $0xFFFFFFB0  }
0x7a: {  	[tilespmem:s24], [sflag:$0x4] =	stream.linear.gather [hbm4b:s12+s3], $0x50, $0x38;
	[tilespmem:$0x580] =	vst v63  }
0x7b: {  	_ =	swait.ge [sflag:s7], $0x50  }
0x7c: {  	[sflag:s7] =	ssyncset.done $0x0  }
.Ltmp0:
0x7d: {  	[sflag:s7] =	ssyncadd.s32 $0xFFFFFFB0;
	(pc) =	sbr.rel @p0 .LBB2_2-.Ltmp0, $4  }
0x7e: {  	[spmem:s1] =	stream.indirect.scatter.add.f32 [tilespmem:s21], [sflag:$0xA], $0x1, s25, s28, $0xb8;
	[tilespmem:$0x580] =	vst v63  }
0x7f: {  	_ =	swait.ge [sflag:s8], $0x50  }
0x80: {  	[sflag:s8] =	ssyncset.done $0x0  }
0x81: {  	s11 =	sadd.s32 s11, s14;
	[sflag:s8] =	ssyncadd.s32 $0xFFFFFFB0  }
0x82: {  	[tilespmem:s25], [sflag:$0x5] =	stream.linear.gather [hbm4b:s11+s3], $0x50, $0x38;
	[tilespmem:$0x580] =	vst v63  }
0x83: {  	_ =	swait.ge [sflag:s26], $0x50  }
0x84: {  	[sflag:s26] =	ssyncset.done $0x0  }
0x85: {  	[sflag:s26] =	ssyncadd.s32 $0xFFFFFFB0  }
0x86: {  	[spmem:s1] =	stream.indirect.scatter.add.f32 [tilespmem:s21], [sflag:$0x6], $0x1, s3, s28, $0xb8;
	[tilespmem:$0x580] =	vst v63  }
0x87: {  	_ =	swait.ge [sflag:s30], $0x50  }
0x88: {  	[sflag:s30] =	ssyncset.done $0x0  }
0x89: {  	[sflag:s30] =	ssyncadd.s32 $0xFFFFFFB0  }
0x8a: {  	[spmem:s1] =	stream.indirect.scatter.add.f32 [tilespmem:s21], [sflag:$0x7], $0x1, s22, s28, $0xb8;
	[tilespmem:$0x580] =	vst v63  }
0x8b: {  	_ =	swait.ge [sflag:s0], $0x50  }
0x8c: {  	[sflag:s0] =	ssyncset.done $0x0  }
0x8d: {  	[sflag:s0] =	ssyncadd.s32 $0xFFFFFFB0  }
0x8e: {  	[spmem:s1] =	stream.indirect.scatter.add.f32 [tilespmem:s21], [sflag:$0x8], $0x1, s23, s28, $0xb8;
	[tilespmem:$0x580] =	vst v63  }
0x8f: {  	_ =	swait.ge [sflag:s4], $0x50  }
0x90: {  	[sflag:s4] =	ssyncset.done $0x0  }
0x91: {  	[sflag:s4] =	ssyncadd.s32 $0xFFFFFFB0  }
0x92: {  	[spmem:s1] =	stream.indirect.scatter.add.f32 [tilespmem:s21], [sflag:$0x9], $0x1, s24, s28, $0xb8;
	[tilespmem:$0x580] =	vst v63  }
0x93: {  	_ =	swait.ge [sflag:s7], $0x50  }
0x94: {  	[sflag:s7] =	ssyncset.done $0x0  }
0x95: {  	[sflag:s7] =	ssyncadd.s32 $0xFFFFFFB0  }
0x96: {  	[spmem:s1] =	stream.indirect.scatter.add.f32 [tilespmem:s21], [sflag:$0xA], $0x1, s25, s28, $0xb8;
	[tilespmem:$0x580] =	vst v63  }
0x97: {  	_ =	swait.ge [sflag:s29], $0x50  }
0x98: {  	[sflag:s29] =	ssyncset.done $0x0  }
0x99: {  	[sflag:s29] =	ssyncadd.s32 $0xFFFFFFB0  }
0x9a: {  	_ =	swait.ge [sflag:s31], $0x50  }
0x9b: {  	[sflag:s31] =	ssyncset.done $0x0  }
0x9c: {  	[sflag:s31] =	ssyncadd.s32 $0xFFFFFFB0  }
0x9d: {  	_ =	swait.ge [sflag:s2], $0x50  }
0x9e: {  	[sflag:s2] =	ssyncset.done $0x0  }
0x9f: {  	[sflag:s2] =	ssyncadd.s32 $0xFFFFFFB0  }
0xa0: {  	_ =	swait.ge [sflag:s5], $0x50  }
0xa1: {  	[sflag:s5] =	ssyncset.done $0x0  }
0xa2: {  	[sflag:s5] =	ssyncadd.s32 $0xFFFFFFB0  }
0xa3: {  	_ =	swait.ge [sflag:s8], $0x50  }
0xa4: {  	[sflag:s8] =	ssyncset.done $0x0  }
0xa5: {  	s9 =	sadd.s32 $0x1, s9;
	[sflag:s8] =	ssyncadd.s32 $0xFFFFFFB0  }
0xa6: {  	s11 =	simm.s32 $0x20;
	p0 =	sne.s32 s9, s13;
	[bflag:$0x0] =	sbarrier.arrive $0xFFFF  }
.Ltmp1:
0xa7: {  	s12 =	simm.s32 $0x10;
	s10 =	rddreg [dreg:$0xb];
	(pc) =	sbr.rel @p0 .LBB2_1-.Ltmp1, $4  }
0xa8: {  	[hbm:s10@s11], [sflag:s6] =	dma.strided [spmem:s19@s12], $0x50, s26, $0x10   }
0xa9: {  	_ =	swait.ge [sflag:s20], $0x50  }
0xaa: {  	[sflag:s20] =	ssyncset.done $0x0  }
0xab: {  	[sflag:s20] =	ssyncadd.s32 $0xFFFFFFB0  }
0xac: {  	_ =	sfence.sel $0x180000  }
0xad: {  	[bflag:$0x0] =	sbarrier.arrive $0xFFFF  }
0xae: {  	_ =	strace $0x90000047  }
0xaf: {  	s0 =	stileid.u32;
	[bflag:$0x2] =	sbarrier.arrive $0xFFFF  }
0xb0: {  	p0 =	sne.s32 s0, $0x0;
	s0 =	rddreg [dreg:$0x3]  }
0xb1: {  	s0 =	sadd.s32 @!p0 $0x100000, s0  }
0xb2: {  	[sflag:s0] =	ssyncadd.tile.s32 @!p0 $0x1;
	_ =	shalt  }
.Lfunc_end2:
_tile_overlayer_lowered:
.L_overlay_start_2:
0xb3: {  	(tag) =	ssettag $0x2  }
0xb4: {  	s0 =	rddreg [dreg:$0x0];
	s2 =	stileid.u32  }
0xb5: {  	s1 =	rddreg [dreg:$0x1];
	p0 =	sne.s32 s2, $0x0  }
0xb6: {  	s3 =	rddreg [dreg:$0x2];
	[bflag:$0x3] =	sbarrier.arrive $0xFFFF;
	s2 =	simm.s32 @!p0 $0x1C0B  }
0xb7: {  	[timem:s3], [sflag:s2] =	dma.local @!p0 [hbm:s0], s1  }
0xb8: {  	s0 =	simm.s32 @!p0 $0xB  }
0xb9: {  	_ =	swait.ge @!p0 [sflag:s0], s1  }
0xba: {  	s1 =	ssub.s32 @!p0 $0x0, s1;
	[sflag:s0] =	ssyncset.done @!p0 $0x0  }
0xbb: {  	[sflag:s0] =	ssyncadd.s32 @!p0 s1  }
0xbc: {  	[bflag:$0x3] =	sbarrier.arrive $0xFFFF  }
0xbd: {  	_ =	shalt  }

// kernel: kernel.9.cloned.1.call-start
scs
__scs_entry_jumppad:
0x0: {  	(pc) =	sbr.rel $0x88, $3  }
0x1: {  	(tag) =	ssettag $0x0;
	lr =	simm.s32 $0x1  }
0x2: {  	[smem:$0x3F9B] =	sst lr;
	_ =	strace $0xD0000000  }
0x3: {  	_ = 	snop  }
0x4: {  	_ = 	snop  }
0x5: {  	_ = 	snop  }
0x6: {  	_ = 	snop  }
0x7: {  	_ = 	snop  }
__scs_overlays_trampoline_lowered:
0x8: {  	[smem:$0x3FAA] =	sst s0  }
0x9: {  	[smem:$0x3FAB] =	sst s1  }
0xa: {  	[smem:$0x3FAC] =	sst s2  }
0xb: {  	[smem:$0x3FAD] =	sst s3  }
0xc: {  	[smem:$0x3FAE] =	sst s4  }
0xd: {  	[smem:$0x3FAF] =	sst s5  }
0xe: {  	[smem:$0x3FB0] =	sst s6  }
0xf: {  	[smem:$0x3FB1] =	sst s7  }
0x10: {  	[smem:$0x3FB2] =	sst s8  }
0x11: {  	[smem:$0x3FB3] =	sst s9;
	s0 =	simm.s32 @!p0 $0x0  }
0x12: {  	s1 =	sld [smem:$0x3F99];
	s0 =	simm.s32 @p0 $0x1  }
0x13: {  	[smem:$0x3FB4] =	sst s0;
	s0 =	simm.s32 @!p1 $0x0  }
0x14: {  	s2 =	sld [smem:$0x3F98];
	s0 =	simm.s32 @p1 $0x1  }
0x15: {  	[smem:$0x3FB5] =	sst s0;
	s0 =	simm.s32 @!p2 $0x0  }
0x16: {  	s3 =	sld [smem:$0x3FDB];
	s0 =	simm.s32 @p2 $0x1  }
0x17: {  	s4 =	simm.s32 $0x1BF5;
	[smem:$0x3FB7] =	sst s0  }
0x18: {  	s0 =	sld [smem:$0x3F9A];
	_ =	swait.ge [sflag:s4], $0x0  }
0x19: {  	s7 =	sld [smem:$0x3F9B]  }
0x1a: {  	s8 =	sadd.s32 $0xFFFFE003, lr  }
0x1b: {  	s9 =	sadd.s32 $0xFFFFFEF7, lr;
	s5 =	simm.s32 $0xFFFFFFFF;
	p2 =	slt.u32 s8, $0xFFFFF086  }
0x1c: {  	p1 =	slt.u32 s9, $0xF7A;
	s5 =	simm.s32 @!p2 $0x0  }
0x1d: {  	s5 =	simm.s32 @p1 $0x1;
	p0 =	seq.s32 s7, s2  }
0x1e: {  	s7 =	smul.u32 @!p0 $0xF7A, s2;
	p2 =	seq.s32 @!p0 s5, $0x0  }
0x1f: {  	s9 =	smul.u32 $0xF7A, s1;
	s8 =	simm.s32 @!p0 $0x1BF5;
	p2 =	por !p2, p0  }
0x20: {  	[sflag:s8] =	ssyncset.s32 @!p0 $0xFFFFF086;
	s6 =	sadd.s32 @!p0 s3, s7;
	s7 =	simm.s32 @!p0 $0x108  }
0x21: {  	s3 =	sadd.s32 s3, s9;
	s6 =	sadd.s32 @!p0 $0x88, s6;
	s7 =	simm.s32 @p2 $0x1082  }
0x22: {  	[simem:s7], [sflag:s8] =	dma.local @!p0 [hbm:s6], $0xF7A  }
0x23: {  	s9 =	sor.u32 $0xD0000000, s2;
	s6 =	simm.s32 $0x108;
	_ =	swait.ge @!p0 [sflag:s8], $0x0  }
0x24: {  	s3 =	sadd.s32 $0x88, s3;
	s6 =	simm.s32 @!p1 $0x1082;
	[sflag:s4] =	ssyncset.s32 $0xFFFFF086  }
0x25: {  	[simem:s6], [sflag:s4] =	dma.local [hbm:s3], $0xF7A  }
0x26: {  	[smem:$0x3F9B] =	sst s1;
	(tag) =	ssettag s2;
	_ =	strace s9  }
0x27: {  	s1 =	sld [smem:$0x3FAB]  }
0x28: {  	s2 =	sld [smem:$0x3FAC]  }
0x29: {  	s4 =	sld [smem:$0x3FAE]  }
0x2a: {  	p0 =	seq.s32 s5, $0x0;
	s5 =	sld [smem:$0x3FAF]  }
0x2b: {  	s6 =	sld [smem:$0x3FB0]  }
0x2c: {  	s7 =	sld [smem:$0x3FB1]  }
0x2d: {  	s3 =	simm.s32 $0x108;
	s8 =	sld [smem:$0x3FB2]  }
0x2e: {  	s3 =	simm.s32 @!p0 $0x1082;
	s9 =	sld [smem:$0x3FB3]  }
0x2f: {  	lr =	sadd.s32 s0, s3;
	s0 =	sld [smem:$0x3FAA]  }
0x30: {  	s3 =	sld [smem:$0x3FAD]  }
0x31: {  	[smem:$0x3FB6] =	sst s10  }
0x32: {  	s10 =	sld [smem:$0x3FB4];
	_ =	sdelay $0x3  }
0x33: {  	p0 =	seq.s32 s10, $0x1;
	s10 =	sld [smem:$0x3FB6];
	_ =	sdelay $0x3  }
0x34: {  	[smem:$0x3FB6] =	sst s10  }
0x35: {  	s10 =	sld [smem:$0x3FB5];
	_ =	sdelay $0x3  }
0x36: {  	p1 =	seq.s32 s10, $0x1;
	s10 =	sld [smem:$0x3FB6];
	_ =	sdelay $0x3  }
0x37: {  	[smem:$0x3FB6] =	sst s10  }
0x38: {  	s10 =	sld [smem:$0x3FB7]  }
0x39: {  	_ = 	snop;
	(pc) =	sbr.ind lr, $3  }
0x3a: {  	_ = 	snop  }
0x3b: {  	_ = 	snop  }
0x3c: {  	p2 =	seq.s32 s10, $0x1;
	s10 =	sld [smem:$0x3FB6]  }
0x3d: {  	_ =	shalt  }
0x3e: {  	_ =	shalt  }
0x3f: {  	_ =	shalt  }
0x40: {  	_ =	shalt  }
0x41: {  	_ =	shalt  }
0x42: {  	_ =	shalt  }
0x43: {  	_ =	shalt  }
0x44: {  	_ =	shalt  }
0x45: {  	_ =	shalt  }
0x46: {  	_ =	shalt  }
0x47: {  	_ =	shalt  }
0x48: {  	_ =	shalt  }
0x49: {  	_ =	shalt  }
0x4a: {  	_ =	shalt  }
0x4b: {  	_ =	shalt  }
0x4c: {  	_ =	shalt  }
0x4d: {  	_ =	shalt  }
0x4e: {  	_ =	shalt  }
0x4f: {  	_ =	shalt  }
0x50: {  	_ =	shalt  }
0x51: {  	_ =	shalt  }
0x52: {  	_ =	shalt  }
0x53: {  	_ =	shalt  }
0x54: {  	_ =	shalt  }
0x55: {  	_ =	shalt  }
0x56: {  	_ =	shalt  }
0x57: {  	_ =	shalt  }
0x58: {  	_ =	shalt  }
0x59: {  	_ =	shalt  }
0x5a: {  	_ =	shalt  }
0x5b: {  	_ =	shalt  }
0x5c: {  	_ =	shalt  }
0x5d: {  	_ =	shalt  }
0x5e: {  	_ =	shalt  }
0x5f: {  	_ =	shalt  }
0x60: {  	_ =	shalt  }
0x61: {  	_ =	shalt  }
0x62: {  	_ =	shalt  }
0x63: {  	_ =	shalt  }
0x64: {  	_ =	shalt  }
0x65: {  	_ =	shalt  }
0x66: {  	_ =	shalt  }
0x67: {  	_ =	shalt  }
0x68: {  	_ =	shalt  }
0x69: {  	_ =	shalt  }
0x6a: {  	_ =	shalt  }
0x6b: {  	_ =	shalt  }
0x6c: {  	_ =	shalt  }
0x6d: {  	_ =	shalt  }
0x6e: {  	_ =	shalt  }
0x6f: {  	_ =	shalt  }
0x70: {  	_ =	shalt  }
0x71: {  	_ =	shalt  }
0x72: {  	_ =	shalt  }
0x73: {  	_ =	shalt  }
0x74: {  	_ =	shalt  }
0x75: {  	_ =	shalt  }
0x76: {  	_ =	shalt  }
0x77: {  	_ =	shalt  }
0x78: {  	_ =	shalt  }
0x79: {  	_ =	shalt  }
0x7a: {  	_ =	shalt  }
0x7b: {  	_ =	shalt  }
0x7c: {  	_ =	shalt  }
0x7d: {  	_ =	shalt  }
0x7e: {  	_ =	shalt  }
0x7f: {  	_ =	shalt  }
0x80: {  	_ =	shalt  }
0x81: {  	_ =	shalt  }
0x82: {  	_ =	shalt  }
0x83: {  	_ =	shalt  }
0x84: {  	_ =	shalt  }
0x85: {  	_ =	shalt  }
0x86: {  	_ =	shalt  }
0x87: {  	_ =	shalt  }
.Lfunc_end0:
.L_simem_size_0:
called_computation.1_lowered:
.L_overlay_start_0:
0x88: {  	s2 =	sld [smem:$0x3FD9]  }
0x89: {  	s3 =	sld [smem:$0x3FFE];
	_ =	sdelay $0x1  }
0x8a: {  	s1 =	srdreg.scid  }
0x8b: {  	s0 =	sand.u32 $0x1, s1  }
0x8c: {  	s17 =	sshll.u32 s0, $0xA;
	s2 =	sadd.s32 s3, s2  }
0x8d: {  	s2 =	sadd.s32 s2, s17  }
0x8e: {  	[smem:$0x3FC2] =	sst s2  }
0x8f: {  	_ = 	snop  }
0x90: {  	s2 =	sld [smem:$0x3FD0];
	(tm) =	ssettm $0x1  }
0x91: {  	s18 =	sld [smem:$0x3FFB];
	_ =	sdelay $0x3  }
0x92: {  	_ =	strace s18  }
0x93: {  	s3 =	sld [smem:$0x3FFC];
	_ =	sdelay $0x3  }
0x94: {  	_ =	strace s3  }
0x95: {  	s3 =	sld [smem:$0x3FFD];
	_ =	sdelay $0x3  }
0x96: {  	_ =	strace s3  }
0x97: {  	_ =	strace $0x8FFFFFFF  }
0x98: {  	s19 =	sld [smem:$0x3FDB];
	_ =	sdelay $0x1  }
0x99: {  	s4 =	simm.s32 $_scs_section_size  }
0x9a: {  	s5 =	simm.s32 $_size__tile_overlayer_lowered;
	s6 =	simm.s32 $_tile_overlayer_lowered  }
0x9b: {  	s22 =	simm.s32 $0x1BFF;
	s21 =	sshll.u32 s6, $0x1;
	s3 =	sadd.s32 s4, s19  }
0x9c: {  	s7 =	simm.s32 $0x0;
	s20 =	sshll.u32 s5, $0x1;
	s5 =	sadd.s32 s21, s3  }
0x9d: {  	[timem:s7], [sflag:s22] =	dma.local [hbm:s5], s20  }
0x9e: {  	_ =	swait.ge [sflag:s22], s20  }
0x9f: {  	s4 =	ssub.s32 $0x0, s20;
	[sflag:s22] =	ssyncset.done $0x0  }
0xa0: {  	[sflag:s22] =	ssyncadd.s32 s4;
	_ =	sdelay $0x1  }
0xa1: {  	s23 =	simm.s32 $0x1B8B  }
0xa2: {  	_ =	swait.ge [sflag:s23], $0x1  }
0xa3: {  	[sflag:s23] =	ssyncset.done $0x0  }
0xa4: {  	s25 =	simm.s32 $0x1B8E;
	s24 =	sld [smem:$0x3FFE];
	[sflag:s23] =	ssyncadd.s32 $0xFFFFFFFF  }
0xa5: {  	s26 =	simm.s32 $execute0_lowered;
	[smem:$0x3FD2] =	sst s25  }
0xa6: {  	s5 =	sshll.u32 s26, $0x1;
	_ =	strace $0x80000049;
	[dreg:$0x1] =	wrdreg $0xFFFFFFFF  }
0xa7: {  	s28 =	simm.s32 $_size_execute0_lowered;
	s3 =	sadd.s32 s3, s5;
	[dreg:$0x0] =	wrdreg $0x0  }
0xa8: {  	s5 =	sshll.u32 s28, $0x1;
	[dreg:$0x2] =	wrdreg s3  }
0xa9: {  	[dreg:$0x3] =	wrdreg s5  }
0xaa: {  	[dreg:$0x4] =	wrdreg $0xC0  }
0xab: {  	_ =	task [dreg:s7], $0x5FFFF  }
0xac: {  	[dreg:$0x1] =	wrdreg $0xFFFFFFFF  }
0xad: {  	[dreg:$0x0] =	wrdreg $0x60  }
0xae: {  	[dreg:$0x2] =	wrdreg s24  }
0xaf: {  	[dreg:$0x3] =	wrdreg s2  }
0xb0: {  	[dreg:$0x4] =	wrdreg $0x8E000  }
0xb1: {  	[dreg:$0x5] =	wrdreg $0x9  }
0xb2: {  	_ =	task.clear_ibuf [dreg:s7], $0x6FFFF;
	_ =	strace $0x90000049  }
0xb3: {  	s29 =	simm.s32 $0x9;
	_ =	strace $0x8000004B  }
0xb4: {  	_ =	swait.ge [sflag:s29], $0x1  }
0xb5: {  	[sflag:s29] =	ssyncadd.s32 $0xFFFFFFFF  }
0xb6: {  	_ =	strace $0x9000004B  }
0xb7: {  	_ =	sfence  }
0xb8: {  	s30 =	sld [smem:$0x0];
	_ =	sdelay $0x2  }
0xb9: {  	s31 =	sshll.u32 s1, $0xD;
	s1 =	sshrl.u32 s1, $0x2  }
0xba: {  	s3 =	sand.u32 $0x4000, s31;
	s1 =	sadd.s32 s1, s30  }
0xbb: {  	s0 =	sor.u32 s3, s0;
	s1 =	sshll.u32 s1, $0x11  }
0xbc: {  	s0 =	sor.u32 s1, s0  }
0xbd: {  	s0 =	sadd.s32 $0x8F2B, s0  }
0xbe: {  	[sflag:s0] =	ssyncadd.remote.s32 $0x1  }
0xbf: {  	_ =	sfence.sel $0xFFFF  }
0xc0: {  	[dreg:$0x0] =	wrdreg $0xFFFFFFFF;
	(pc) =	sbr.abs _section_cstart, $3  }
0xc1: {  	[dreg:$0x1] =	wrdreg $0xFFFFFFFF  }
0xc2: {  	_ =	task.clear_ibuf [dreg:s7], $0x2FFFF;
	_ =	strace $0x9FFFFFFF  }
0xc3: {  	(tm) =	ssettm $0x7FFFFFFF  }
tec
execute0_lowered:
.L_overlay_start_1:
0x0: {  	(tag) =	ssettag $0x1  }
0x1: {  	s0 =	rddreg [dreg:$0x0]  }
0x2: {  	s2 =	rddreg [dreg:$0x2];
	s1 =	srdreg.scid;
	s4 =	simm.s32 $0x0  }
0x3: {  	s10 =	stileid.u32;
	s29 =	simm.s32 $0x7;
	s1 =	sand.u32 $0x1, s1  }
0x4: {  	[smem:$0x7FF] =	sst s4;
	s6 =	smul.u32 $0x14000, s10;
	s5 =	sadd.s32 $0x15A00, s0  }
0x5: {  	s7 =	sadd.s32 $0x2000, s0;
	s8 =	smul.u32 $0x50000, s10;
	s14 =	sshll.u32 s10, $0x6  }
0x6: {  	s3 =	smul.u32 $0x140000, s1;
	_ =	strace $0x8000004A;
	s12 =	sshll.u32 s1, $0x4  }
0x7: {  	s13 =	ssub.s32 $0x2, s1;
	s16 =	sor.u32 $0x1C10, s14;
	s1 =	smul.u32 $0x27100, s1  }
0x8: {  	s14 =	simm.s32 $0xF;
	s9 =	sshrl.u32 s13, $0x1;
	s8 =	sshrl.u32 s8, $0x2  }
0x9: {  	[dreg:$0x9] =	wrdreg s16;
	s3 =	sadd.s32 s6, s3;
	s6 =	sor.u32 s10, s12  }
0xa: {  	s8 =	sadd.s32 s8, s2;
	s10 =	smul.u32 $0x2710, s10;
	s3 =	sshrl.u32 s3, $0x3  }
0xb: {  	s6 =	smul.u32 $0x2710, s6;
	s0 =	sadd.s32 s3, s0;
	s3 =	ssub.s32 s13, s9  }
0xc: {  	s1 =	sadd.s32 s10, s1;
	s10 =	simm.s32 $0x8;
	s13 =	simm.s32 $0x9  }
0xd: {  	s15 =	sshrl.u32 s6, $0x3;
	s17 =	sadd.s32 $0x4E228, s6;
	s6 =	sadd.s32 $0x4E278, s6  }
0xe: {  	s19 =	sadd.s32 $0x4E368, s1;
	s21 =	sadd.s32 $0x4E340, s1;
	s0 =	sadd.s32 $0x3CC00, s0  }
0xf: {  	s25 =	sadd.s32 $0x4E318, s1;
	s3 =	smax.u32 s3, $0x1;
	[dreg:$0x10] =	wrdreg s0  }
0x10: {  	s28 =	sadd.s32 $0x4E2F0, s1;
	s11 =	sadd.s32 s7, s15;
	[dreg:$0x11] =	wrdreg s3  }
0x11: {  	s9 =	sshrl.u32 s17, $0x3;
	s12 =	sadd.s32 $0x9C40, s11;
	[dreg:$0xa] =	wrdreg s11  }
0x12: {  	s1 =	sadd.s32 $0x4E2C8, s1;
	s9 =	sadd.s32 s7, s9;
	[dreg:$0xb] =	wrdreg s12  }
0x13: {  	s6 =	sshrl.u32 s6, $0x3;
	s18 =	sadd.s32 $0x9C4A, s11;
	[dreg:$0xc] =	wrdreg s9  }
0x14: {  	s23 =	sshrl.u32 s21, $0x3;
	s6 =	sadd.s32 s7, s6;
	[dreg:$0xd] =	wrdreg s18  }
0x15: {  	s26 =	sshrl.u32 s25, $0x3;
	s20 =	sadd.s32 $0x9C54, s11;
	[dreg:$0xe] =	wrdreg s6  }
0x16: {  	s1 =	sshrl.u32 s1, $0x3;
	s24 =	sadd.s32 s23, s7;
	[dreg:$0xf] =	wrdreg s20  }
0x17: {  	s17 =	simm.s32 $0x28;
	s0 =	sadd.s32 s26, s7;
	[dreg:$0x5] =	wrdreg s24  }
0x18: {  	s25 =	simm.s32 $0x2;
	s31 =	sadd.s32 s1, s7;
	[dreg:$0x6] =	wrdreg s0  }
0x19: {  	s11 =	simm.s32 $0xE;
	s6 =	sshrl.u32 s19, $0x3;
	[dreg:$0x8] =	wrdreg s31  }
0x1a: {  	s18 =	sshrl.u32 s8, $0x3;
	s19 =	simm.s32 $0x10;
	s8 =	simm.s32 $0xD  }
0x1b: {  	s9 =	simm.s32 $0x3;
	s12 =	simm.s32 $0x4;
	s0 =	simm.s32 $0x0  }
0x1c: {  	s22 =	sadd.s32 s6, s7;
	s6 =	sshrl.u32 s28, $0x3;
	[dreg:$0x12] =	wrdreg s18  }
0x1d: {  	[dreg:$0x4] =	wrdreg s22;
	s30 =	sadd.s32 s6, s7;
	s22 =	simm.s32 $0xC  }
0x1e: {  	s7 =	simm.s32 $0x5;
	s6 =	simm.s32 $0xA;
	[dreg:$0x7] =	wrdreg s30  }
.LBB2_1:
0x1f: {  	[dreg:$0x13] =	wrdreg s0  }
0x20: {  	s15 =	rddreg [dreg:$0x1]  }
0x21: {  	[spmem:s18], [sflag:s16] =	dma.local [hbm:s15], $0x2800  }
0x22: {  	_ =	swait.ge [sflag:s19], $0x2800  }
0x23: {  	[sflag:s19] =	ssyncset.done $0x0  }
0x24: {  	s24 =	rddreg [dreg:$0xa];
	[sflag:s19] =	ssyncadd.s32 $0xFFFFD800  }
0x25: {  	[tilespmem:s4], [sflag:$0x10] =	stream.linear.gather [hbm4b:s24+s4], $0x2710, $0x38;
	[tilespmem:$0x1CE00] =	vst v63  }
0x26: {  	_ =	swait.ge [sflag:s19], $0x2710  }
0x27: {  	[sflag:s19] =	ssyncset.done $0x0  }
0x28: {  	[sflag:s19] =	ssyncadd.s32 $0xFFFFD8F0  }
0x29: {  	s18 =	simm.s32 $0x2A00;
	[bflag:$0x0] =	sbarrier.arrive $0xFFFF  }
0x2a: {  	[tilespmem:s18], [sflag:$0x1] =	stream.indirect.gather [hbm4b:s5+s17], $0x80, s4, s17, $0xb8;
	[tilespmem:$0x1CE00] =	vst v63  }
0x2b: {  	s19 =	simm.s32 $0x2780;
	s26 =	rddreg [dreg:$0xb]  }
0x2c: {  	[tilespmem:s19], [sflag:$0xB] =	stream.linear.gather [hbm4b:s26+s4], $0x28, $0x38;
	[tilespmem:$0x1CE00] =	vst v63  }
0x2d: {  	s20 =	simm.s32 $0x3E00  }
0x2e: {  	[tilespmem:s20], [sflag:$0x2] =	stream.indirect.gather [hbm4b:s5+s17], $0x80, s17, s17, $0xb8;
	[tilespmem:$0x1CE00] =	vst v63  }
0x2f: {  	s21 =	simm.s32 $0x2800;
	s28 =	rddreg [dreg:$0xc]  }
0x30: {  	[tilespmem:s21], [sflag:$0xC] =	stream.linear.gather [hbm4b:s28+s4], $0x28, $0x38;
	[tilespmem:$0x1CE00] =	vst v63  }
0x31: {  	s30 =	simm.s32 $0x50;
	s23 =	simm.s32 $0x5200  }
0x32: {  	[tilespmem:s23], [sflag:$0x3] =	stream.indirect.gather [hbm4b:s5+s17], $0x80, s30, s17, $0xb8;
	[tilespmem:$0x1CE00] =	vst v63  }
0x33: {  	s24 =	simm.s32 $0x2880;
	s31 =	rddreg [dreg:$0xd]  }
0x34: {  	[tilespmem:s24], [sflag:$0xD] =	stream.linear.gather [hbm4b:s31+s4], $0x28, $0x38;
	[tilespmem:$0x1CE00] =	vst v63  }
0x35: {  	s0 =	simm.s32 $0x78;
	s26 =	simm.s32 $0x6600  }
0x36: {  	[tilespmem:s26], [sflag:$0x4] =	stream.indirect.gather [hbm4b:s5+s17], $0x80, s0, s17, $0xb8;
	[tilespmem:$0x1CE00] =	vst v63  }
0x37: {  	s1 =	rddreg [dreg:$0xe];
	s0 =	simm.s32 $0x2900  }
0x38: {  	[tilespmem:s0], [sflag:$0xE] =	stream.linear.gather [hbm4b:s1+s4], $0x28, $0x38;
	[tilespmem:$0x1CE00] =	vst v63  }
0x39: {  	s3 =	simm.s32 $0xA0;
	s28 =	simm.s32 $0x7A00  }
0x3a: {  	[tilespmem:s28], [sflag:$0x5] =	stream.indirect.gather [hbm4b:s5+s17], $0x80, s3, s17, $0xb8;
	[tilespmem:$0x1CE00] =	vst v63  }
0x3b: {  	s15 =	simm.s32 $0xB;
	s1 =	simm.s32 $0x2980;
	s3 =	rddreg [dreg:$0xf]  }
0x3c: {  	[tilespmem:s1], [sflag:$0xF] =	stream.linear.gather [hbm4b:s3+s4], $0x28, $0x38;
	[tilespmem:$0x1CE00] =	vst v63  }
0x3d: {  	_ =	swait.ge [sflag:s15], $0x28  }
0x3e: {  	[sflag:s15] =	ssyncset.done $0x0  }
0x3f: {  	s16 =	simm.s32 $0x1;
	[sflag:s15] =	ssyncadd.s32 $0xFFFFFFD8  }
0x40: {  	_ =	swait.ge [sflag:s16], $0x1400  }
0x41: {  	[sflag:s16] =	ssyncset.done $0x0  }
0x42: {  	s30 =	simm.s32 $0x6;
	[sflag:s16] =	ssyncadd.s32 $0xFFFFEC00  }
0x43: {  	[spmem:s2] =	stream.indirect.scatter.add.f32 [tilespmem:s18], [sflag:$0x6], $0x80, s19, s17, $0xb8;
	[tilespmem:$0x1CE00] =	vst v63  }
0x44: {  	_ =	swait.ge [sflag:s30], $0x1400  }
0x45: {  	[sflag:s30] =	ssyncset.done $0x0  }
0x46: {  	s3 =	simm.s32 $0xC8;
	s31 =	rddreg [dreg:$0x8];
	[sflag:s30] =	ssyncadd.s32 $0xFFFFEC00  }
0x47: {  	[tilespmem:s18], [sflag:$0x1] =	stream.indirect.gather [hbm4b:s5+s17], $0x80, s3, s17, $0xb8;
	[tilespmem:$0x1CE00] =	vst v63  }
0x48: {  	s15 =	sadd.s32 $0x0, s31  }
0x49: {  	[tilespmem:s19], [sflag:$0xB] =	stream.linear.gather [hbm4b:s15+s4], $0x28, $0x38;
	[tilespmem:$0x1CE00] =	vst v63  }
0x4a: {  	_ =	swait.ge [sflag:s22], $0x28  }
0x4b: {  	[sflag:s22] =	ssyncset.done $0x0  }
0x4c: {  	[sflag:s22] =	ssyncadd.s32 $0xFFFFFFD8  }
0x4d: {  	_ =	swait.ge [sflag:s25], $0x1400  }
0x4e: {  	[sflag:s25] =	ssyncset.done $0x0  }
0x4f: {  	[sflag:s25] =	ssyncadd.s32 $0xFFFFEC00  }
0x50: {  	[spmem:s2] =	stream.indirect.scatter.add.f32 [tilespmem:s20], [sflag:$0x7], $0x80, s21, s17, $0xb8;
	[tilespmem:$0x1CE00] =	vst v63  }
0x51: {  	_ =	swait.ge [sflag:s29], $0x1400  }
0x52: {  	[sflag:s29] =	ssyncset.done $0x0  }
0x53: {  	s19 =	simm.s32 $0xF0;
	s18 =	rddreg [dreg:$0x7];
	[sflag:s29] =	ssyncadd.s32 $0xFFFFEC00  }
0x54: {  	[tilespmem:s20], [sflag:$0x2] =	stream.indirect.gather [hbm4b:s5+s17], $0x80, s19, s17, $0xb8;
	[tilespmem:$0x1CE00] =	vst v63  }
0x55: {  	s15 =	sadd.s32 $0x0, s18  }
0x56: {  	[tilespmem:s21], [sflag:$0xC] =	stream.linear.gather [hbm4b:s15+s4], $0x28, $0x38;
	[tilespmem:$0x1CE00] =	vst v63  }
0x57: {  	_ =	swait.ge [sflag:s8], $0x28  }
0x58: {  	[sflag:s8] =	ssyncset.done $0x0  }
0x59: {  	[sflag:s8] =	ssyncadd.s32 $0xFFFFFFD8  }
0x5a: {  	_ =	swait.ge [sflag:s9], $0x1400  }
0x5b: {  	[sflag:s9] =	ssyncset.done $0x0  }
0x5c: {  	[sflag:s9] =	ssyncadd.s32 $0xFFFFEC00  }
0x5d: {  	[spmem:s2] =	stream.indirect.scatter.add.f32 [tilespmem:s23], [sflag:$0x8], $0x80, s24, s17, $0xb8;
	[tilespmem:$0x1CE00] =	vst v63  }
0x5e: {  	_ =	swait.ge [sflag:s10], $0x1400  }
0x5f: {  	[sflag:s10] =	ssyncset.done $0x0  }
0x60: {  	s21 =	simm.s32 $0x118;
	s20 =	rddreg [dreg:$0x6];
	[sflag:s10] =	ssyncadd.s32 $0xFFFFEC00  }
0x61: {  	[tilespmem:s23], [sflag:$0x3] =	stream.indirect.gather [hbm4b:s5+s17], $0x80, s21, s17, $0xb8;
	[tilespmem:$0x1CE00] =	vst v63  }
0x62: {  	s15 =	sadd.s32 $0x0, s20  }
0x63: {  	[tilespmem:s24], [sflag:$0xD] =	stream.linear.gather [hbm4b:s15+s4], $0x28, $0x38;
	[tilespmem:$0x1CE00] =	vst v63  }
0x64: {  	_ =	swait.ge [sflag:s11], $0x28  }
0x65: {  	[sflag:s11] =	ssyncset.done $0x0  }
0x66: {  	[sflag:s11] =	ssyncadd.s32 $0xFFFFFFD8  }
0x67: {  	_ =	swait.ge [sflag:s12], $0x1400  }
0x68: {  	[sflag:s12] =	ssyncset.done $0x0  }
0x69: {  	[sflag:s12] =	ssyncadd.s32 $0xFFFFEC00  }
0x6a: {  	[spmem:s2] =	stream.indirect.scatter.add.f32 [tilespmem:s26], [sflag:$0x9], $0x80, s0, s17, $0xb8;
	[tilespmem:$0x1CE00] =	vst v63  }
0x6b: {  	_ =	swait.ge [sflag:s13], $0x1400  }
0x6c: {  	[sflag:s13] =	ssyncset.done $0x0  }
0x6d: {  	s24 =	simm.s32 $0x140;
	s23 =	rddreg [dreg:$0x5];
	[sflag:s13] =	ssyncadd.s32 $0xFFFFEC00  }
0x6e: {  	[tilespmem:s26], [sflag:$0x4] =	stream.indirect.gather [hbm4b:s5+s17], $0x80, s24, s17, $0xb8;
	[tilespmem:$0x1CE00] =	vst v63  }
0x6f: {  	s15 =	sadd.s32 $0x0, s23  }
0x70: {  	[tilespmem:s0], [sflag:$0xE] =	stream.linear.gather [hbm4b:s15+s4], $0x28, $0x38;
	[tilespmem:$0x1CE00] =	vst v63  }
0x71: {  	_ =	swait.ge [sflag:s14], $0x28  }
0x72: {  	[sflag:s14] =	ssyncset.done $0x0  }
0x73: {  	[sflag:s14] =	ssyncadd.s32 $0xFFFFFFD8  }
0x74: {  	_ =	swait.ge [sflag:s7], $0x1400  }
0x75: {  	[sflag:s7] =	ssyncset.done $0x0  }
0x76: {  	[sflag:s7] =	ssyncadd.s32 $0xFFFFEC00  }
0x77: {  	[spmem:s2] =	stream.indirect.scatter.add.f32 [tilespmem:s28], [sflag:$0xA], $0x80, s1, s17, $0xb8;
	[tilespmem:$0x1CE00] =	vst v63  }
0x78: {  	s16 =	simm.s32 $0x19;
	_ =	swait.ge [sflag:s6], $0x1400  }
0x79: {  	s30 =	simm.s32 $0x168;
	[sflag:s6] =	ssyncset.done $0x0;
	s31 =	rddreg [dreg:$0x4]  }
0x7a: {  	s15 =	simm.s32 $0x230;
	[sflag:s6] =	ssyncadd.s32 $0xFFFFEC00;
	s18 =	sadd.s32 $0x0, s31  }
0x7b: {  	[tilespmem:s28], [sflag:$0x5] =	stream.indirect.gather [hbm4b:s5+s17], $0x80, s30, s17, $0xb8;
	[tilespmem:$0x1CE00] =	vst v63  }
.LBB2_2:
0x7c: {  	s1 =	simm.s32 $0x2980;
	s0 =	simm.s32 $0xB  }
0x7d: {  	[tilespmem:s1], [sflag:$0xF] =	stream.linear.gather [hbm4b:s18+s4], $0x28, $0x38;
	[tilespmem:$0x1CE00] =	vst v63  }
0x7e: {  	_ =	swait.ge [sflag:s0], $0x28  }
0x7f: {  	[sflag:s0] =	ssyncset.done $0x0  }
0x80: {  	s24 =	simm.s32 $0x1;
	[sflag:s0] =	ssyncadd.s32 $0xFFFFFFD8  }
0x81: {  	_ =	swait.ge [sflag:s24], $0x1400  }
0x82: {  	s23 =	simm.s32 $0x2A00;
	[sflag:s24] =	ssyncset.done $0x0  }
0x83: {  	s26 =	simm.s32 $0x6;
	[sflag:s24] =	ssyncadd.s32 $0xFFFFEC00;
	s24 =	simm.s32 $0x2780  }
0x84: {  	[spmem:s2] =	stream.indirect.scatter.add.f32 [tilespmem:s23], [sflag:$0x6], $0x80, s24, s17, $0xb8;
	[tilespmem:$0x1CE00] =	vst v63  }
0x85: {  	_ =	swait.ge [sflag:s26], $0x1400  }
0x86: {  	s20 =	sadd.s32 $0xFFFFFF60, s15;
	[sflag:s26] =	ssyncset.done $0x0  }
0x87: {  	s18 =	smov.u32 s16;
	s19 =	rddreg [dreg:$0x8];
	[sflag:s26] =	ssyncadd.s32 $0xFFFFEC00  }
0x88: {  	[tilespmem:s23], [sflag:$0x1] =	stream.indirect.gather [hbm4b:s5+s17], $0x80, s20, s17, $0xb8;
	[tilespmem:$0x1CE00] =	vst v63  }
0x89: {  	s19 =	sadd.s32 s18, s19  }
0x8a: {  	[tilespmem:s24], [sflag:$0xB] =	stream.linear.gather [hbm4b:s19+s4], $0x28, $0x38;
	[tilespmem:$0x1CE00] =	vst v63  }
0x8b: {  	_ =	swait.ge [sflag:s22], $0x28  }
0x8c: {  	[sflag:s22] =	ssyncset.done $0x0  }
0x8d: {  	[sflag:s22] =	ssyncadd.s32 $0xFFFFFFD8  }
0x8e: {  	_ =	swait.ge [sflag:s25], $0x1400  }
0x8f: {  	[sflag:s25] =	ssyncset.done $0x0  }
0x90: {  	s28 =	simm.s32 $0x2800;
	s26 =	simm.s32 $0x3E00;
	[sflag:s25] =	ssyncadd.s32 $0xFFFFEC00  }
0x91: {  	[spmem:s2] =	stream.indirect.scatter.add.f32 [tilespmem:s26], [sflag:$0x7], $0x80, s28, s17, $0xb8;
	[tilespmem:$0x1CE00] =	vst v63  }
0x92: {  	_ =	swait.ge [sflag:s29], $0x1400  }
0x93: {  	[sflag:s29] =	ssyncset.done $0x0  }
0x94: {  	s3 =	sadd.s32 $0xFFFFFF88, s15;
	s0 =	rddreg [dreg:$0x7];
	[sflag:s29] =	ssyncadd.s32 $0xFFFFEC00  }
0x95: {  	[tilespmem:s26], [sflag:$0x2] =	stream.indirect.gather [hbm4b:s5+s17], $0x80, s3, s17, $0xb8;
	[tilespmem:$0x1CE00] =	vst v63  }
0x96: {  	s19 =	sadd.s32 s18, s0  }
0x97: {  	[tilespmem:s28], [sflag:$0xC] =	stream.linear.gather [hbm4b:s19+s4], $0x28, $0x38;
	[tilespmem:$0x1CE00] =	vst v63  }
0x98: {  	_ =	swait.ge [sflag:s8], $0x28  }
0x99: {  	[sflag:s8] =	ssyncset.done $0x0  }
0x9a: {  	[sflag:s8] =	ssyncadd.s32 $0xFFFFFFD8  }
0x9b: {  	_ =	swait.ge [sflag:s9], $0x1400  }
0x9c: {  	[sflag:s9] =	ssyncset.done $0x0  }
0x9d: {  	s30 =	simm.s32 $0x5200;
	s31 =	simm.s32 $0x2880;
	[sflag:s9] =	ssyncadd.s32 $0xFFFFEC00  }
0x9e: {  	[spmem:s2] =	stream.indirect.scatter.add.f32 [tilespmem:s30], [sflag:$0x8], $0x80, s31, s17, $0xb8;
	[tilespmem:$0x1CE00] =	vst v63  }
0x9f: {  	_ =	swait.ge [sflag:s10], $0x1400  }
0xa0: {  	[sflag:s10] =	ssyncset.done $0x0  }
0xa1: {  	s3 =	sadd.s32 $0xFFFFFFB0, s15;
	s0 =	rddreg [dreg:$0x6];
	[sflag:s10] =	ssyncadd.s32 $0xFFFFEC00  }
0xa2: {  	[tilespmem:s30], [sflag:$0x3] =	stream.indirect.gather [hbm4b:s5+s17], $0x80, s3, s17, $0xb8;
	[tilespmem:$0x1CE00] =	vst v63  }
0xa3: {  	s19 =	sadd.s32 s18, s0  }
0xa4: {  	[tilespmem:s31], [sflag:$0xD] =	stream.linear.gather [hbm4b:s19+s4], $0x28, $0x38;
	[tilespmem:$0x1CE00] =	vst v63  }
0xa5: {  	_ =	swait.ge [sflag:s11], $0x28  }
0xa6: {  	[sflag:s11] =	ssyncset.done $0x0  }
0xa7: {  	[sflag:s11] =	ssyncadd.s32 $0xFFFFFFD8  }
0xa8: {  	_ =	swait.ge [sflag:s12], $0x1400  }
0xa9: {  	[sflag:s12] =	ssyncset.done $0x0  }
0xaa: {  	s0 =	simm.s32 $0x6600;
	s3 =	simm.s32 $0x2900;
	[sflag:s12] =	ssyncadd.s32 $0xFFFFEC00  }
0xab: {  	[spmem:s2] =	stream.indirect.scatter.add.f32 [tilespmem:s0], [sflag:$0x9], $0x80, s3, s17, $0xb8;
	[tilespmem:$0x1CE00] =	vst v63  }
0xac: {  	_ =	swait.ge [sflag:s13], $0x1400  }
0xad: {  	[sflag:s13] =	ssyncset.done $0x0  }
0xae: {  	s20 =	sadd.s32 $0xFFFFFFD8, s15;
	s19 =	rddreg [dreg:$0x5];
	[sflag:s13] =	ssyncadd.s32 $0xFFFFEC00  }
0xaf: {  	[tilespmem:s0], [sflag:$0x4] =	stream.indirect.gather [hbm4b:s5+s17], $0x80, s20, s17, $0xb8;
	[tilespmem:$0x1CE00] =	vst v63  }
0xb0: {  	s19 =	sadd.s32 s18, s19  }
0xb1: {  	[tilespmem:s3], [sflag:$0xE] =	stream.linear.gather [hbm4b:s19+s4], $0x28, $0x38;
	[tilespmem:$0x1CE00] =	vst v63  }
0xb2: {  	_ =	swait.ge [sflag:s14], $0x28  }
0xb3: {  	[sflag:s14] =	ssyncset.done $0x0  }
0xb4: {  	p0 =	sne.s32 s16, $0x4B0;
	[sflag:s14] =	ssyncadd.s32 $0xFFFFFFD8  }
0xb5: {  	s21 =	simm.s32 $0x2A00;
	s16 =	sadd.s32 $0x19, s16;
	_ =	swait.ge [sflag:s7], $0x1400  }
0xb6: {  	s23 =	simm.s32 $0x2780;
	s24 =	simm.s32 $0x3E00;
	[sflag:s7] =	ssyncset.done $0x0  }
0xb7: {  	s26 =	simm.s32 $0x2800;
	s19 =	simm.s32 $0x7A00;
	[sflag:s7] =	ssyncadd.s32 $0xFFFFEC00  }
0xb8: {  	[spmem:s2] =	stream.indirect.scatter.add.f32 [tilespmem:s19], [sflag:$0xA], $0x80, s1, s17, $0xb8;
	[tilespmem:$0x1CE00] =	vst v63  }
.Ltmp0:
0xb9: {  	s28 =	simm.s32 $0x5200;
	_ =	swait.ge [sflag:s6], $0x1400;
	(pc) =	sbr.rel @p0 .LBB2_2-.Ltmp0, $4  }
0xba: {  	s30 =	simm.s32 $0x2880;
	s31 =	simm.s32 $0x6600;
	[sflag:s6] =	ssyncset.done $0x0  }
0xbb: {  	s0 =	simm.s32 $0x2900;
	s1 =	rddreg [dreg:$0x4];
	[sflag:s6] =	ssyncadd.s32 $0xFFFFEC00  }
0xbc: {  	[tilespmem:s19], [sflag:$0x5] =	stream.indirect.gather [hbm4b:s5+s17], $0x80, s15, s17, $0xb8;
	[tilespmem:$0x1CE00] =	vst v63  }
0xbd: {  	s3 =	simm.s32 $0x7A00;
	s18 =	sadd.s32 s18, s1;
	s15 =	sadd.s32 $0xC8, s15  }
0xbe: {  	s1 =	simm.s32 $0x2980;
	s15 =	simm.s32 $0xB  }
0xbf: {  	[tilespmem:s1], [sflag:$0xF] =	stream.linear.gather [hbm4b:s18+s4], $0x28, $0x38;
	[tilespmem:$0x1CE00] =	vst v63  }
0xc0: {  	_ =	swait.ge [sflag:s15], $0x28  }
0xc1: {  	[sflag:s15] =	ssyncset.done $0x0  }
0xc2: {  	s20 =	simm.s32 $0x1;
	[sflag:s15] =	ssyncadd.s32 $0xFFFFFFD8  }
0xc3: {  	_ =	swait.ge [sflag:s20], $0x1400  }
0xc4: {  	[sflag:s20] =	ssyncset.done $0x0  }
0xc5: {  	[sflag:s20] =	ssyncadd.s32 $0xFFFFEC00  }
0xc6: {  	[spmem:s2] =	stream.indirect.scatter.add.f32 [tilespmem:s21], [sflag:$0x6], $0x80, s23, s17, $0xb8;
	[tilespmem:$0x1CE00] =	vst v63  }
0xc7: {  	_ =	swait.ge [sflag:s22], $0x28  }
0xc8: {  	[sflag:s22] =	ssyncset.done $0x0  }
0xc9: {  	[sflag:s22] =	ssyncadd.s32 $0xFFFFFFD8  }
0xca: {  	_ =	swait.ge [sflag:s25], $0x1400  }
0xcb: {  	[sflag:s25] =	ssyncset.done $0x0  }
0xcc: {  	[sflag:s25] =	ssyncadd.s32 $0xFFFFEC00  }
0xcd: {  	[spmem:s2] =	stream.indirect.scatter.add.f32 [tilespmem:s24], [sflag:$0x7], $0x80, s26, s17, $0xb8;
	[tilespmem:$0x1CE00] =	vst v63  }
0xce: {  	_ =	swait.ge [sflag:s8], $0x28  }
0xcf: {  	[sflag:s8] =	ssyncset.done $0x0  }
0xd0: {  	[sflag:s8] =	ssyncadd.s32 $0xFFFFFFD8  }
0xd1: {  	_ =	swait.ge [sflag:s9], $0x1400  }
0xd2: {  	[sflag:s9] =	ssyncset.done $0x0  }
0xd3: {  	[sflag:s9] =	ssyncadd.s32 $0xFFFFEC00  }
0xd4: {  	[spmem:s2] =	stream.indirect.scatter.add.f32 [tilespmem:s28], [sflag:$0x8], $0x80, s30, s17, $0xb8;
	[tilespmem:$0x1CE00] =	vst v63  }
0xd5: {  	_ =	swait.ge [sflag:s11], $0x28  }
0xd6: {  	[sflag:s11] =	ssyncset.done $0x0  }
0xd7: {  	[sflag:s11] =	ssyncadd.s32 $0xFFFFFFD8  }
0xd8: {  	_ =	swait.ge [sflag:s12], $0x1400  }
0xd9: {  	[sflag:s12] =	ssyncset.done $0x0  }
0xda: {  	[sflag:s12] =	ssyncadd.s32 $0xFFFFEC00  }
0xdb: {  	[spmem:s2] =	stream.indirect.scatter.add.f32 [tilespmem:s31], [sflag:$0x9], $0x80, s0, s17, $0xb8;
	[tilespmem:$0x1CE00] =	vst v63  }
0xdc: {  	_ =	swait.ge [sflag:s14], $0x28  }
0xdd: {  	[sflag:s14] =	ssyncset.done $0x0  }
0xde: {  	[sflag:s14] =	ssyncadd.s32 $0xFFFFFFD8  }
0xdf: {  	_ =	swait.ge [sflag:s7], $0x1400  }
0xe0: {  	[sflag:s7] =	ssyncset.done $0x0  }
0xe1: {  	s26 =	simm.s32 $0x6;
	[sflag:s7] =	ssyncadd.s32 $0xFFFFEC00  }
0xe2: {  	[spmem:s2] =	stream.indirect.scatter.add.f32 [tilespmem:s3], [sflag:$0xA], $0x80, s1, s17, $0xb8;
	[tilespmem:$0x1CE00] =	vst v63  }
0xe3: {  	_ =	swait.ge [sflag:s26], $0x1400  }
0xe4: {  	[sflag:s26] =	ssyncset.done $0x0  }
0xe5: {  	[sflag:s26] =	ssyncadd.s32 $0xFFFFEC00  }
0xe6: {  	_ =	swait.ge [sflag:s29], $0x1400  }
0xe7: {  	[sflag:s29] =	ssyncset.done $0x0  }
0xe8: {  	[sflag:s29] =	ssyncadd.s32 $0xFFFFEC00  }
0xe9: {  	_ =	swait.ge [sflag:s10], $0x1400  }
0xea: {  	[sflag:s10] =	ssyncset.done $0x0  }
0xeb: {  	[sflag:s10] =	ssyncadd.s32 $0xFFFFEC00  }
0xec: {  	_ =	swait.ge [sflag:s13], $0x1400  }
0xed: {  	[sflag:s13] =	ssyncset.done $0x0  }
0xee: {  	[sflag:s13] =	ssyncadd.s32 $0xFFFFEC00  }
0xef: {  	_ =	swait.ge [sflag:s6], $0x1400  }
0xf0: {  	[sflag:s6] =	ssyncset.done $0x0  }
0xf1: {  	[sflag:s6] =	ssyncadd.s32 $0xFFFFEC00  }
0xf2: {  	[bflag:$0x0] =	sbarrier.arrive $0xFFFF  }
0xf3: {  	s16 =	rddreg [dreg:$0x9]  }
0xf4: {  	s28 =	rddreg [dreg:$0x10]  }
0xf5: {  	s19 =	simm.s32 $0x10;
	s18 =	rddreg [dreg:$0x12]  }
0xf6: {  	[hbm:s28], [sflag:s16] =	dma.local [spmem:s18], $0x2800  }
0xf7: {  	_ =	swait.ge [sflag:s19], $0x2800  }
0xf8: {  	s30 =	rddreg [dreg:$0x13]  }
0xf9: {  	s31 =	rddreg [dreg:$0x11];
	s0 =	sadd.s32 $0x1, s30  }
0xfa: {  	p0 =	sne.s32 s0, s31  }
.Ltmp1:
0xfb: {  	_ = 	snop;
	(pc) =	sbr.rel @p0 .LBB2_1-.Ltmp1, $3  }
0xfc: {  	_ =	sdelay $0x1  }
0xfd: {  	[sflag:s19] =	ssyncset.done $0x0  }
0xfe: {  	[sflag:s19] =	ssyncadd.s32 $0xFFFFD800  }
0xff: {  	_ =	sfence.sel $0x180000  }
0x100: {  	[bflag:$0x0] =	sbarrier.arrive $0xFFFF  }
0x101: {  	_ =	strace $0x9000004A  }
0x102: {  	s0 =	stileid.u32;
	[bflag:$0x2] =	sbarrier.arrive $0xFFFF  }
0x103: {  	p0 =	sne.s32 s0, $0x0;
	s0 =	rddreg [dreg:$0x3]  }
0x104: {  	s0 =	sadd.s32 @!p0 $0x100000, s0  }
0x105: {  	[sflag:s0] =	ssyncadd.tile.s32 @!p0 $0x1;
	_ =	shalt  }
.Lfunc_end2:
_tile_overlayer_lowered:
.L_overlay_start_2:
0x106: {  	(tag) =	ssettag $0x2  }
0x107: {  	s0 =	rddreg [dreg:$0x0];
	s2 =	stileid.u32  }
0x108: {  	s1 =	rddreg [dreg:$0x1];
	p0 =	sne.s32 s2, $0x0  }
0x109: {  	s3 =	rddreg [dreg:$0x2];
	[bflag:$0x3] =	sbarrier.arrive $0xFFFF;
	s2 =	simm.s32 @!p0 $0x1C10  }
0x10a: {  	[timem:s3], [sflag:s2] =	dma.local @!p0 [hbm:s0], s1  }
0x10b: {  	s0 =	simm.s32 @!p0 $0x10  }
0x10c: {  	_ =	swait.ge @!p0 [sflag:s0], s1  }
0x10d: {  	s1 =	ssub.s32 @!p0 $0x0, s1;
	[sflag:s0] =	ssyncset.done @!p0 $0x0  }
0x10e: {  	[sflag:s0] =	ssyncadd.s32 @!p0 s1  }
0x10f: {  	[bflag:$0x3] =	sbarrier.arrive $0xFFFF  }
0x110: {  	_ =	shalt  }

</sc_bundles>
